<compile_context>
chip_gen: v7x
topology: tpu7x:2x2x1
jax: 0.10.2.dev20260603
libtpu: 0.0.44.dev20260713+nightly
codegen_flags: <defaults>
</compile_context>

<pallas_src>
import jax
import jax.numpy as jnp
import numpy as np
from jax.experimental import pallas as pl
from jax.experimental.pallas import tpu as pltpu

BS_ = 4096
D_ = 128
NUM_CLS_ = 1024
K_ = 10
MARGIN_ = 0.1
RB_ = 256
NB_ = BS_ // RB_
TOPK_ = K_ + 1
WIN_ = 512
LMAX_ = WIN_ - RB_ - 127


def _w_of_pos(p):
    return 1.0 / float(np.log2(p + 1.0)) + 1.0


def _sim_block(x, y, sq_c, sq_r):
    g = jax.lax.dot_general(
        x, y, (((1,), (1,)), ((), ())),
        preferred_element_type=jnp.float32)
    d2 = jnp.maximum(sq_c + sq_r - 2.0 * g, 0.0)
    return jnp.sqrt(d2 + 1e-12)


def _pos_term_static(sim_hat, ks):
    neg_inf = jnp.float32(-jnp.inf)
    work = sim_hat
    acc = jnp.zeros((RB_, 1), jnp.float32)
    for p in range(1, TOPK_ + 1):
        m = jnp.max(work, axis=1, keepdims=True)
        work = jnp.where(work == m, neg_inf, work)
        acc += jnp.where(float(p) <= ks, m * _w_of_pos(p), 0.0)
    return acc


def _neg_term_static(workm, sim_hat, ks):
    neg_inf = jnp.float32(-jnp.inf)
    acc = jnp.zeros((RB_, 1), jnp.float32)
    for q in range(TOPK_):
        v = jnp.max(workm, axis=1, keepdims=True)
        workm = jnp.where(workm == v, neg_inf, workm)
        cnt_gt = jnp.sum((sim_hat > v).astype(jnp.float32), axis=1,
                         keepdims=True)
        w = 1.0 / jnp.log2(2.0 + cnt_gt) + 1.0
        acc += jnp.where(float(q) < ks, v * w, 0.0)
    return acc


def _accum_out(i, blk, out_ref):
    @pl.when(i == 0)
    def _():
        out_ref[...] = blk

    @pl.when(i > 0)
    def _():
        out_ref[...] += blk


def _full_kernel(xblk_ref, lab_col_ref, sq_col_ref, yall_ref, lab_row_ref,
                 sq_row_ref, out_ref):
    i = pl.program_id(0)
    dist = _sim_block(xblk_ref[...], yall_ref[...], sq_col_ref[...],
                      sq_row_ref[...])
    match = lab_col_ref[...] == lab_row_ref[...]
    sim_hat = jnp.where(match, -dist, MARGIN_ - dist)

    pos_num = jnp.sum(match.astype(jnp.float32), axis=1, keepdims=True)
    ks = jnp.minimum(pos_num, float(TOPK_))

    workm = jnp.where(match, sim_hat, jnp.float32(-jnp.inf))
    blk = jnp.sum(_pos_term_static(sim_hat, ks)
                  - _neg_term_static(workm, sim_hat, ks)).reshape(1, 1)
    _accum_out(i, blk, out_ref)


def _band_kernel(xblk_ref, lab_col_ref, sq_col_ref, pos_ref, yall_ref,
                 lab_row_ref, sq_row_ref, ywin_ref, lab_win_ref, sq_win_ref,
                 out_ref, work_ref, workm_ref, acc_ref):
    i = pl.program_id(0)
    x = xblk_ref[...]
    lab_c = lab_col_ref[...]
    sq_c = sq_col_ref[...]
    dist = _sim_block(x, yall_ref[...], sq_c, sq_row_ref[...])
    match = lab_c == lab_row_ref[...]
    sim_hat = jnp.where(match, -dist, MARGIN_ - dist)

    ks = jnp.minimum(pos_ref[...], float(TOPK_))
    mk = jnp.max(ks).astype(jnp.int32)

    distw = _sim_block(x, ywin_ref[0], sq_c, sq_win_ref[0])

    neg_inf = jnp.float32(-jnp.inf)
    work_ref[...] = sim_hat
    workm_ref[...] = jnp.where(lab_c == lab_win_ref[0], -distw, neg_inf)
    acc_ref[...] = jnp.zeros((RB_, 1), jnp.float32)

    for t in range(TOPK_):
        @pl.when(mk >= t + 1)
        def _():
            p = t + 1
            work = work_ref[...]
            m = jnp.max(work, axis=1, keepdims=True)
            work_ref[...] = jnp.where(work == m, neg_inf, work)

            workm = workm_ref[...]
            v = jnp.max(workm, axis=1, keepdims=True)
            workm_ref[...] = jnp.where(workm == v, neg_inf, workm)
            cnt_gt = jnp.sum((sim_hat > v).astype(jnp.float32), axis=1,
                             keepdims=True)
            w = 1.0 / jnp.log2(2.0 + cnt_gt) + 1.0

            acc_ref[...] += (jnp.where(float(p) <= ks, m * _w_of_pos(p), 0.0)
                             - jnp.where(float(t) < ks, v * w, 0.0))

    blk = jnp.sum(acc_ref[...]).reshape(1, 1)
    _accum_out(i, blk, out_ref)


def _run_full(x, lab_col, sq_col, lab_row, sq_row, pos_col):
    del pos_col
    return pl.pallas_call(
        _full_kernel,
        grid=(NB_,),
        in_specs=[
            pl.BlockSpec((RB_, D_), lambda i: (i, 0)),
            pl.BlockSpec((RB_, 1), lambda i: (i, 0)),
            pl.BlockSpec((RB_, 1), lambda i: (i, 0)),
            pl.BlockSpec((BS_, D_), lambda i: (0, 0)),
            pl.BlockSpec((1, BS_), lambda i: (0, 0)),
            pl.BlockSpec((1, BS_), lambda i: (0, 0)),
        ],
        out_specs=pl.BlockSpec((1, 1), lambda i: (0, 0)),
        out_shape=jax.ShapeDtypeStruct((1, 1), jnp.float32),
    )(x, lab_col, sq_col, x, lab_row, sq_row)


def _run_band(x, lab_col, sq_col, lab_row, sq_row, pos_col):
    starts = [min(max(i * RB_ - 128, 0), BS_ - WIN_) for i in range(NB_)]
    ywin = jnp.stack([jax.lax.slice(x, (s, 0), (s + WIN_, D_))
                      for s in starts])
    labw = jnp.stack([jax.lax.slice(lab_row, (0, s), (1, s + WIN_))
                      for s in starts])
    sqw = jnp.stack([jax.lax.slice(sq_row, (0, s), (1, s + WIN_))
                     for s in starts])
    return pl.pallas_call(
        _band_kernel,
        grid=(NB_,),
        in_specs=[
            pl.BlockSpec((RB_, D_), lambda i: (i, 0)),
            pl.BlockSpec((RB_, 1), lambda i: (i, 0)),
            pl.BlockSpec((RB_, 1), lambda i: (i, 0)),
            pl.BlockSpec((RB_, 1), lambda i: (i, 0)),
            pl.BlockSpec((BS_, D_), lambda i: (0, 0)),
            pl.BlockSpec((1, BS_), lambda i: (0, 0)),
            pl.BlockSpec((1, BS_), lambda i: (0, 0)),
            pl.BlockSpec((1, WIN_, D_), lambda i: (i, 0, 0)),
            pl.BlockSpec((1, 1, WIN_), lambda i: (i, 0, 0)),
            pl.BlockSpec((1, 1, WIN_), lambda i: (i, 0, 0)),
        ],
        out_specs=pl.BlockSpec((1, 1), lambda i: (0, 0)),
        out_shape=jax.ShapeDtypeStruct((1, 1), jnp.float32),
        scratch_shapes=[
            pltpu.VMEM((RB_, BS_), jnp.float32),
            pltpu.VMEM((RB_, WIN_), jnp.float32),
            pltpu.VMEM((RB_, 1), jnp.float32),
        ],
    )(x, lab_col, sq_col, pos_col, x, lab_row, sq_row, ywin, labw, sqw)


@jax.jit
def kernel(batch_reprs, batch_labels):
    counts = jnp.bincount(batch_labels, length=NUM_CLS_)
    pos_all = counts[batch_labels].astype(jnp.int32)
    order = jnp.argsort((BS_ - pos_all) * NUM_CLS_ + batch_labels)
    labs = batch_labels[order]
    x = batch_reprs[order]
    pos_num = pos_all[order].astype(jnp.float32)
    l_max = jnp.max(counts)

    sq = jnp.sum(x * x, axis=1)
    args = (x, labs.reshape(BS_, 1), sq.reshape(BS_, 1),
            labs.reshape(1, BS_), sq.reshape(1, BS_),
            pos_num.reshape(BS_, 1))
    out = jax.lax.cond(l_max <= LMAX_, _run_band, _run_full, *args)
    return out[0, 0]

# --- scband reference (transcript-rebuilt; emitter-appended) ---
"""Pipeline reference for scband-rank-aware-swap-precision-3135326126283 (READ-ONLY COPY).

The authoritative reference and input builder live on the scoring server;
editing this copy changes nothing except your own understanding.
"""

import jax, jax.numpy as jnp
import numpy as np

BS = 4096
D = 128
NUM_CLS = 1024
K = 10
MARGIN = 0.1


def setup_inputs(seed: int = 0) -> dict:
    key = jax.random.key(seed)
    k1, k2 = jax.random.split(key)
    batch_reprs = jax.random.normal(k1, (BS, D), dtype=jnp.float32)
    batch_labels = jax.random.randint(k2, (BS,), 0, NUM_CLS, dtype=jnp.int32)
    return {"batch_reprs": batch_reprs, "batch_labels": batch_labels}


def _rank_aware_swap_precision(reprs, labels):
    # get_pairwise_stds: class-match matrix
    match = (labels[:, None] == labels[None, :]).astype(jnp.float32)
    # dist(batch_reprs, squared=False) -> sim = -dist
    sq = jnp.sum(reprs * reprs, axis=1)
    d2 = sq[:, None] + sq[None, :] - 2.0 * (reprs @ reprs.T)
    d2 = jnp.maximum(d2, 0.0)
    dist = jnp.sqrt(d2 + 1e-12)
    sim = -dist
    # margin-augmented similarity
    sim_hat = sim + (1.0 - match) * MARGIN
    # rank positions (1-based) via double argsort, descending similarity
    orgp_indice = jnp.argsort(-sim_hat, axis=1)
    desc_indice = jnp.argsort(orgp_indice, axis=1)
    rank = desc_indice.astype(jnp.float32) + 1.0
    pos_nums = jnp.sum(match, axis=1)
    ks = jnp.minimum(pos_nums, float(K + 1))
    k_mat = ks[:, None]
    fp_mask = (match < 1.0) & (rank <= k_mat)
    fp_num = jnp.sum(fp_mask.astype(jnp.float32), axis=1)
    fn_mask = (match > 0.0) & (rank > k_mat)
    w = 1.0 / jnp.log2(rank + 1.0) + 1.0
    # false-positive contribution (rows with fp_num==0 contribute 0 automatically)
    fp_term = jnp.sum(jnp.where(fp_mask, sim_hat * w, 0.0), axis=1)
    # top-fp_num false negatives by sim_hat (vectorized equivalent of per-row torch.topk)
    masked = jnp.where(fn_mask, sim_hat, -jnp.inf)
    order = jnp.argsort(-masked, axis=1)
    sorted_sim = jnp.take_along_axis(sim_hat, order, axis=1)
    sorted_w = jnp.take_along_axis(w, order, axis=1)
    sel = jnp.arange(masked.shape[1])[None, :].astype(jnp.float32) < fp_num[:, None]
    fn_term = jnp.sum(jnp.where(sel, sorted_sim * sorted_w, 0.0), axis=1)
    return jnp.sum(fp_term - fn_term)


def reference(batch_reprs, batch_labels):
    return _rank_aware_swap_precision(batch_reprs, batch_labels)

if __name__ == "__main__":
    import jax
    _d = setup_inputs()
    print(jax.jit(kernel)(*tuple(_d.values())))

</pallas_src>

<mosaic_0001>
module attributes {stable_mosaic.version = 14 : i64} {
  func.func @_full_kernel(%arg0: i32, %arg1: memref<256x128xf32, #tpu.memory_space<vmem>>, %arg2: memref<256x1xi32, #tpu.memory_space<vmem>>, %arg3: memref<256x1xf32, #tpu.memory_space<vmem>>, %arg4: memref<4096x128xf32, #tpu.memory_space<vmem>>, %arg5: memref<1x4096xi32, #tpu.memory_space<vmem>>, %arg6: memref<1x4096xf32, #tpu.memory_space<vmem>>, %arg7: memref<1x1xf32, #tpu.memory_space<vmem>>) attributes {dimension_semantics = [#tpu.dimension_semantics<arbitrary>], iteration_bounds = array<i64: 16>, scalar_prefetch = 0 : i64, scratch_operands = 0 : i64, tpu.core_type = #tpu.core_type<tc>, window_params = [{transform_indices = @transform_0, window_bounds = array<i64: 256, 128>}, {transform_indices = @transform_1, window_bounds = array<i64: 256, 1>}, {transform_indices = @transform_2, window_bounds = array<i64: 256, 1>}, {pipeline_mode = #tpu.pipeline_mode<synchronous>, transform_indices = @transform_3, window_bounds = array<i64: 4096, 128>}, {pipeline_mode = #tpu.pipeline_mode<synchronous>, transform_indices = @transform_4, window_bounds = array<i64: 1, 4096>}, {pipeline_mode = #tpu.pipeline_mode<synchronous>, transform_indices = @transform_5, window_bounds = array<i64: 1, 4096>}, {pipeline_mode = #tpu.pipeline_mode<synchronous>, transform_indices = @transform_6, window_bounds = array<i64: 1, 1>}]} {
    %get3A = arith.constant 0 : index
    %get3A_0 = arith.constant 0 : index
    %get3A_1 = vector.load %arg1[%get3A, %get3A_0] : memref<256x128xf32, #tpu.memory_space<vmem>>, vector<256x128xf32>
    %get3A_2 = arith.constant 0 : index
    %get3A_3 = arith.constant 0 : index
    %get3A_4 = vector.load %arg4[%get3A_2, %get3A_3] : memref<4096x128xf32, #tpu.memory_space<vmem>>, vector<4096x128xf32>
    %get3A_5 = arith.constant 0 : index
    %get3A_6 = arith.constant 0 : index
    %get3A_7 = vector.load %arg3[%get3A_5, %get3A_6] : memref<256x1xf32, #tpu.memory_space<vmem>>, vector<256x1xf32>
    %get3A_8 = arith.constant 0 : index
    %get3A_9 = arith.constant 0 : index
    %get3A_10 = vector.load %arg6[%get3A_8, %get3A_9] : memref<1x4096xf32, #tpu.memory_space<vmem>>, vector<1x4096xf32>
    %dot_general3A = arith.constant dense<0.000000e+00> : vector<256x4096xf32>
    %dot_general3A_11 = tpu.matmul %get3A_1, %get3A_4, %dot_general3A {dimension_numbers = #tpu.dot_dimension_numbers<[1], [1], [0], [0], [0, 0, 1, 0], [], []>, transpose_lhs_hint = false} : vector<256x128xf32>, vector<4096x128xf32>, vector<256x4096xf32> -> vector<256x4096xf32>
    %add3A = vector.broadcast %get3A_7 : vector<256x1xf32> to vector<256x4096xf32>
    %add3A_12 = vector.broadcast %get3A_10 : vector<1x4096xf32> to vector<256x4096xf32>
    %add3A_13 = arith.addf %add3A, %add3A_12 : vector<256x4096xf32>
    %mul3A = arith.constant 2.000000e+00 : f32
    %mul3A_14 = vector.broadcast %mul3A : f32 to vector<256x4096xf32>
    %mul3A_15 = arith.mulf %mul3A_14, %dot_general3A_11 : vector<256x4096xf32>
    %sub3A = arith.subf %add3A_13, %mul3A_15 : vector<256x4096xf32>
    %max3A = arith.constant 0.000000e+00 : f32
    %max3A_16 = vector.broadcast %max3A : f32 to vector<256x4096xf32>
    %max3A_17 = arith.maximumf %sub3A, %max3A_16 : vector<256x4096xf32>
    %add3A_18 = arith.constant 9.99999996E-13 : f32
    %add3A_19 = vector.broadcast %add3A_18 : f32 to vector<256x4096xf32>
    %add3A_20 = arith.addf %max3A_17, %add3A_19 : vector<256x4096xf32>
    %sqrt3A = math.sqrt %add3A_20 : vector<256x4096xf32>
    %get3A_21 = arith.constant 0 : index
    %get3A_22 = arith.constant 0 : index
    %get3A_23 = vector.load %arg2[%get3A_21, %get3A_22] : memref<256x1xi32, #tpu.memory_space<vmem>>, vector<256x1xi32>
    %get3A_24 = arith.constant 0 : index
    %get3A_25 = arith.constant 0 : index
    %get3A_26 = vector.load %arg5[%get3A_24, %get3A_25] : memref<1x4096xi32, #tpu.memory_space<vmem>>, vector<1x4096xi32>
    %eq3A = vector.broadcast %get3A_23 : vector<256x1xi32> to vector<256x4096xi32>
    %eq3A_27 = vector.broadcast %get3A_26 : vector<1x4096xi32> to vector<256x4096xi32>
    %eq3A_28 = arith.cmpi eq, %eq3A, %eq3A_27 : vector<256x4096xi32>
    %neg3A = arith.constant 0.000000e+00 : f32
    %neg3A_29 = vector.broadcast %neg3A : f32 to vector<256x4096xf32>
    %neg3A_30 = arith.subf %neg3A_29, %sqrt3A : vector<256x4096xf32>
    %sub3A_31 = arith.constant 1.000000e-01 : f32
    %sub3A_32 = vector.broadcast %sub3A_31 : f32 to vector<256x4096xf32>
    %sub3A_33 = arith.subf %sub3A_32, %sqrt3A : vector<256x4096xf32>
    %select_n3A = arith.select %eq3A_28, %neg3A_30, %sub3A_33 : vector<256x4096xi1>, vector<256x4096xf32>
    %convert_element_type3A = arith.extui %eq3A_28 : vector<256x4096xi1> to vector<256x4096xi32>
    %convert_element_type3A_34 = arith.sitofp %convert_element_type3A : vector<256x4096xi32> to vector<256x4096xf32>
    %reduce_sum3A = arith.constant dense<0.000000e+00> : vector<256xf32>
    %reduce_sum3A_35 = vector.multi_reduction <add>, %convert_element_type3A_34, %reduce_sum3A [1] : vector<256x4096xf32> to vector<256xf32>
    %broadcast_in_dim3A = vector.shape_cast %reduce_sum3A_35 : vector<256xf32> to vector<256x1xf32>
    %min3A = arith.constant 1.100000e+01 : f32
    %min3A_36 = vector.broadcast %min3A : f32 to vector<256x1xf32>
    %min3A_37 = arith.minimumf %broadcast_in_dim3A, %min3A_36 : vector<256x1xf32>
    %jit3A = arith.constant 0xFF800000 : f32
    %broadcast_in_dim3A_38 = vector.broadcast %jit3A : f32 to vector<256x4096xf32>
    %select_n3A_39 = arith.select %eq3A_28, %select_n3A, %broadcast_in_dim3A_38 : vector<256x4096xi1>, vector<256x4096xf32>
    %broadcast_in_dim3A_40 = arith.constant 0.000000e+00 : f32
    %broadcast_in_dim3A_41 = vector.broadcast %broadcast_in_dim3A_40 : f32 to vector<256x1xf32>
    %reduce_max3A = arith.constant dense<0xFF800000> : vector<256xf32>
    %reduce_max3A_42 = vector.multi_reduction <maximumf>, %select_n3A, %reduce_max3A [1] : vector<256x4096xf32> to vector<256xf32>
    %broadcast_in_dim3A_43 = vector.shape_cast %reduce_max3A_42 : vector<256xf32> to vector<256x1xf32>
    %eq3A_44 = vector.broadcast %broadcast_in_dim3A_43 : vector<256x1xf32> to vector<256x4096xf32>
    %eq3A_45 = arith.cmpf oeq, %select_n3A, %eq3A_44 : vector<256x4096xf32>
    %jit3A_46 = arith.constant 0xFF800000 : f32
    %broadcast_in_dim3A_47 = vector.broadcast %jit3A_46 : f32 to vector<256x4096xf32>
    %select_n3A_48 = arith.select %eq3A_45, %broadcast_in_dim3A_47, %select_n3A : vector<256x4096xi1>, vector<256x4096xf32>
    %ge3A = arith.constant 1.000000e+00 : f32
    %ge3A_49 = vector.broadcast %ge3A : f32 to vector<256x1xf32>
    %ge3A_50 = arith.cmpf oge, %min3A_37, %ge3A_49 : vector<256x1xf32>
    %mul3A_51 = arith.constant 2.000000e+00 : f32
    %mul3A_52 = vector.broadcast %mul3A_51 : f32 to vector<256x1xf32>
    %mul3A_53 = arith.mulf %broadcast_in_dim3A_43, %mul3A_52 : vector<256x1xf32>
    %jit3A_54 = arith.constant 0.000000e+00 : f32
    %broadcast_in_dim3A_55 = vector.broadcast %jit3A_54 : f32 to vector<256x1xf32>
    %select_n3A_56 = arith.select %ge3A_50, %mul3A_53, %broadcast_in_dim3A_55 : vector<256x1xi1>, vector<256x1xf32>
    %add3A_57 = arith.addf %broadcast_in_dim3A_41, %select_n3A_56 : vector<256x1xf32>
    %reduce_max3A_58 = arith.constant dense<0xFF800000> : vector<256xf32>
    %reduce_max3A_59 = vector.multi_reduction <maximumf>, %select_n3A_48, %reduce_max3A_58 [1] : vector<256x4096xf32> to vector<256xf32>
    %broadcast_in_dim3A_60 = vector.shape_cast %reduce_max3A_59 : vector<256xf32> to vector<256x1xf32>
    %eq3A_61 = vector.broadcast %broadcast_in_dim3A_60 : vector<256x1xf32> to vector<256x4096xf32>
    %eq3A_62 = arith.cmpf oeq, %select_n3A_48, %eq3A_61 : vector<256x4096xf32>
    %jit3A_63 = arith.constant 0xFF800000 : f32
    %broadcast_in_dim3A_64 = vector.broadcast %jit3A_63 : f32 to vector<256x4096xf32>
    %select_n3A_65 = arith.select %eq3A_62, %broadcast_in_dim3A_64, %select_n3A_48 : vector<256x4096xi1>, vector<256x4096xf32>
    %ge3A_66 = arith.constant 2.000000e+00 : f32
    %ge3A_67 = vector.broadcast %ge3A_66 : f32 to vector<256x1xf32>
    %ge3A_68 = arith.cmpf oge, %min3A_37, %ge3A_67 : vector<256x1xf32>
    %mul3A_69 = arith.constant 1.63092971 : f32
    %mul3A_70 = vector.broadcast %mul3A_69 : f32 to vector<256x1xf32>
    %mul3A_71 = arith.mulf %broadcast_in_dim3A_60, %mul3A_70 : vector<256x1xf32>
    %jit3A_72 = arith.constant 0.000000e+00 : f32
    %broadcast_in_dim3A_73 = vector.broadcast %jit3A_72 : f32 to vector<256x1xf32>
    %select_n3A_74 = arith.select %ge3A_68, %mul3A_71, %broadcast_in_dim3A_73 : vector<256x1xi1>, vector<256x1xf32>
    %add3A_75 = arith.addf %add3A_57, %select_n3A_74 : vector<256x1xf32>
    %reduce_max3A_76 = arith.constant dense<0xFF800000> : vector<256xf32>
    %reduce_max3A_77 = vector.multi_reduction <maximumf>, %select_n3A_65, %reduce_max3A_76 [1] : vector<256x4096xf32> to vector<256xf32>
    %broadcast_in_dim3A_78 = vector.shape_cast %reduce_max3A_77 : vector<256xf32> to vector<256x1xf32>
    %eq3A_79 = vector.broadcast %broadcast_in_dim3A_78 : vector<256x1xf32> to vector<256x4096xf32>
    %eq3A_80 = arith.cmpf oeq, %select_n3A_65, %eq3A_79 : vector<256x4096xf32>
    %jit3A_81 = arith.constant 0xFF800000 : f32
    %broadcast_in_dim3A_82 = vector.broadcast %jit3A_81 : f32 to vector<256x4096xf32>
    %select_n3A_83 = arith.select %eq3A_80, %broadcast_in_dim3A_82, %select_n3A_65 : vector<256x4096xi1>, vector<256x4096xf32>
    %ge3A_84 = arith.constant 3.000000e+00 : f32
    %ge3A_85 = vector.broadcast %ge3A_84 : f32 to vector<256x1xf32>
    %ge3A_86 = arith.cmpf oge, %min3A_37, %ge3A_85 : vector<256x1xf32>
    %mul3A_87 = arith.constant 1.500000e+00 : f32
    %mul3A_88 = vector.broadcast %mul3A_87 : f32 to vector<256x1xf32>
    %mul3A_89 = arith.mulf %broadcast_in_dim3A_78, %mul3A_88 : vector<256x1xf32>
    %jit3A_90 = arith.constant 0.000000e+00 : f32
    %broadcast_in_dim3A_91 = vector.broadcast %jit3A_90 : f32 to vector<256x1xf32>
    %select_n3A_92 = arith.select %ge3A_86, %mul3A_89, %broadcast_in_dim3A_91 : vector<256x1xi1>, vector<256x1xf32>
    %add3A_93 = arith.addf %add3A_75, %select_n3A_92 : vector<256x1xf32>
    %reduce_max3A_94 = arith.constant dense<0xFF800000> : vector<256xf32>
    %reduce_max3A_95 = vector.multi_reduction <maximumf>, %select_n3A_83, %reduce_max3A_94 [1] : vector<256x4096xf32> to vector<256xf32>
    %broadcast_in_dim3A_96 = vector.shape_cast %reduce_max3A_95 : vector<256xf32> to vector<256x1xf32>
    %eq3A_97 = vector.broadcast %broadcast_in_dim3A_96 : vector<256x1xf32> to vector<256x4096xf32>
    %eq3A_98 = arith.cmpf oeq, %select_n3A_83, %eq3A_97 : vector<256x4096xf32>
    %jit3A_99 = arith.constant 0xFF800000 : f32
    %broadcast_in_dim3A_100 = vector.broadcast %jit3A_99 : f32 to vector<256x4096xf32>
    %select_n3A_101 = arith.select %eq3A_98, %broadcast_in_dim3A_100, %select_n3A_83 : vector<256x4096xi1>, vector<256x4096xf32>
    %ge3A_102 = arith.constant 4.000000e+00 : f32
    %ge3A_103 = vector.broadcast %ge3A_102 : f32 to vector<256x1xf32>
    %ge3A_104 = arith.cmpf oge, %min3A_37, %ge3A_103 : vector<256x1xf32>
    %mul3A_105 = arith.constant 1.43067658 : f32
    %mul3A_106 = vector.broadcast %mul3A_105 : f32 to vector<256x1xf32>
    %mul3A_107 = arith.mulf %broadcast_in_dim3A_96, %mul3A_106 : vector<256x1xf32>
    %jit3A_108 = arith.constant 0.000000e+00 : f32
    %broadcast_in_dim3A_109 = vector.broadcast %jit3A_108 : f32 to vector<256x1xf32>
    %select_n3A_110 = arith.select %ge3A_104, %mul3A_107, %broadcast_in_dim3A_109 : vector<256x1xi1>, vector<256x1xf32>
    %add3A_111 = arith.addf %add3A_93, %select_n3A_110 : vector<256x1xf32>
    %reduce_max3A_112 = arith.constant dense<0xFF800000> : vector<256xf32>
    %reduce_max3A_113 = vector.multi_reduction <maximumf>, %select_n3A_101, %reduce_max3A_112 [1] : vector<256x4096xf32> to vector<256xf32>
    %broadcast_in_dim3A_114 = vector.shape_cast %reduce_max3A_113 : vector<256xf32> to vector<256x1xf32>
    %eq3A_115 = vector.broadcast %broadcast_in_dim3A_114 : vector<256x1xf32> to vector<256x4096xf32>
    %eq3A_116 = arith.cmpf oeq, %select_n3A_101, %eq3A_115 : vector<256x4096xf32>
    %jit3A_117 = arith.constant 0xFF800000 : f32
    %broadcast_in_dim3A_118 = vector.broadcast %jit3A_117 : f32 to vector<256x4096xf32>
    %select_n3A_119 = arith.select %eq3A_116, %broadcast_in_dim3A_118, %select_n3A_101 : vector<256x4096xi1>, vector<256x4096xf32>
    %ge3A_120 = arith.constant 5.000000e+00 : f32
    %ge3A_121 = vector.broadcast %ge3A_120 : f32 to vector<256x1xf32>
    %ge3A_122 = arith.cmpf oge, %min3A_37, %ge3A_121 : vector<256x1xf32>
    %mul3A_123 = arith.constant 1.38685286 : f32
    %mul3A_124 = vector.broadcast %mul3A_123 : f32 to vector<256x1xf32>
    %mul3A_125 = arith.mulf %broadcast_in_dim3A_114, %mul3A_124 : vector<256x1xf32>
    %jit3A_126 = arith.constant 0.000000e+00 : f32
    %broadcast_in_dim3A_127 = vector.broadcast %jit3A_126 : f32 to vector<256x1xf32>
    %select_n3A_128 = arith.select %ge3A_122, %mul3A_125, %broadcast_in_dim3A_127 : vector<256x1xi1>, vector<256x1xf32>
    %add3A_129 = arith.addf %add3A_111, %select_n3A_128 : vector<256x1xf32>
    %reduce_max3A_130 = arith.constant dense<0xFF800000> : vector<256xf32>
    %reduce_max3A_131 = vector.multi_reduction <maximumf>, %select_n3A_119, %reduce_max3A_130 [1] : vector<256x4096xf32> to vector<256xf32>
    %broadcast_in_dim3A_132 = vector.shape_cast %reduce_max3A_131 : vector<256xf32> to vector<256x1xf32>
    %eq3A_133 = vector.broadcast %broadcast_in_dim3A_132 : vector<256x1xf32> to vector<256x4096xf32>
    %eq3A_134 = arith.cmpf oeq, %select_n3A_119, %eq3A_133 : vector<256x4096xf32>
    %jit3A_135 = arith.constant 0xFF800000 : f32
    %broadcast_in_dim3A_136 = vector.broadcast %jit3A_135 : f32 to vector<256x4096xf32>
    %select_n3A_137 = arith.select %eq3A_134, %broadcast_in_dim3A_136, %select_n3A_119 : vector<256x4096xi1>, vector<256x4096xf32>
    %ge3A_138 = arith.constant 6.000000e+00 : f32
    %ge3A_139 = vector.broadcast %ge3A_138 : f32 to vector<256x1xf32>
    %ge3A_140 = arith.cmpf oge, %min3A_37, %ge3A_139 : vector<256x1xf32>
    %mul3A_141 = arith.constant 1.35620713 : f32
    %mul3A_142 = vector.broadcast %mul3A_141 : f32 to vector<256x1xf32>
    %mul3A_143 = arith.mulf %broadcast_in_dim3A_132, %mul3A_142 : vector<256x1xf32>
    %jit3A_144 = arith.constant 0.000000e+00 : f32
    %broadcast_in_dim3A_145 = vector.broadcast %jit3A_144 : f32 to vector<256x1xf32>
    %select_n3A_146 = arith.select %ge3A_140, %mul3A_143, %broadcast_in_dim3A_145 : vector<256x1xi1>, vector<256x1xf32>
    %add3A_147 = arith.addf %add3A_129, %select_n3A_146 : vector<256x1xf32>
    %reduce_max3A_148 = arith.constant dense<0xFF800000> : vector<256xf32>
    %reduce_max3A_149 = vector.multi_reduction <maximumf>, %select_n3A_137, %reduce_max3A_148 [1] : vector<256x4096xf32> to vector<256xf32>
    %broadcast_in_dim3A_150 = vector.shape_cast %reduce_max3A_149 : vector<256xf32> to vector<256x1xf32>
    %eq3A_151 = vector.broadcast %broadcast_in_dim3A_150 : vector<256x1xf32> to vector<256x4096xf32>
    %eq3A_152 = arith.cmpf oeq, %select_n3A_137, %eq3A_151 : vector<256x4096xf32>
    %jit3A_153 = arith.constant 0xFF800000 : f32
    %broadcast_in_dim3A_154 = vector.broadcast %jit3A_153 : f32 to vector<256x4096xf32>
    %select_n3A_155 = arith.select %eq3A_152, %broadcast_in_dim3A_154, %select_n3A_137 : vector<256x4096xi1>, vector<256x4096xf32>
    %ge3A_156 = arith.constant 7.000000e+00 : f32
    %ge3A_157 = vector.broadcast %ge3A_156 : f32 to vector<256x1xf32>
    %ge3A_158 = arith.cmpf oge, %min3A_37, %ge3A_157 : vector<256x1xf32>
    %mul3A_159 = arith.constant 1.33333337 : f32
    %mul3A_160 = vector.broadcast %mul3A_159 : f32 to vector<256x1xf32>
    %mul3A_161 = arith.mulf %broadcast_in_dim3A_150, %mul3A_160 : vector<256x1xf32>
    %jit3A_162 = arith.constant 0.000000e+00 : f32
    %broadcast_in_dim3A_163 = vector.broadcast %jit3A_162 : f32 to vector<256x1xf32>
    %select_n3A_164 = arith.select %ge3A_158, %mul3A_161, %broadcast_in_dim3A_163 : vector<256x1xi1>, vector<256x1xf32>
    %add3A_165 = arith.addf %add3A_147, %select_n3A_164 : vector<256x1xf32>
    %reduce_max3A_166 = arith.constant dense<0xFF800000> : vector<256xf32>
    %reduce_max3A_167 = vector.multi_reduction <maximumf>, %select_n3A_155, %reduce_max3A_166 [1] : vector<256x4096xf32> to vector<256xf32>
    %broadcast_in_dim3A_168 = vector.shape_cast %reduce_max3A_167 : vector<256xf32> to vector<256x1xf32>
    %eq3A_169 = vector.broadcast %broadcast_in_dim3A_168 : vector<256x1xf32> to vector<256x4096xf32>
    %eq3A_170 = arith.cmpf oeq, %select_n3A_155, %eq3A_169 : vector<256x4096xf32>
    %jit3A_171 = arith.constant 0xFF800000 : f32
    %broadcast_in_dim3A_172 = vector.broadcast %jit3A_171 : f32 to vector<256x4096xf32>
    %select_n3A_173 = arith.select %eq3A_170, %broadcast_in_dim3A_172, %select_n3A_155 : vector<256x4096xi1>, vector<256x4096xf32>
    %ge3A_174 = arith.constant 8.000000e+00 : f32
    %ge3A_175 = vector.broadcast %ge3A_174 : f32 to vector<256x1xf32>
    %ge3A_176 = arith.cmpf oge, %min3A_37, %ge3A_175 : vector<256x1xf32>
    %mul3A_177 = arith.constant 1.31546485 : f32
    %mul3A_178 = vector.broadcast %mul3A_177 : f32 to vector<256x1xf32>
    %mul3A_179 = arith.mulf %broadcast_in_dim3A_168, %mul3A_178 : vector<256x1xf32>
    %jit3A_180 = arith.constant 0.000000e+00 : f32
    %broadcast_in_dim3A_181 = vector.broadcast %jit3A_180 : f32 to vector<256x1xf32>
    %select_n3A_182 = arith.select %ge3A_176, %mul3A_179, %broadcast_in_dim3A_181 : vector<256x1xi1>, vector<256x1xf32>
    %add3A_183 = arith.addf %add3A_165, %select_n3A_182 : vector<256x1xf32>
    %reduce_max3A_184 = arith.constant dense<0xFF800000> : vector<256xf32>
    %reduce_max3A_185 = vector.multi_reduction <maximumf>, %select_n3A_173, %reduce_max3A_184 [1] : vector<256x4096xf32> to vector<256xf32>
    %broadcast_in_dim3A_186 = vector.shape_cast %reduce_max3A_185 : vector<256xf32> to vector<256x1xf32>
    %eq3A_187 = vector.broadcast %broadcast_in_dim3A_186 : vector<256x1xf32> to vector<256x4096xf32>
    %eq3A_188 = arith.cmpf oeq, %select_n3A_173, %eq3A_187 : vector<256x4096xf32>
    %jit3A_189 = arith.constant 0xFF800000 : f32
    %broadcast_in_dim3A_190 = vector.broadcast %jit3A_189 : f32 to vector<256x4096xf32>
    %select_n3A_191 = arith.select %eq3A_188, %broadcast_in_dim3A_190, %select_n3A_173 : vector<256x4096xi1>, vector<256x4096xf32>
    %ge3A_192 = arith.constant 9.000000e+00 : f32
    %ge3A_193 = vector.broadcast %ge3A_192 : f32 to vector<256x1xf32>
    %ge3A_194 = arith.cmpf oge, %min3A_37, %ge3A_193 : vector<256x1xf32>
    %mul3A_195 = arith.constant 1.301030e+00 : f32
    %mul3A_196 = vector.broadcast %mul3A_195 : f32 to vector<256x1xf32>
    %mul3A_197 = arith.mulf %broadcast_in_dim3A_186, %mul3A_196 : vector<256x1xf32>
    %jit3A_198 = arith.constant 0.000000e+00 : f32
    %broadcast_in_dim3A_199 = vector.broadcast %jit3A_198 : f32 to vector<256x1xf32>
    %select_n3A_200 = arith.select %ge3A_194, %mul3A_197, %broadcast_in_dim3A_199 : vector<256x1xi1>, vector<256x1xf32>
    %add3A_201 = arith.addf %add3A_183, %select_n3A_200 : vector<256x1xf32>
    %reduce_max3A_202 = arith.constant dense<0xFF800000> : vector<256xf32>
    %reduce_max3A_203 = vector.multi_reduction <maximumf>, %select_n3A_191, %reduce_max3A_202 [1] : vector<256x4096xf32> to vector<256xf32>
    %broadcast_in_dim3A_204 = vector.shape_cast %reduce_max3A_203 : vector<256xf32> to vector<256x1xf32>
    %eq3A_205 = vector.broadcast %broadcast_in_dim3A_204 : vector<256x1xf32> to vector<256x4096xf32>
    %eq3A_206 = arith.cmpf oeq, %select_n3A_191, %eq3A_205 : vector<256x4096xf32>
    %jit3A_207 = arith.constant 0xFF800000 : f32
    %broadcast_in_dim3A_208 = vector.broadcast %jit3A_207 : f32 to vector<256x4096xf32>
    %select_n3A_209 = arith.select %eq3A_206, %broadcast_in_dim3A_208, %select_n3A_191 : vector<256x4096xi1>, vector<256x4096xf32>
    %ge3A_210 = arith.constant 1.000000e+01 : f32
    %ge3A_211 = vector.broadcast %ge3A_210 : f32 to vector<256x1xf32>
    %ge3A_212 = arith.cmpf oge, %min3A_37, %ge3A_211 : vector<256x1xf32>
    %mul3A_213 = arith.constant 1.28906488 : f32
    %mul3A_214 = vector.broadcast %mul3A_213 : f32 to vector<256x1xf32>
    %mul3A_215 = arith.mulf %broadcast_in_dim3A_204, %mul3A_214 : vector<256x1xf32>
    %jit3A_216 = arith.constant 0.000000e+00 : f32
    %broadcast_in_dim3A_217 = vector.broadcast %jit3A_216 : f32 to vector<256x1xf32>
    %select_n3A_218 = arith.select %ge3A_212, %mul3A_215, %broadcast_in_dim3A_217 : vector<256x1xi1>, vector<256x1xf32>
    %add3A_219 = arith.addf %add3A_201, %select_n3A_218 : vector<256x1xf32>
    %reduce_max3A_220 = arith.constant dense<0xFF800000> : vector<256xf32>
    %reduce_max3A_221 = vector.multi_reduction <maximumf>, %select_n3A_209, %reduce_max3A_220 [1] : vector<256x4096xf32> to vector<256xf32>
    %broadcast_in_dim3A_222 = vector.shape_cast %reduce_max3A_221 : vector<256xf32> to vector<256x1xf32>
    %ge3A_223 = arith.constant 1.100000e+01 : f32
    %ge3A_224 = vector.broadcast %ge3A_223 : f32 to vector<256x1xf32>
    %ge3A_225 = arith.cmpf oge, %min3A_37, %ge3A_224 : vector<256x1xf32>
    %mul3A_226 = arith.constant 1.27894294 : f32
    %mul3A_227 = vector.broadcast %mul3A_226 : f32 to vector<256x1xf32>
    %mul3A_228 = arith.mulf %broadcast_in_dim3A_222, %mul3A_227 : vector<256x1xf32>
    %jit3A_229 = arith.constant 0.000000e+00 : f32
    %broadcast_in_dim3A_230 = vector.broadcast %jit3A_229 : f32 to vector<256x1xf32>
    %select_n3A_231 = arith.select %ge3A_225, %mul3A_228, %broadcast_in_dim3A_230 : vector<256x1xi1>, vector<256x1xf32>
    %add3A_232 = arith.addf %add3A_219, %select_n3A_231 : vector<256x1xf32>
    %broadcast_in_dim3A_233 = arith.constant 0.000000e+00 : f32
    %broadcast_in_dim3A_234 = vector.broadcast %broadcast_in_dim3A_233 : f32 to vector<256x1xf32>
    %reduce_max3A_235 = arith.constant dense<0xFF800000> : vector<256xf32>
    %reduce_max3A_236 = vector.multi_reduction <maximumf>, %select_n3A_39, %reduce_max3A_235 [1] : vector<256x4096xf32> to vector<256xf32>
    %broadcast_in_dim3A_237 = vector.shape_cast %reduce_max3A_236 : vector<256xf32> to vector<256x1xf32>
    %eq3A_238 = vector.broadcast %broadcast_in_dim3A_237 : vector<256x1xf32> to vector<256x4096xf32>
    %eq3A_239 = arith.cmpf oeq, %select_n3A_39, %eq3A_238 : vector<256x4096xf32>
    %jit3A_240 = arith.constant 0xFF800000 : f32
    %broadcast_in_dim3A_241 = vector.broadcast %jit3A_240 : f32 to vector<256x4096xf32>
    %select_n3A_242 = arith.select %eq3A_239, %broadcast_in_dim3A_241, %select_n3A_39 : vector<256x4096xi1>, vector<256x4096xf32>
    %gt3A = vector.broadcast %broadcast_in_dim3A_237 : vector<256x1xf32> to vector<256x4096xf32>
    %gt3A_243 = arith.cmpf ogt, %select_n3A, %gt3A : vector<256x4096xf32>
    %convert_element_type3A_244 = arith.extui %gt3A_243 : vector<256x4096xi1> to vector<256x4096xi32>
    %convert_element_type3A_245 = arith.sitofp %convert_element_type3A_244 : vector<256x4096xi32> to vector<256x4096xf32>
    %reduce_sum3A_246 = arith.constant dense<0.000000e+00> : vector<256xf32>
    %reduce_sum3A_247 = vector.multi_reduction <add>, %convert_element_type3A_245, %reduce_sum3A_246 [1] : vector<256x4096xf32> to vector<256xf32>
    %broadcast_in_dim3A_248 = vector.shape_cast %reduce_sum3A_247 : vector<256xf32> to vector<256x1xf32>
    %add3A_249 = arith.constant 2.000000e+00 : f32
    %add3A_250 = vector.broadcast %add3A_249 : f32 to vector<256x1xf32>
    %add3A_251 = arith.addf %add3A_250, %broadcast_in_dim3A_248 : vector<256x1xf32>
    %log3A = math.log %add3A_251 : vector<256x1xf32>
    %log3A_252 = arith.constant 2.000000e+00 : f32
    %log3A_253 = math.log %log3A_252 : f32
    %div3A = vector.broadcast %log3A_253 : f32 to vector<256x1xf32>
    %div3A_254 = arith.divf %log3A, %div3A : vector<256x1xf32>
    %div3A_255 = arith.constant 1.000000e+00 : f32
    %div3A_256 = vector.broadcast %div3A_255 : f32 to vector<256x1xf32>
    %div3A_257 = arith.divf %div3A_256, %div3A_254 : vector<256x1xf32>
    %add3A_258 = arith.constant 1.000000e+00 : f32
    %add3A_259 = vector.broadcast %add3A_258 : f32 to vector<256x1xf32>
    %add3A_260 = arith.addf %div3A_257, %add3A_259 : vector<256x1xf32>
    %gt3A_261 = arith.constant 0.000000e+00 : f32
    %gt3A_262 = vector.broadcast %gt3A_261 : f32 to vector<256x1xf32>
    %gt3A_263 = arith.cmpf ogt, %min3A_37, %gt3A_262 : vector<256x1xf32>
    %mul3A_264 = arith.mulf %broadcast_in_dim3A_237, %add3A_260 : vector<256x1xf32>
    %jit3A_265 = arith.constant 0.000000e+00 : f32
    %broadcast_in_dim3A_266 = vector.broadcast %jit3A_265 : f32 to vector<256x1xf32>
    %select_n3A_267 = arith.select %gt3A_263, %mul3A_264, %broadcast_in_dim3A_266 : vector<256x1xi1>, vector<256x1xf32>
    %add3A_268 = arith.addf %broadcast_in_dim3A_234, %select_n3A_267 : vector<256x1xf32>
    %reduce_max3A_269 = arith.constant dense<0xFF800000> : vector<256xf32>
    %reduce_max3A_270 = vector.multi_reduction <maximumf>, %select_n3A_242, %reduce_max3A_269 [1] : vector<256x4096xf32> to vector<256xf32>
    %broadcast_in_dim3A_271 = vector.shape_cast %reduce_max3A_270 : vector<256xf32> to vector<256x1xf32>
    %eq3A_272 = vector.broadcast %broadcast_in_dim3A_271 : vector<256x1xf32> to vector<256x4096xf32>
    %eq3A_273 = arith.cmpf oeq, %select_n3A_242, %eq3A_272 : vector<256x4096xf32>
    %jit3A_274 = arith.constant 0xFF800000 : f32
    %broadcast_in_dim3A_275 = vector.broadcast %jit3A_274 : f32 to vector<256x4096xf32>
    %select_n3A_276 = arith.select %eq3A_273, %broadcast_in_dim3A_275, %select_n3A_242 : vector<256x4096xi1>, vector<256x4096xf32>
    %gt3A_277 = vector.broadcast %broadcast_in_dim3A_271 : vector<256x1xf32> to vector<256x4096xf32>
    %gt3A_278 = arith.cmpf ogt, %select_n3A, %gt3A_277 : vector<256x4096xf32>
    %convert_element_type3A_279 = arith.extui %gt3A_278 : vector<256x4096xi1> to vector<256x4096xi32>
    %convert_element_type3A_280 = arith.sitofp %convert_element_type3A_279 : vector<256x4096xi32> to vector<256x4096xf32>
    %reduce_sum3A_281 = arith.constant dense<0.000000e+00> : vector<256xf32>
    %reduce_sum3A_282 = vector.multi_reduction <add>, %convert_element_type3A_280, %reduce_sum3A_281 [1] : vector<256x4096xf32> to vector<256xf32>
    %broadcast_in_dim3A_283 = vector.shape_cast %reduce_sum3A_282 : vector<256xf32> to vector<256x1xf32>
    %add3A_284 = arith.constant 2.000000e+00 : f32
    %add3A_285 = vector.broadcast %add3A_284 : f32 to vector<256x1xf32>
    %add3A_286 = arith.addf %add3A_285, %broadcast_in_dim3A_283 : vector<256x1xf32>
    %log3A_287 = math.log %add3A_286 : vector<256x1xf32>
    %log3A_288 = arith.constant 2.000000e+00 : f32
    %log3A_289 = math.log %log3A_288 : f32
    %div3A_290 = vector.broadcast %log3A_289 : f32 to vector<256x1xf32>
    %div3A_291 = arith.divf %log3A_287, %div3A_290 : vector<256x1xf32>
    %div3A_292 = arith.constant 1.000000e+00 : f32
    %div3A_293 = vector.broadcast %div3A_292 : f32 to vector<256x1xf32>
    %div3A_294 = arith.divf %div3A_293, %div3A_291 : vector<256x1xf32>
    %add3A_295 = arith.constant 1.000000e+00 : f32
    %add3A_296 = vector.broadcast %add3A_295 : f32 to vector<256x1xf32>
    %add3A_297 = arith.addf %div3A_294, %add3A_296 : vector<256x1xf32>
    %gt3A_298 = arith.constant 1.000000e+00 : f32
    %gt3A_299 = vector.broadcast %gt3A_298 : f32 to vector<256x1xf32>
    %gt3A_300 = arith.cmpf ogt, %min3A_37, %gt3A_299 : vector<256x1xf32>
    %mul3A_301 = arith.mulf %broadcast_in_dim3A_271, %add3A_297 : vector<256x1xf32>
    %jit3A_302 = arith.constant 0.000000e+00 : f32
    %broadcast_in_dim3A_303 = vector.broadcast %jit3A_302 : f32 to vector<256x1xf32>
    %select_n3A_304 = arith.select %gt3A_300, %mul3A_301, %broadcast_in_dim3A_303 : vector<256x1xi1>, vector<256x1xf32>
    %add3A_305 = arith.addf %add3A_268, %select_n3A_304 : vector<256x1xf32>
    %reduce_max3A_306 = arith.constant dense<0xFF800000> : vector<256xf32>
    %reduce_max3A_307 = vector.multi_reduction <maximumf>, %select_n3A_276, %reduce_max3A_306 [1] : vector<256x4096xf32> to vector<256xf32>
    %broadcast_in_dim3A_308 = vector.shape_cast %reduce_max3A_307 : vector<256xf32> to vector<256x1xf32>
    %eq3A_309 = vector.broadcast %broadcast_in_dim3A_308 : vector<256x1xf32> to vector<256x4096xf32>
    %eq3A_310 = arith.cmpf oeq, %select_n3A_276, %eq3A_309 : vector<256x4096xf32>
    %jit3A_311 = arith.constant 0xFF800000 : f32
    %broadcast_in_dim3A_312 = vector.broadcast %jit3A_311 : f32 to vector<256x4096xf32>
    %select_n3A_313 = arith.select %eq3A_310, %broadcast_in_dim3A_312, %select_n3A_276 : vector<256x4096xi1>, vector<256x4096xf32>
    %gt3A_314 = vector.broadcast %broadcast_in_dim3A_308 : vector<256x1xf32> to vector<256x4096xf32>
    %gt3A_315 = arith.cmpf ogt, %select_n3A, %gt3A_314 : vector<256x4096xf32>
    %convert_element_type3A_316 = arith.extui %gt3A_315 : vector<256x4096xi1> to vector<256x4096xi32>
    %convert_element_type3A_317 = arith.sitofp %convert_element_type3A_316 : vector<256x4096xi32> to vector<256x4096xf32>
    %reduce_sum3A_318 = arith.constant dense<0.000000e+00> : vector<256xf32>
    %reduce_sum3A_319 = vector.multi_reduction <add>, %convert_element_type3A_317, %reduce_sum3A_318 [1] : vector<256x4096xf32> to vector<256xf32>
    %broadcast_in_dim3A_320 = vector.shape_cast %reduce_sum3A_319 : vector<256xf32> to vector<256x1xf32>
    %add3A_321 = arith.constant 2.000000e+00 : f32
    %add3A_322 = vector.broadcast %add3A_321 : f32 to vector<256x1xf32>
    %add3A_323 = arith.addf %add3A_322, %broadcast_in_dim3A_320 : vector<256x1xf32>
    %log3A_324 = math.log %add3A_323 : vector<256x1xf32>
    %log3A_325 = arith.constant 2.000000e+00 : f32
    %log3A_326 = math.log %log3A_325 : f32
    %div3A_327 = vector.broadcast %log3A_326 : f32 to vector<256x1xf32>
    %div3A_328 = arith.divf %log3A_324, %div3A_327 : vector<256x1xf32>
    %div3A_329 = arith.constant 1.000000e+00 : f32
    %div3A_330 = vector.broadcast %div3A_329 : f32 to vector<256x1xf32>
    %div3A_331 = arith.divf %div3A_330, %div3A_328 : vector<256x1xf32>
    %add3A_332 = arith.constant 1.000000e+00 : f32
    %add3A_333 = vector.broadcast %add3A_332 : f32 to vector<256x1xf32>
    %add3A_334 = arith.addf %div3A_331, %add3A_333 : vector<256x1xf32>
    %gt3A_335 = arith.constant 2.000000e+00 : f32
    %gt3A_336 = vector.broadcast %gt3A_335 : f32 to vector<256x1xf32>
    %gt3A_337 = arith.cmpf ogt, %min3A_37, %gt3A_336 : vector<256x1xf32>
    %mul3A_338 = arith.mulf %broadcast_in_dim3A_308, %add3A_334 : vector<256x1xf32>
    %jit3A_339 = arith.constant 0.000000e+00 : f32
    %broadcast_in_dim3A_340 = vector.broadcast %jit3A_339 : f32 to vector<256x1xf32>
    %select_n3A_341 = arith.select %gt3A_337, %mul3A_338, %broadcast_in_dim3A_340 : vector<256x1xi1>, vector<256x1xf32>
    %add3A_342 = arith.addf %add3A_305, %select_n3A_341 : vector<256x1xf32>
    %reduce_max3A_343 = arith.constant dense<0xFF800000> : vector<256xf32>
    %reduce_max3A_344 = vector.multi_reduction <maximumf>, %select_n3A_313, %reduce_max3A_343 [1] : vector<256x4096xf32> to vector<256xf32>
    %broadcast_in_dim3A_345 = vector.shape_cast %reduce_max3A_344 : vector<256xf32> to vector<256x1xf32>
    %eq3A_346 = vector.broadcast %broadcast_in_dim3A_345 : vector<256x1xf32> to vector<256x4096xf32>
    %eq3A_347 = arith.cmpf oeq, %select_n3A_313, %eq3A_346 : vector<256x4096xf32>
    %jit3A_348 = arith.constant 0xFF800000 : f32
    %broadcast_in_dim3A_349 = vector.broadcast %jit3A_348 : f32 to vector<256x4096xf32>
    %select_n3A_350 = arith.select %eq3A_347, %broadcast_in_dim3A_349, %select_n3A_313 : vector<256x4096xi1>, vector<256x4096xf32>
    %gt3A_351 = vector.broadcast %broadcast_in_dim3A_345 : vector<256x1xf32> to vector<256x4096xf32>
    %gt3A_352 = arith.cmpf ogt, %select_n3A, %gt3A_351 : vector<256x4096xf32>
    %convert_element_type3A_353 = arith.extui %gt3A_352 : vector<256x4096xi1> to vector<256x4096xi32>
    %convert_element_type3A_354 = arith.sitofp %convert_element_type3A_353 : vector<256x4096xi32> to vector<256x4096xf32>
    %reduce_sum3A_355 = arith.constant dense<0.000000e+00> : vector<256xf32>
    %reduce_sum3A_356 = vector.multi_reduction <add>, %convert_element_type3A_354, %reduce_sum3A_355 [1] : vector<256x4096xf32> to vector<256xf32>
    %broadcast_in_dim3A_357 = vector.shape_cast %reduce_sum3A_356 : vector<256xf32> to vector<256x1xf32>
    %add3A_358 = arith.constant 2.000000e+00 : f32
    %add3A_359 = vector.broadcast %add3A_358 : f32 to vector<256x1xf32>
    %add3A_360 = arith.addf %add3A_359, %broadcast_in_dim3A_357 : vector<256x1xf32>
    %log3A_361 = math.log %add3A_360 : vector<256x1xf32>
    %log3A_362 = arith.constant 2.000000e+00 : f32
    %log3A_363 = math.log %log3A_362 : f32
    %div3A_364 = vector.broadcast %log3A_363 : f32 to vector<256x1xf32>
    %div3A_365 = arith.divf %log3A_361, %div3A_364 : vector<256x1xf32>
    %div3A_366 = arith.constant 1.000000e+00 : f32
    %div3A_367 = vector.broadcast %div3A_366 : f32 to vector<256x1xf32>
    %div3A_368 = arith.divf %div3A_367, %div3A_365 : vector<256x1xf32>
    %add3A_369 = arith.constant 1.000000e+00 : f32
    %add3A_370 = vector.broadcast %add3A_369 : f32 to vector<256x1xf32>
    %add3A_371 = arith.addf %div3A_368, %add3A_370 : vector<256x1xf32>
    %gt3A_372 = arith.constant 3.000000e+00 : f32
    %gt3A_373 = vector.broadcast %gt3A_372 : f32 to vector<256x1xf32>
    %gt3A_374 = arith.cmpf ogt, %min3A_37, %gt3A_373 : vector<256x1xf32>
    %mul3A_375 = arith.mulf %broadcast_in_dim3A_345, %add3A_371 : vector<256x1xf32>
    %jit3A_376 = arith.constant 0.000000e+00 : f32
    %broadcast_in_dim3A_377 = vector.broadcast %jit3A_376 : f32 to vector<256x1xf32>
    %select_n3A_378 = arith.select %gt3A_374, %mul3A_375, %broadcast_in_dim3A_377 : vector<256x1xi1>, vector<256x1xf32>
    %add3A_379 = arith.addf %add3A_342, %select_n3A_378 : vector<256x1xf32>
    %reduce_max3A_380 = arith.constant dense<0xFF800000> : vector<256xf32>
    %reduce_max3A_381 = vector.multi_reduction <maximumf>, %select_n3A_350, %reduce_max3A_380 [1] : vector<256x4096xf32> to vector<256xf32>
    %broadcast_in_dim3A_382 = vector.shape_cast %reduce_max3A_381 : vector<256xf32> to vector<256x1xf32>
    %eq3A_383 = vector.broadcast %broadcast_in_dim3A_382 : vector<256x1xf32> to vector<256x4096xf32>
    %eq3A_384 = arith.cmpf oeq, %select_n3A_350, %eq3A_383 : vector<256x4096xf32>
    %jit3A_385 = arith.constant 0xFF800000 : f32
    %broadcast_in_dim3A_386 = vector.broadcast %jit3A_385 : f32 to vector<256x4096xf32>
    %select_n3A_387 = arith.select %eq3A_384, %broadcast_in_dim3A_386, %select_n3A_350 : vector<256x4096xi1>, vector<256x4096xf32>
    %gt3A_388 = vector.broadcast %broadcast_in_dim3A_382 : vector<256x1xf32> to vector<256x4096xf32>
    %gt3A_389 = arith.cmpf ogt, %select_n3A, %gt3A_388 : vector<256x4096xf32>
    %convert_element_type3A_390 = arith.extui %gt3A_389 : vector<256x4096xi1> to vector<256x4096xi32>
    %convert_element_type3A_391 = arith.sitofp %convert_element_type3A_390 : vector<256x4096xi32> to vector<256x4096xf32>
    %reduce_sum3A_392 = arith.constant dense<0.000000e+00> : vector<256xf32>
    %reduce_sum3A_393 = vector.multi_reduction <add>, %convert_element_type3A_391, %reduce_sum3A_392 [1] : vector<256x4096xf32> to vector<256xf32>
    %broadcast_in_dim3A_394 = vector.shape_cast %reduce_sum3A_393 : vector<256xf32> to vector<256x1xf32>
    %add3A_395 = arith.constant 2.000000e+00 : f32
    %add3A_396 = vector.broadcast %add3A_395 : f32 to vector<256x1xf32>
    %add3A_397 = arith.addf %add3A_396, %broadcast_in_dim3A_394 : vector<256x1xf32>
    %log3A_398 = math.log %add3A_397 : vector<256x1xf32>
    %log3A_399 = arith.constant 2.000000e+00 : f32
    %log3A_400 = math.log %log3A_399 : f32
    %div3A_401 = vector.broadcast %log3A_400 : f32 to vector<256x1xf32>
    %div3A_402 = arith.divf %log3A_398, %div3A_401 : vector<256x1xf32>
    %div3A_403 = arith.constant 1.000000e+00 : f32
    %div3A_404 = vector.broadcast %div3A_403 : f32 to vector<256x1xf32>
    %div3A_405 = arith.divf %div3A_404, %div3A_402 : vector<256x1xf32>
    %add3A_406 = arith.constant 1.000000e+00 : f32
    %add3A_407 = vector.broadcast %add3A_406 : f32 to vector<256x1xf32>
    %add3A_408 = arith.addf %div3A_405, %add3A_407 : vector<256x1xf32>
    %gt3A_409 = arith.constant 4.000000e+00 : f32
    %gt3A_410 = vector.broadcast %gt3A_409 : f32 to vector<256x1xf32>
    %gt3A_411 = arith.cmpf ogt, %min3A_37, %gt3A_410 : vector<256x1xf32>
    %mul3A_412 = arith.mulf %broadcast_in_dim3A_382, %add3A_408 : vector<256x1xf32>
    %jit3A_413 = arith.constant 0.000000e+00 : f32
    %broadcast_in_dim3A_414 = vector.broadcast %jit3A_413 : f32 to vector<256x1xf32>
    %select_n3A_415 = arith.select %gt3A_411, %mul3A_412, %broadcast_in_dim3A_414 : vector<256x1xi1>, vector<256x1xf32>
    %add3A_416 = arith.addf %add3A_379, %select_n3A_415 : vector<256x1xf32>
    %reduce_max3A_417 = arith.constant dense<0xFF800000> : vector<256xf32>
    %reduce_max3A_418 = vector.multi_reduction <maximumf>, %select_n3A_387, %reduce_max3A_417 [1] : vector<256x4096xf32> to vector<256xf32>
    %broadcast_in_dim3A_419 = vector.shape_cast %reduce_max3A_418 : vector<256xf32> to vector<256x1xf32>
    %eq3A_420 = vector.broadcast %broadcast_in_dim3A_419 : vector<256x1xf32> to vector<256x4096xf32>
    %eq3A_421 = arith.cmpf oeq, %select_n3A_387, %eq3A_420 : vector<256x4096xf32>
    %jit3A_422 = arith.constant 0xFF800000 : f32
    %broadcast_in_dim3A_423 = vector.broadcast %jit3A_422 : f32 to vector<256x4096xf32>
    %select_n3A_424 = arith.select %eq3A_421, %broadcast_in_dim3A_423, %select_n3A_387 : vector<256x4096xi1>, vector<256x4096xf32>
    %gt3A_425 = vector.broadcast %broadcast_in_dim3A_419 : vector<256x1xf32> to vector<256x4096xf32>
    %gt3A_426 = arith.cmpf ogt, %select_n3A, %gt3A_425 : vector<256x4096xf32>
    %convert_element_type3A_427 = arith.extui %gt3A_426 : vector<256x4096xi1> to vector<256x4096xi32>
    %convert_element_type3A_428 = arith.sitofp %convert_element_type3A_427 : vector<256x4096xi32> to vector<256x4096xf32>
    %reduce_sum3A_429 = arith.constant dense<0.000000e+00> : vector<256xf32>
    %reduce_sum3A_430 = vector.multi_reduction <add>, %convert_element_type3A_428, %reduce_sum3A_429 [1] : vector<256x4096xf32> to vector<256xf32>
    %broadcast_in_dim3A_431 = vector.shape_cast %reduce_sum3A_430 : vector<256xf32> to vector<256x1xf32>
    %add3A_432 = arith.constant 2.000000e+00 : f32
    %add3A_433 = vector.broadcast %add3A_432 : f32 to vector<256x1xf32>
    %add3A_434 = arith.addf %add3A_433, %broadcast_in_dim3A_431 : vector<256x1xf32>
    %log3A_435 = math.log %add3A_434 : vector<256x1xf32>
    %log3A_436 = arith.constant 2.000000e+00 : f32
    %log3A_437 = math.log %log3A_436 : f32
    %div3A_438 = vector.broadcast %log3A_437 : f32 to vector<256x1xf32>
    %div3A_439 = arith.divf %log3A_435, %div3A_438 : vector<256x1xf32>
    %div3A_440 = arith.constant 1.000000e+00 : f32
    %div3A_441 = vector.broadcast %div3A_440 : f32 to vector<256x1xf32>
    %div3A_442 = arith.divf %div3A_441, %div3A_439 : vector<256x1xf32>
    %add3A_443 = arith.constant 1.000000e+00 : f32
    %add3A_444 = vector.broadcast %add3A_443 : f32 to vector<256x1xf32>
    %add3A_445 = arith.addf %div3A_442, %add3A_444 : vector<256x1xf32>
    %gt3A_446 = arith.constant 5.000000e+00 : f32
    %gt3A_447 = vector.broadcast %gt3A_446 : f32 to vector<256x1xf32>
    %gt3A_448 = arith.cmpf ogt, %min3A_37, %gt3A_447 : vector<256x1xf32>
    %mul3A_449 = arith.mulf %broadcast_in_dim3A_419, %add3A_445 : vector<256x1xf32>
    %jit3A_450 = arith.constant 0.000000e+00 : f32
    %broadcast_in_dim3A_451 = vector.broadcast %jit3A_450 : f32 to vector<256x1xf32>
    %select_n3A_452 = arith.select %gt3A_448, %mul3A_449, %broadcast_in_dim3A_451 : vector<256x1xi1>, vector<256x1xf32>
    %add3A_453 = arith.addf %add3A_416, %select_n3A_452 : vector<256x1xf32>
    %reduce_max3A_454 = arith.constant dense<0xFF800000> : vector<256xf32>
    %reduce_max3A_455 = vector.multi_reduction <maximumf>, %select_n3A_424, %reduce_max3A_454 [1] : vector<256x4096xf32> to vector<256xf32>
    %broadcast_in_dim3A_456 = vector.shape_cast %reduce_max3A_455 : vector<256xf32> to vector<256x1xf32>
    %eq3A_457 = vector.broadcast %broadcast_in_dim3A_456 : vector<256x1xf32> to vector<256x4096xf32>
    %eq3A_458 = arith.cmpf oeq, %select_n3A_424, %eq3A_457 : vector<256x4096xf32>
    %jit3A_459 = arith.constant 0xFF800000 : f32
    %broadcast_in_dim3A_460 = vector.broadcast %jit3A_459 : f32 to vector<256x4096xf32>
    %select_n3A_461 = arith.select %eq3A_458, %broadcast_in_dim3A_460, %select_n3A_424 : vector<256x4096xi1>, vector<256x4096xf32>
    %gt3A_462 = vector.broadcast %broadcast_in_dim3A_456 : vector<256x1xf32> to vector<256x4096xf32>
    %gt3A_463 = arith.cmpf ogt, %select_n3A, %gt3A_462 : vector<256x4096xf32>
    %convert_element_type3A_464 = arith.extui %gt3A_463 : vector<256x4096xi1> to vector<256x4096xi32>
    %convert_element_type3A_465 = arith.sitofp %convert_element_type3A_464 : vector<256x4096xi32> to vector<256x4096xf32>
    %reduce_sum3A_466 = arith.constant dense<0.000000e+00> : vector<256xf32>
    %reduce_sum3A_467 = vector.multi_reduction <add>, %convert_element_type3A_465, %reduce_sum3A_466 [1] : vector<256x4096xf32> to vector<256xf32>
    %broadcast_in_dim3A_468 = vector.shape_cast %reduce_sum3A_467 : vector<256xf32> to vector<256x1xf32>
    %add3A_469 = arith.constant 2.000000e+00 : f32
    %add3A_470 = vector.broadcast %add3A_469 : f32 to vector<256x1xf32>
    %add3A_471 = arith.addf %add3A_470, %broadcast_in_dim3A_468 : vector<256x1xf32>
    %log3A_472 = math.log %add3A_471 : vector<256x1xf32>
    %log3A_473 = arith.constant 2.000000e+00 : f32
    %log3A_474 = math.log %log3A_473 : f32
    %div3A_475 = vector.broadcast %log3A_474 : f32 to vector<256x1xf32>
    %div3A_476 = arith.divf %log3A_472, %div3A_475 : vector<256x1xf32>
    %div3A_477 = arith.constant 1.000000e+00 : f32
    %div3A_478 = vector.broadcast %div3A_477 : f32 to vector<256x1xf32>
    %div3A_479 = arith.divf %div3A_478, %div3A_476 : vector<256x1xf32>
    %add3A_480 = arith.constant 1.000000e+00 : f32
    %add3A_481 = vector.broadcast %add3A_480 : f32 to vector<256x1xf32>
    %add3A_482 = arith.addf %div3A_479, %add3A_481 : vector<256x1xf32>
    %gt3A_483 = arith.constant 6.000000e+00 : f32
    %gt3A_484 = vector.broadcast %gt3A_483 : f32 to vector<256x1xf32>
    %gt3A_485 = arith.cmpf ogt, %min3A_37, %gt3A_484 : vector<256x1xf32>
    %mul3A_486 = arith.mulf %broadcast_in_dim3A_456, %add3A_482 : vector<256x1xf32>
    %jit3A_487 = arith.constant 0.000000e+00 : f32
    %broadcast_in_dim3A_488 = vector.broadcast %jit3A_487 : f32 to vector<256x1xf32>
    %select_n3A_489 = arith.select %gt3A_485, %mul3A_486, %broadcast_in_dim3A_488 : vector<256x1xi1>, vector<256x1xf32>
    %add3A_490 = arith.addf %add3A_453, %select_n3A_489 : vector<256x1xf32>
    %reduce_max3A_491 = arith.constant dense<0xFF800000> : vector<256xf32>
    %reduce_max3A_492 = vector.multi_reduction <maximumf>, %select_n3A_461, %reduce_max3A_491 [1] : vector<256x4096xf32> to vector<256xf32>
    %broadcast_in_dim3A_493 = vector.shape_cast %reduce_max3A_492 : vector<256xf32> to vector<256x1xf32>
    %eq3A_494 = vector.broadcast %broadcast_in_dim3A_493 : vector<256x1xf32> to vector<256x4096xf32>
    %eq3A_495 = arith.cmpf oeq, %select_n3A_461, %eq3A_494 : vector<256x4096xf32>
    %jit3A_496 = arith.constant 0xFF800000 : f32
    %broadcast_in_dim3A_497 = vector.broadcast %jit3A_496 : f32 to vector<256x4096xf32>
    %select_n3A_498 = arith.select %eq3A_495, %broadcast_in_dim3A_497, %select_n3A_461 : vector<256x4096xi1>, vector<256x4096xf32>
    %gt3A_499 = vector.broadcast %broadcast_in_dim3A_493 : vector<256x1xf32> to vector<256x4096xf32>
    %gt3A_500 = arith.cmpf ogt, %select_n3A, %gt3A_499 : vector<256x4096xf32>
    %convert_element_type3A_501 = arith.extui %gt3A_500 : vector<256x4096xi1> to vector<256x4096xi32>
    %convert_element_type3A_502 = arith.sitofp %convert_element_type3A_501 : vector<256x4096xi32> to vector<256x4096xf32>
    %reduce_sum3A_503 = arith.constant dense<0.000000e+00> : vector<256xf32>
    %reduce_sum3A_504 = vector.multi_reduction <add>, %convert_element_type3A_502, %reduce_sum3A_503 [1] : vector<256x4096xf32> to vector<256xf32>
    %broadcast_in_dim3A_505 = vector.shape_cast %reduce_sum3A_504 : vector<256xf32> to vector<256x1xf32>
    %add3A_506 = arith.constant 2.000000e+00 : f32
    %add3A_507 = vector.broadcast %add3A_506 : f32 to vector<256x1xf32>
    %add3A_508 = arith.addf %add3A_507, %broadcast_in_dim3A_505 : vector<256x1xf32>
    %log3A_509 = math.log %add3A_508 : vector<256x1xf32>
    %log3A_510 = arith.constant 2.000000e+00 : f32
    %log3A_511 = math.log %log3A_510 : f32
    %div3A_512 = vector.broadcast %log3A_511 : f32 to vector<256x1xf32>
    %div3A_513 = arith.divf %log3A_509, %div3A_512 : vector<256x1xf32>
    %div3A_514 = arith.constant 1.000000e+00 : f32
    %div3A_515 = vector.broadcast %div3A_514 : f32 to vector<256x1xf32>
    %div3A_516 = arith.divf %div3A_515, %div3A_513 : vector<256x1xf32>
    %add3A_517 = arith.constant 1.000000e+00 : f32
    %add3A_518 = vector.broadcast %add3A_517 : f32 to vector<256x1xf32>
    %add3A_519 = arith.addf %div3A_516, %add3A_518 : vector<256x1xf32>
    %gt3A_520 = arith.constant 7.000000e+00 : f32
    %gt3A_521 = vector.broadcast %gt3A_520 : f32 to vector<256x1xf32>
    %gt3A_522 = arith.cmpf ogt, %min3A_37, %gt3A_521 : vector<256x1xf32>
    %mul3A_523 = arith.mulf %broadcast_in_dim3A_493, %add3A_519 : vector<256x1xf32>
    %jit3A_524 = arith.constant 0.000000e+00 : f32
    %broadcast_in_dim3A_525 = vector.broadcast %jit3A_524 : f32 to vector<256x1xf32>
    %select_n3A_526 = arith.select %gt3A_522, %mul3A_523, %broadcast_in_dim3A_525 : vector<256x1xi1>, vector<256x1xf32>
    %add3A_527 = arith.addf %add3A_490, %select_n3A_526 : vector<256x1xf32>
    %reduce_max3A_528 = arith.constant dense<0xFF800000> : vector<256xf32>
    %reduce_max3A_529 = vector.multi_reduction <maximumf>, %select_n3A_498, %reduce_max3A_528 [1] : vector<256x4096xf32> to vector<256xf32>
    %broadcast_in_dim3A_530 = vector.shape_cast %reduce_max3A_529 : vector<256xf32> to vector<256x1xf32>
    %eq3A_531 = vector.broadcast %broadcast_in_dim3A_530 : vector<256x1xf32> to vector<256x4096xf32>
    %eq3A_532 = arith.cmpf oeq, %select_n3A_498, %eq3A_531 : vector<256x4096xf32>
    %jit3A_533 = arith.constant 0xFF800000 : f32
    %broadcast_in_dim3A_534 = vector.broadcast %jit3A_533 : f32 to vector<256x4096xf32>
    %select_n3A_535 = arith.select %eq3A_532, %broadcast_in_dim3A_534, %select_n3A_498 : vector<256x4096xi1>, vector<256x4096xf32>
    %gt3A_536 = vector.broadcast %broadcast_in_dim3A_530 : vector<256x1xf32> to vector<256x4096xf32>
    %gt3A_537 = arith.cmpf ogt, %select_n3A, %gt3A_536 : vector<256x4096xf32>
    %convert_element_type3A_538 = arith.extui %gt3A_537 : vector<256x4096xi1> to vector<256x4096xi32>
    %convert_element_type3A_539 = arith.sitofp %convert_element_type3A_538 : vector<256x4096xi32> to vector<256x4096xf32>
    %reduce_sum3A_540 = arith.constant dense<0.000000e+00> : vector<256xf32>
    %reduce_sum3A_541 = vector.multi_reduction <add>, %convert_element_type3A_539, %reduce_sum3A_540 [1] : vector<256x4096xf32> to vector<256xf32>
    %broadcast_in_dim3A_542 = vector.shape_cast %reduce_sum3A_541 : vector<256xf32> to vector<256x1xf32>
    %add3A_543 = arith.constant 2.000000e+00 : f32
    %add3A_544 = vector.broadcast %add3A_543 : f32 to vector<256x1xf32>
    %add3A_545 = arith.addf %add3A_544, %broadcast_in_dim3A_542 : vector<256x1xf32>
    %log3A_546 = math.log %add3A_545 : vector<256x1xf32>
    %log3A_547 = arith.constant 2.000000e+00 : f32
    %log3A_548 = math.log %log3A_547 : f32
    %div3A_549 = vector.broadcast %log3A_548 : f32 to vector<256x1xf32>
    %div3A_550 = arith.divf %log3A_546, %div3A_549 : vector<256x1xf32>
    %div3A_551 = arith.constant 1.000000e+00 : f32
    %div3A_552 = vector.broadcast %div3A_551 : f32 to vector<256x1xf32>
    %div3A_553 = arith.divf %div3A_552, %div3A_550 : vector<256x1xf32>
    %add3A_554 = arith.constant 1.000000e+00 : f32
    %add3A_555 = vector.broadcast %add3A_554 : f32 to vector<256x1xf32>
    %add3A_556 = arith.addf %div3A_553, %add3A_555 : vector<256x1xf32>
    %gt3A_557 = arith.constant 8.000000e+00 : f32
    %gt3A_558 = vector.broadcast %gt3A_557 : f32 to vector<256x1xf32>
    %gt3A_559 = arith.cmpf ogt, %min3A_37, %gt3A_558 : vector<256x1xf32>
    %mul3A_560 = arith.mulf %broadcast_in_dim3A_530, %add3A_556 : vector<256x1xf32>
    %jit3A_561 = arith.constant 0.000000e+00 : f32
    %broadcast_in_dim3A_562 = vector.broadcast %jit3A_561 : f32 to vector<256x1xf32>
    %select_n3A_563 = arith.select %gt3A_559, %mul3A_560, %broadcast_in_dim3A_562 : vector<256x1xi1>, vector<256x1xf32>
    %add3A_564 = arith.addf %add3A_527, %select_n3A_563 : vector<256x1xf32>
    %reduce_max3A_565 = arith.constant dense<0xFF800000> : vector<256xf32>
    %reduce_max3A_566 = vector.multi_reduction <maximumf>, %select_n3A_535, %reduce_max3A_565 [1] : vector<256x4096xf32> to vector<256xf32>
    %broadcast_in_dim3A_567 = vector.shape_cast %reduce_max3A_566 : vector<256xf32> to vector<256x1xf32>
    %eq3A_568 = vector.broadcast %broadcast_in_dim3A_567 : vector<256x1xf32> to vector<256x4096xf32>
    %eq3A_569 = arith.cmpf oeq, %select_n3A_535, %eq3A_568 : vector<256x4096xf32>
    %jit3A_570 = arith.constant 0xFF800000 : f32
    %broadcast_in_dim3A_571 = vector.broadcast %jit3A_570 : f32 to vector<256x4096xf32>
    %select_n3A_572 = arith.select %eq3A_569, %broadcast_in_dim3A_571, %select_n3A_535 : vector<256x4096xi1>, vector<256x4096xf32>
    %gt3A_573 = vector.broadcast %broadcast_in_dim3A_567 : vector<256x1xf32> to vector<256x4096xf32>
    %gt3A_574 = arith.cmpf ogt, %select_n3A, %gt3A_573 : vector<256x4096xf32>
    %convert_element_type3A_575 = arith.extui %gt3A_574 : vector<256x4096xi1> to vector<256x4096xi32>
    %convert_element_type3A_576 = arith.sitofp %convert_element_type3A_575 : vector<256x4096xi32> to vector<256x4096xf32>
    %reduce_sum3A_577 = arith.constant dense<0.000000e+00> : vector<256xf32>
    %reduce_sum3A_578 = vector.multi_reduction <add>, %convert_element_type3A_576, %reduce_sum3A_577 [1] : vector<256x4096xf32> to vector<256xf32>
    %broadcast_in_dim3A_579 = vector.shape_cast %reduce_sum3A_578 : vector<256xf32> to vector<256x1xf32>
    %add3A_580 = arith.constant 2.000000e+00 : f32
    %add3A_581 = vector.broadcast %add3A_580 : f32 to vector<256x1xf32>
    %add3A_582 = arith.addf %add3A_581, %broadcast_in_dim3A_579 : vector<256x1xf32>
    %log3A_583 = math.log %add3A_582 : vector<256x1xf32>
    %log3A_584 = arith.constant 2.000000e+00 : f32
    %log3A_585 = math.log %log3A_584 : f32
    %div3A_586 = vector.broadcast %log3A_585 : f32 to vector<256x1xf32>
    %div3A_587 = arith.divf %log3A_583, %div3A_586 : vector<256x1xf32>
    %div3A_588 = arith.constant 1.000000e+00 : f32
    %div3A_589 = vector.broadcast %div3A_588 : f32 to vector<256x1xf32>
    %div3A_590 = arith.divf %div3A_589, %div3A_587 : vector<256x1xf32>
    %add3A_591 = arith.constant 1.000000e+00 : f32
    %add3A_592 = vector.broadcast %add3A_591 : f32 to vector<256x1xf32>
    %add3A_593 = arith.addf %div3A_590, %add3A_592 : vector<256x1xf32>
    %gt3A_594 = arith.constant 9.000000e+00 : f32
    %gt3A_595 = vector.broadcast %gt3A_594 : f32 to vector<256x1xf32>
    %gt3A_596 = arith.cmpf ogt, %min3A_37, %gt3A_595 : vector<256x1xf32>
    %mul3A_597 = arith.mulf %broadcast_in_dim3A_567, %add3A_593 : vector<256x1xf32>
    %jit3A_598 = arith.constant 0.000000e+00 : f32
    %broadcast_in_dim3A_599 = vector.broadcast %jit3A_598 : f32 to vector<256x1xf32>
    %select_n3A_600 = arith.select %gt3A_596, %mul3A_597, %broadcast_in_dim3A_599 : vector<256x1xi1>, vector<256x1xf32>
    %add3A_601 = arith.addf %add3A_564, %select_n3A_600 : vector<256x1xf32>
    %reduce_max3A_602 = arith.constant dense<0xFF800000> : vector<256xf32>
    %reduce_max3A_603 = vector.multi_reduction <maximumf>, %select_n3A_572, %reduce_max3A_602 [1] : vector<256x4096xf32> to vector<256xf32>
    %broadcast_in_dim3A_604 = vector.shape_cast %reduce_max3A_603 : vector<256xf32> to vector<256x1xf32>
    %gt3A_605 = vector.broadcast %broadcast_in_dim3A_604 : vector<256x1xf32> to vector<256x4096xf32>
    %gt3A_606 = arith.cmpf ogt, %select_n3A, %gt3A_605 : vector<256x4096xf32>
    %convert_element_type3A_607 = arith.extui %gt3A_606 : vector<256x4096xi1> to vector<256x4096xi32>
    %convert_element_type3A_608 = arith.sitofp %convert_element_type3A_607 : vector<256x4096xi32> to vector<256x4096xf32>
    %reduce_sum3A_609 = arith.constant dense<0.000000e+00> : vector<256xf32>
    %reduce_sum3A_610 = vector.multi_reduction <add>, %convert_element_type3A_608, %reduce_sum3A_609 [1] : vector<256x4096xf32> to vector<256xf32>
    %broadcast_in_dim3A_611 = vector.shape_cast %reduce_sum3A_610 : vector<256xf32> to vector<256x1xf32>
    %add3A_612 = arith.constant 2.000000e+00 : f32
    %add3A_613 = vector.broadcast %add3A_612 : f32 to vector<256x1xf32>
    %add3A_614 = arith.addf %add3A_613, %broadcast_in_dim3A_611 : vector<256x1xf32>
    %log3A_615 = math.log %add3A_614 : vector<256x1xf32>
    %log3A_616 = arith.constant 2.000000e+00 : f32
    %log3A_617 = math.log %log3A_616 : f32
    %div3A_618 = vector.broadcast %log3A_617 : f32 to vector<256x1xf32>
    %div3A_619 = arith.divf %log3A_615, %div3A_618 : vector<256x1xf32>
    %div3A_620 = arith.constant 1.000000e+00 : f32
    %div3A_621 = vector.broadcast %div3A_620 : f32 to vector<256x1xf32>
    %div3A_622 = arith.divf %div3A_621, %div3A_619 : vector<256x1xf32>
    %add3A_623 = arith.constant 1.000000e+00 : f32
    %add3A_624 = vector.broadcast %add3A_623 : f32 to vector<256x1xf32>
    %add3A_625 = arith.addf %div3A_622, %add3A_624 : vector<256x1xf32>
    %gt3A_626 = arith.constant 1.000000e+01 : f32
    %gt3A_627 = vector.broadcast %gt3A_626 : f32 to vector<256x1xf32>
    %gt3A_628 = arith.cmpf ogt, %min3A_37, %gt3A_627 : vector<256x1xf32>
    %mul3A_629 = arith.mulf %broadcast_in_dim3A_604, %add3A_625 : vector<256x1xf32>
    %jit3A_630 = arith.constant 0.000000e+00 : f32
    %broadcast_in_dim3A_631 = vector.broadcast %jit3A_630 : f32 to vector<256x1xf32>
    %select_n3A_632 = arith.select %gt3A_628, %mul3A_629, %broadcast_in_dim3A_631 : vector<256x1xi1>, vector<256x1xf32>
    %add3A_633 = arith.addf %add3A_601, %select_n3A_632 : vector<256x1xf32>
    %sub3A_634 = arith.subf %add3A_232, %add3A_633 : vector<256x1xf32>
    %reduce_sum3A_635 = vector.shape_cast %sub3A_634 : vector<256x1xf32> to vector<1x256x1xf32>
    %reduce_sum3A_636 = arith.constant dense<0.000000e+00> : vector<1xf32>
    %reduce_sum3A_637 = vector.multi_reduction <add>, %reduce_sum3A_635, %reduce_sum3A_636 [1, 2] : vector<1x256x1xf32> to vector<1xf32>
    %reduce_sum3A_638 = vector.shape_cast %reduce_sum3A_637 : vector<1xf32> to vector<1x1x1xf32>
    %reduce_sum3A_639 = vector.extract %reduce_sum3A_638[0, 0, 0] : f32 from vector<1x1x1xf32>
    %reshape3A = vector.broadcast %reduce_sum3A_639 : f32 to vector<1x1xf32>
    %eq3A_640 = arith.constant 0 : i32
    %eq3A_641 = arith.cmpi eq, %arg0, %eq3A_640 : i32
    %convert_element_type3A_642 = arith.extui %eq3A_641 : i1 to i32
    %cond3A = arith.constant 0 : i32
    %cond3A_643 = arith.cmpi ne, %convert_element_type3A_642, %cond3A : i32
    scf.if %cond3A_643 {
      %swap3A = arith.constant 0 : index
      %swap3A_649 = arith.constant 0 : index
      %swap3A_650 = vector.load %arg7[%swap3A, %swap3A_649] : memref<1x1xf32, #tpu.memory_space<vmem>>, vector<1x1xf32>
      tpu.vector_store %arg7[%swap3A, %swap3A_649], %reshape3A {strides = array<i32>} : memref<1x1xf32, #tpu.memory_space<vmem>>, vector<1x1xf32>,
    } else {
    }
    %gt3A_644 = arith.constant 0 : i32
    %gt3A_645 = arith.cmpi sgt, %arg0, %gt3A_644 : i32
    %convert_element_type3A_646 = arith.extui %gt3A_645 : i1 to i32
    %cond3A_647 = arith.constant 0 : i32
    %cond3A_648 = arith.cmpi ne, %convert_element_type3A_646, %cond3A_647 : i32
    scf.if %cond3A_648 {
      %get3A_649 = arith.constant 0 : index
      %get3A_650 = arith.constant 0 : index
      %get3A_651 = vector.load %arg7[%get3A_649, %get3A_650] : memref<1x1xf32, #tpu.memory_space<vmem>>, vector<1x1xf32>
      %add3A_652 = arith.addf %get3A_651, %reshape3A : vector<1x1xf32>
      %swap3A = arith.constant 0 : index
      %swap3A_653 = arith.constant 0 : index
      %swap3A_654 = vector.load %arg7[%swap3A, %swap3A_653] : memref<1x1xf32, #tpu.memory_space<vmem>>, vector<1x1xf32>
      tpu.vector_store %arg7[%swap3A, %swap3A_653], %add3A_652 {strides = array<i32>} : memref<1x1xf32, #tpu.memory_space<vmem>>, vector<1x1xf32>,
    } else {
    }
    return
  }
  func.func @transform_0(%arg0: i32) -> (i32, i32) {
    %c0_i32 = arith.constant 0 : i32
    %c0_i32_0 = arith.constant 0 : i32
    return %arg0, %c0_i32 : i32, i32
  }
  func.func @transform_1(%arg0: i32) -> (i32, i32) {
    %c0_i32 = arith.constant 0 : i32
    %c0_i32_0 = arith.constant 0 : i32
    return %arg0, %c0_i32 : i32, i32
  }
  func.func @transform_2(%arg0: i32) -> (i32, i32) {
    %c0_i32 = arith.constant 0 : i32
    %c0_i32_0 = arith.constant 0 : i32
    return %arg0, %c0_i32 : i32, i32
  }
  func.func @transform_3(%arg0: i32) -> (i32, i32) {
    %c0_i32 = arith.constant 0 : i32
    %c0_i32_0 = arith.constant 0 : i32
    %c0_i32_1 = arith.constant 0 : i32
    return %c0_i32, %c0_i32_0 : i32, i32
  }
  func.func @transform_4(%arg0: i32) -> (i32, i32) {
    %c0_i32 = arith.constant 0 : i32
    %c0_i32_0 = arith.constant 0 : i32
    %c0_i32_1 = arith.constant 0 : i32
    return %c0_i32, %c0_i32_0 : i32, i32
  }
  func.func @transform_5(%arg0: i32) -> (i32, i32) {
    %c0_i32 = arith.constant 0 : i32
    %c0_i32_0 = arith.constant 0 : i32
    %c0_i32_1 = arith.constant 0 : i32
    return %c0_i32, %c0_i32_0 : i32, i32
  }
  func.func @transform_6(%arg0: i32) -> (i32, i32) {
    %c0_i32 = arith.constant 0 : i32
    %c0_i32_0 = arith.constant 0 : i32
    %c0_i32_1 = arith.constant 0 : i32
    return %c0_i32, %c0_i32_0 : i32, i32
  }
}

module attributes {stable_mosaic.version = 14 : i64} {
  func.func @_band_kernel(%arg0: i32, %arg1: memref<256x128xf32, #tpu.memory_space<vmem>>, %arg2: memref<256x1xi32, #tpu.memory_space<vmem>>, %arg3: memref<256x1xf32, #tpu.memory_space<vmem>>, %arg4: memref<256x1xf32, #tpu.memory_space<vmem>>, %arg5: memref<4096x128xf32, #tpu.memory_space<vmem>>, %arg6: memref<1x4096xi32, #tpu.memory_space<vmem>>, %arg7: memref<1x4096xf32, #tpu.memory_space<vmem>>, %arg8: memref<1x512x128xf32, #tpu.memory_space<vmem>>, %arg9: memref<1x1x512xi32, #tpu.memory_space<vmem>>, %arg10: memref<1x1x512xf32, #tpu.memory_space<vmem>>, %arg11: memref<1x1xf32, #tpu.memory_space<vmem>>, %arg12: memref<256x4096xf32, #tpu.memory_space<vmem>>, %arg13: memref<256x512xf32, #tpu.memory_space<vmem>>, %arg14: memref<256x1xf32, #tpu.memory_space<vmem>>) attributes {dimension_semantics = [#tpu.dimension_semantics<arbitrary>], iteration_bounds = array<i64: 16>, scalar_prefetch = 0 : i64, scratch_operands = 3 : i64, tpu.core_type = #tpu.core_type<tc>, window_params = [{transform_indices = @transform_0, window_bounds = array<i64: 256, 128>}, {transform_indices = @transform_1, window_bounds = array<i64: 256, 1>}, {transform_indices = @transform_2, window_bounds = array<i64: 256, 1>}, {transform_indices = @transform_3, window_bounds = array<i64: 256, 1>}, {pipeline_mode = #tpu.pipeline_mode<synchronous>, transform_indices = @transform_4, window_bounds = array<i64: 4096, 128>}, {pipeline_mode = #tpu.pipeline_mode<synchronous>, transform_indices = @transform_5, window_bounds = array<i64: 1, 4096>}, {pipeline_mode = #tpu.pipeline_mode<synchronous>, transform_indices = @transform_6, window_bounds = array<i64: 1, 4096>}, {transform_indices = @transform_7, window_bounds = array<i64: 1, 512, 128>}, {transform_indices = @transform_8, window_bounds = array<i64: 1, 1, 512>}, {transform_indices = @transform_9, window_bounds = array<i64: 1, 1, 512>}, {pipeline_mode = #tpu.pipeline_mode<synchronous>, transform_indices = @transform_10, window_bounds = array<i64: 1, 1>}]} {
    %get3A = arith.constant 0 : index
    %get3A_0 = arith.constant 0 : index
    %get3A_1 = vector.load %arg1[%get3A, %get3A_0] : memref<256x128xf32, #tpu.memory_space<vmem>>, vector<256x128xf32>
    %get3A_2 = arith.constant 0 : index
    %get3A_3 = arith.constant 0 : index
    %get3A_4 = vector.load %arg2[%get3A_2, %get3A_3] : memref<256x1xi32, #tpu.memory_space<vmem>>, vector<256x1xi32>
    %get3A_5 = arith.constant 0 : index
    %get3A_6 = arith.constant 0 : index
    %get3A_7 = vector.load %arg3[%get3A_5, %get3A_6] : memref<256x1xf32, #tpu.memory_space<vmem>>, vector<256x1xf32>
    %get3A_8 = arith.constant 0 : index
    %get3A_9 = arith.constant 0 : index
    %get3A_10 = vector.load %arg5[%get3A_8, %get3A_9] : memref<4096x128xf32, #tpu.memory_space<vmem>>, vector<4096x128xf32>
    %get3A_11 = arith.constant 0 : index
    %get3A_12 = arith.constant 0 : index
    %get3A_13 = vector.load %arg7[%get3A_11, %get3A_12] : memref<1x4096xf32, #tpu.memory_space<vmem>>, vector<1x4096xf32>
    %dot_general3A = arith.constant dense<0.000000e+00> : vector<256x4096xf32>
    %dot_general3A_14 = tpu.matmul %get3A_1, %get3A_10, %dot_general3A {dimension_numbers = #tpu.dot_dimension_numbers<[1], [1], [0], [0], [0, 0, 1, 0], [], []>, transpose_lhs_hint = false} : vector<256x128xf32>, vector<4096x128xf32>, vector<256x4096xf32> -> vector<256x4096xf32>
    %add3A = vector.broadcast %get3A_7 : vector<256x1xf32> to vector<256x4096xf32>
    %add3A_15 = vector.broadcast %get3A_13 : vector<1x4096xf32> to vector<256x4096xf32>
    %add3A_16 = arith.addf %add3A, %add3A_15 : vector<256x4096xf32>
    %mul3A = arith.constant 2.000000e+00 : f32
    %mul3A_17 = vector.broadcast %mul3A : f32 to vector<256x4096xf32>
    %mul3A_18 = arith.mulf %mul3A_17, %dot_general3A_14 : vector<256x4096xf32>
    %sub3A = arith.subf %add3A_16, %mul3A_18 : vector<256x4096xf32>
    %max3A = arith.constant 0.000000e+00 : f32
    %max3A_19 = vector.broadcast %max3A : f32 to vector<256x4096xf32>
    %max3A_20 = arith.maximumf %sub3A, %max3A_19 : vector<256x4096xf32>
    %add3A_21 = arith.constant 9.99999996E-13 : f32
    %add3A_22 = vector.broadcast %add3A_21 : f32 to vector<256x4096xf32>
    %add3A_23 = arith.addf %max3A_20, %add3A_22 : vector<256x4096xf32>
    %sqrt3A = math.sqrt %add3A_23 : vector<256x4096xf32>
    %get3A_24 = arith.constant 0 : index
    %get3A_25 = arith.constant 0 : index
    %get3A_26 = vector.load %arg6[%get3A_24, %get3A_25] : memref<1x4096xi32, #tpu.memory_space<vmem>>, vector<1x4096xi32>
    %eq3A = vector.broadcast %get3A_4 : vector<256x1xi32> to vector<256x4096xi32>
    %eq3A_27 = vector.broadcast %get3A_26 : vector<1x4096xi32> to vector<256x4096xi32>
    %eq3A_28 = arith.cmpi eq, %eq3A, %eq3A_27 : vector<256x4096xi32>
    %neg3A = arith.constant 0.000000e+00 : f32
    %neg3A_29 = vector.broadcast %neg3A : f32 to vector<256x4096xf32>
    %neg3A_30 = arith.subf %neg3A_29, %sqrt3A : vector<256x4096xf32>
    %sub3A_31 = arith.constant 1.000000e-01 : f32
    %sub3A_32 = vector.broadcast %sub3A_31 : f32 to vector<256x4096xf32>
    %sub3A_33 = arith.subf %sub3A_32, %sqrt3A : vector<256x4096xf32>
    %select_n3A = arith.select %eq3A_28, %neg3A_30, %sub3A_33 : vector<256x4096xi1>, vector<256x4096xf32>
    %get3A_34 = arith.constant 0 : index
    %get3A_35 = arith.constant 0 : index
    %get3A_36 = vector.load %arg4[%get3A_34, %get3A_35] : memref<256x1xf32, #tpu.memory_space<vmem>>, vector<256x1xf32>
    %min3A = arith.constant 1.100000e+01 : f32
    %min3A_37 = vector.broadcast %min3A : f32 to vector<256x1xf32>
    %min3A_38 = arith.minimumf %get3A_36, %min3A_37 : vector<256x1xf32>
    %reduce_max3A = vector.shape_cast %min3A_38 : vector<256x1xf32> to vector<1x256x1xf32>
    %reduce_max3A_39 = arith.constant dense<0xFF800000> : vector<1xf32>
    %reduce_max3A_40 = vector.multi_reduction <maximumf>, %reduce_max3A, %reduce_max3A_39 [1, 2] : vector<1x256x1xf32> to vector<1xf32>
    %reduce_max3A_41 = vector.shape_cast %reduce_max3A_40 : vector<1xf32> to vector<1x1x1xf32>
    %reduce_max3A_42 = vector.extract %reduce_max3A_41[0, 0, 0] : f32 from vector<1x1x1xf32>
    %convert_element_type3A = arith.fptosi %reduce_max3A_42 : f32 to i32
    %get3A_43 = arith.constant 0 : index
    %get3A_44 = arith.constant 0 : index
    %get3A_45 = arith.constant 0 : index
    %get3A_46 = vector.load %arg8[%get3A_43, %get3A_44, %get3A_45] : memref<1x512x128xf32, #tpu.memory_space<vmem>>, vector<1x512x128xf32>
    %get3A_47 = vector.shape_cast %get3A_46 : vector<1x512x128xf32> to vector<512x128xf32>
    %get3A_48 = arith.constant 0 : index
    %get3A_49 = arith.constant 0 : index
    %get3A_50 = arith.constant 0 : index
    %get3A_51 = vector.load %arg10[%get3A_48, %get3A_49, %get3A_50] : memref<1x1x512xf32, #tpu.memory_space<vmem>>, vector<1x1x512xf32>
    %get3A_52 = vector.shape_cast %get3A_51 : vector<1x1x512xf32> to vector<1x512xf32>
    %dot_general3A_53 = arith.constant dense<0.000000e+00> : vector<256x512xf32>
    %dot_general3A_54 = tpu.matmul %get3A_1, %get3A_47, %dot_general3A_53 {dimension_numbers = #tpu.dot_dimension_numbers<[1], [1], [0], [0], [0, 0, 1, 0], [], []>, transpose_lhs_hint = false} : vector<256x128xf32>, vector<512x128xf32>, vector<256x512xf32> -> vector<256x512xf32>
    %add3A_55 = vector.broadcast %get3A_7 : vector<256x1xf32> to vector<256x512xf32>
    %add3A_56 = vector.broadcast %get3A_52 : vector<1x512xf32> to vector<256x512xf32>
    %add3A_57 = arith.addf %add3A_55, %add3A_56 : vector<256x512xf32>
    %mul3A_58 = arith.constant 2.000000e+00 : f32
    %mul3A_59 = vector.broadcast %mul3A_58 : f32 to vector<256x512xf32>
    %mul3A_60 = arith.mulf %mul3A_59, %dot_general3A_54 : vector<256x512xf32>
    %sub3A_61 = arith.subf %add3A_57, %mul3A_60 : vector<256x512xf32>
    %max3A_62 = arith.constant 0.000000e+00 : f32
    %max3A_63 = vector.broadcast %max3A_62 : f32 to vector<256x512xf32>
    %max3A_64 = arith.maximumf %sub3A_61, %max3A_63 : vector<256x512xf32>
    %add3A_65 = arith.constant 9.99999996E-13 : f32
    %add3A_66 = vector.broadcast %add3A_65 : f32 to vector<256x512xf32>
    %add3A_67 = arith.addf %max3A_64, %add3A_66 : vector<256x512xf32>
    %sqrt3A_68 = math.sqrt %add3A_67 : vector<256x512xf32>
    %swap3A = arith.constant 0 : index
    %swap3A_69 = arith.constant 0 : index
    %swap3A_70 = vector.load %arg12[%swap3A, %swap3A_69] : memref<256x4096xf32, #tpu.memory_space<vmem>>, vector<256x4096xf32>
    tpu.vector_store %arg12[%swap3A, %swap3A_69], %select_n3A {strides = array<i32>} : memref<256x4096xf32, #tpu.memory_space<vmem>>, vector<256x4096xf32>,
    %get3A_71 = arith.constant 0 : index
    %get3A_72 = arith.constant 0 : index
    %get3A_73 = arith.constant 0 : index
    %get3A_74 = vector.load %arg9[%get3A_71, %get3A_72, %get3A_73] : memref<1x1x512xi32, #tpu.memory_space<vmem>>, vector<1x1x512xi32>
    %get3A_75 = vector.shape_cast %get3A_74 : vector<1x1x512xi32> to vector<1x512xi32>
    %eq3A_76 = vector.broadcast %get3A_4 : vector<256x1xi32> to vector<256x512xi32>
    %eq3A_77 = vector.broadcast %get3A_75 : vector<1x512xi32> to vector<256x512xi32>
    %eq3A_78 = arith.cmpi eq, %eq3A_76, %eq3A_77 : vector<256x512xi32>
    %neg3A_79 = arith.constant 0.000000e+00 : f32
    %neg3A_80 = vector.broadcast %neg3A_79 : f32 to vector<256x512xf32>
    %neg3A_81 = arith.subf %neg3A_80, %sqrt3A_68 : vector<256x512xf32>
    %jit3A = arith.constant 0xFF800000 : f32
    %broadcast_in_dim3A = vector.broadcast %jit3A : f32 to vector<256x512xf32>
    %select_n3A_82 = arith.select %eq3A_78, %neg3A_81, %broadcast_in_dim3A : vector<256x512xi1>, vector<256x512xf32>
    %swap3A_83 = arith.constant 0 : index
    %swap3A_84 = arith.constant 0 : index
    %swap3A_85 = vector.load %arg13[%swap3A_83, %swap3A_84] : memref<256x512xf32, #tpu.memory_space<vmem>>, vector<256x512xf32>
    tpu.vector_store %arg13[%swap3A_83, %swap3A_84], %select_n3A_82 {strides = array<i32>} : memref<256x512xf32, #tpu.memory_space<vmem>>, vector<256x512xf32>,
    %broadcast_in_dim3A_86 = arith.constant 0.000000e+00 : f32
    %broadcast_in_dim3A_87 = vector.broadcast %broadcast_in_dim3A_86 : f32 to vector<256x1xf32>
    %swap3A_88 = arith.constant 0 : index
    %swap3A_89 = arith.constant 0 : index
    %swap3A_90 = vector.load %arg14[%swap3A_88, %swap3A_89] : memref<256x1xf32, #tpu.memory_space<vmem>>, vector<256x1xf32>
    tpu.vector_store %arg14[%swap3A_88, %swap3A_89], %broadcast_in_dim3A_87 {strides = array<i32>} : memref<256x1xf32, #tpu.memory_space<vmem>>, vector<256x1xf32>,
    %ge3A = arith.constant 1 : i32
    %ge3A_91 = arith.cmpi sge, %convert_element_type3A, %ge3A : i32
    %convert_element_type3A_92 = arith.extui %ge3A_91 : i1 to i32
    %cond3A = arith.constant 0xFF800000 : f32
    %cond3A_93 = arith.constant 0 : i32
    %cond3A_94 = arith.cmpi ne, %convert_element_type3A_92, %cond3A_93 : i32
    scf.if %cond3A_94 {
      %get3A_171 = arith.constant 0 : index
      %get3A_172 = arith.constant 0 : index
      %get3A_173 = vector.load %arg12[%get3A_171, %get3A_172] : memref<256x4096xf32, #tpu.memory_space<vmem>>, vector<256x4096xf32>
      %reduce_max3A_174 = arith.constant dense<0xFF800000> : vector<256xf32>
      %reduce_max3A_175 = vector.multi_reduction <maximumf>, %get3A_173, %reduce_max3A_174 [1] : vector<256x4096xf32> to vector<256xf32>
      %broadcast_in_dim3A_176 = vector.shape_cast %reduce_max3A_175 : vector<256xf32> to vector<256x1xf32>
      %eq3A_177 = vector.broadcast %broadcast_in_dim3A_176 : vector<256x1xf32> to vector<256x4096xf32>
      %eq3A_178 = arith.cmpf oeq, %get3A_173, %eq3A_177 : vector<256x4096xf32>
      %broadcast_in_dim3A_179 = vector.broadcast %cond3A : f32 to vector<256x4096xf32>
      %select_n3A_180 = arith.select %eq3A_178, %broadcast_in_dim3A_179, %get3A_173 : vector<256x4096xi1>, vector<256x4096xf32>
      %swap3A_181 = arith.constant 0 : index
      %swap3A_182 = arith.constant 0 : index
      %swap3A_183 = vector.load %arg12[%swap3A_181, %swap3A_182] : memref<256x4096xf32, #tpu.memory_space<vmem>>, vector<256x4096xf32>
      tpu.vector_store %arg12[%swap3A_181, %swap3A_182], %select_n3A_180 {strides = array<i32>} : memref<256x4096xf32, #tpu.memory_space<vmem>>, vector<256x4096xf32>,
      %get3A_184 = arith.constant 0 : index
      %get3A_185 = arith.constant 0 : index
      %get3A_186 = vector.load %arg13[%get3A_184, %get3A_185] : memref<256x512xf32, #tpu.memory_space<vmem>>, vector<256x512xf32>
      %reduce_max3A_187 = arith.constant dense<0xFF800000> : vector<256xf32>
      %reduce_max3A_188 = vector.multi_reduction <maximumf>, %get3A_186, %reduce_max3A_187 [1] : vector<256x512xf32> to vector<256xf32>
      %broadcast_in_dim3A_189 = vector.shape_cast %reduce_max3A_188 : vector<256xf32> to vector<256x1xf32>
      %eq3A_190 = vector.broadcast %broadcast_in_dim3A_189 : vector<256x1xf32> to vector<256x512xf32>
      %eq3A_191 = arith.cmpf oeq, %get3A_186, %eq3A_190 : vector<256x512xf32>
      %broadcast_in_dim3A_192 = vector.broadcast %cond3A : f32 to vector<256x512xf32>
      %select_n3A_193 = arith.select %eq3A_191, %broadcast_in_dim3A_192, %get3A_186 : vector<256x512xi1>, vector<256x512xf32>
      %swap3A_194 = arith.constant 0 : index
      %swap3A_195 = arith.constant 0 : index
      %swap3A_196 = vector.load %arg13[%swap3A_194, %swap3A_195] : memref<256x512xf32, #tpu.memory_space<vmem>>, vector<256x512xf32>
      tpu.vector_store %arg13[%swap3A_194, %swap3A_195], %select_n3A_193 {strides = array<i32>} : memref<256x512xf32, #tpu.memory_space<vmem>>, vector<256x512xf32>,
      %gt3A_197 = vector.broadcast %broadcast_in_dim3A_189 : vector<256x1xf32> to vector<256x4096xf32>
      %gt3A_198 = arith.cmpf ogt, %select_n3A, %gt3A_197 : vector<256x4096xf32>
      %convert_element_type3A_199 = arith.extui %gt3A_198 : vector<256x4096xi1> to vector<256x4096xi32>
      %convert_element_type3A_200 = arith.sitofp %convert_element_type3A_199 : vector<256x4096xi32> to vector<256x4096xf32>
      %reduce_sum3A_201 = arith.constant dense<0.000000e+00> : vector<256xf32>
      %reduce_sum3A_202 = vector.multi_reduction <add>, %convert_element_type3A_200, %reduce_sum3A_201 [1] : vector<256x4096xf32> to vector<256xf32>
      %broadcast_in_dim3A_203 = vector.shape_cast %reduce_sum3A_202 : vector<256xf32> to vector<256x1xf32>
      %add3A_204 = arith.constant 2.000000e+00 : f32
      %add3A_205 = vector.broadcast %add3A_204 : f32 to vector<256x1xf32>
      %add3A_206 = arith.addf %add3A_205, %broadcast_in_dim3A_203 : vector<256x1xf32>
      %log3A = math.log %add3A_206 : vector<256x1xf32>
      %log3A_207 = arith.constant 2.000000e+00 : f32
      %log3A_208 = math.log %log3A_207 : f32
      %div3A = vector.broadcast %log3A_208 : f32 to vector<256x1xf32>
      %div3A_209 = arith.divf %log3A, %div3A : vector<256x1xf32>
      %div3A_210 = arith.constant 1.000000e+00 : f32
      %div3A_211 = vector.broadcast %div3A_210 : f32 to vector<256x1xf32>
      %div3A_212 = arith.divf %div3A_211, %div3A_209 : vector<256x1xf32>
      %add3A_213 = arith.constant 1.000000e+00 : f32
      %add3A_214 = vector.broadcast %add3A_213 : f32 to vector<256x1xf32>
      %add3A_215 = arith.addf %div3A_212, %add3A_214 : vector<256x1xf32>
      %get3A_216 = arith.constant 0 : index
      %get3A_217 = arith.constant 0 : index
      %get3A_218 = vector.load %arg14[%get3A_216, %get3A_217] : memref<256x1xf32, #tpu.memory_space<vmem>>, vector<256x1xf32>
      %ge3A_219 = arith.constant 1.000000e+00 : f32
      %ge3A_220 = vector.broadcast %ge3A_219 : f32 to vector<256x1xf32>
      %ge3A_221 = arith.cmpf oge, %min3A_38, %ge3A_220 : vector<256x1xf32>
      %mul3A_222 = arith.constant 2.000000e+00 : f32
      %mul3A_223 = vector.broadcast %mul3A_222 : f32 to vector<256x1xf32>
      %mul3A_224 = arith.mulf %broadcast_in_dim3A_176, %mul3A_223 : vector<256x1xf32>
      %jit3A_225 = arith.constant 0.000000e+00 : f32
      %broadcast_in_dim3A_226 = vector.broadcast %jit3A_225 : f32 to vector<256x1xf32>
      %select_n3A_227 = arith.select %ge3A_221, %mul3A_224, %broadcast_in_dim3A_226 : vector<256x1xi1>, vector<256x1xf32>
      %gt3A_228 = arith.constant 0.000000e+00 : f32
      %gt3A_229 = vector.broadcast %gt3A_228 : f32 to vector<256x1xf32>
      %gt3A_230 = arith.cmpf ogt, %min3A_38, %gt3A_229 : vector<256x1xf32>
      %mul3A_231 = arith.mulf %broadcast_in_dim3A_189, %add3A_215 : vector<256x1xf32>
      %jit3A_232 = arith.constant 0.000000e+00 : f32
      %broadcast_in_dim3A_233 = vector.broadcast %jit3A_232 : f32 to vector<256x1xf32>
      %select_n3A_234 = arith.select %gt3A_230, %mul3A_231, %broadcast_in_dim3A_233 : vector<256x1xi1>, vector<256x1xf32>
      %sub3A_235 = arith.subf %select_n3A_227, %select_n3A_234 : vector<256x1xf32>
      %add3A_236 = arith.addf %get3A_218, %sub3A_235 : vector<256x1xf32>
      %swap3A_237 = arith.constant 0 : index
      %swap3A_238 = arith.constant 0 : index
      %swap3A_239 = vector.load %arg14[%swap3A_237, %swap3A_238] : memref<256x1xf32, #tpu.memory_space<vmem>>, vector<256x1xf32>
      tpu.vector_store %arg14[%swap3A_237, %swap3A_238], %add3A_236 {strides = array<i32>} : memref<256x1xf32, #tpu.memory_space<vmem>>, vector<256x1xf32>,
    } else {
    }
    %ge3A_95 = arith.constant 2 : i32
    %ge3A_96 = arith.cmpi sge, %convert_element_type3A, %ge3A_95 : i32
    %convert_element_type3A_97 = arith.extui %ge3A_96 : i1 to i32
    %cond3A_98 = arith.constant 0xFF800000 : f32
    %cond3A_99 = arith.constant 0 : i32
    %cond3A_100 = arith.cmpi ne, %convert_element_type3A_97, %cond3A_99 : i32
    scf.if %cond3A_100 {
      %get3A_171 = arith.constant 0 : index
      %get3A_172 = arith.constant 0 : index
      %get3A_173 = vector.load %arg12[%get3A_171, %get3A_172] : memref<256x4096xf32, #tpu.memory_space<vmem>>, vector<256x4096xf32>
      %reduce_max3A_174 = arith.constant dense<0xFF800000> : vector<256xf32>
      %reduce_max3A_175 = vector.multi_reduction <maximumf>, %get3A_173, %reduce_max3A_174 [1] : vector<256x4096xf32> to vector<256xf32>
      %broadcast_in_dim3A_176 = vector.shape_cast %reduce_max3A_175 : vector<256xf32> to vector<256x1xf32>
      %eq3A_177 = vector.broadcast %broadcast_in_dim3A_176 : vector<256x1xf32> to vector<256x4096xf32>
      %eq3A_178 = arith.cmpf oeq, %get3A_173, %eq3A_177 : vector<256x4096xf32>
      %broadcast_in_dim3A_179 = vector.broadcast %cond3A_98 : f32 to vector<256x4096xf32>
      %select_n3A_180 = arith.select %eq3A_178, %broadcast_in_dim3A_179, %get3A_173 : vector<256x4096xi1>, vector<256x4096xf32>
      %swap3A_181 = arith.constant 0 : index
      %swap3A_182 = arith.constant 0 : index
      %swap3A_183 = vector.load %arg12[%swap3A_181, %swap3A_182] : memref<256x4096xf32, #tpu.memory_space<vmem>>, vector<256x4096xf32>
      tpu.vector_store %arg12[%swap3A_181, %swap3A_182], %select_n3A_180 {strides = array<i32>} : memref<256x4096xf32, #tpu.memory_space<vmem>>, vector<256x4096xf32>,
      %get3A_184 = arith.constant 0 : index
      %get3A_185 = arith.constant 0 : index
      %get3A_186 = vector.load %arg13[%get3A_184, %get3A_185] : memref<256x512xf32, #tpu.memory_space<vmem>>, vector<256x512xf32>
      %reduce_max3A_187 = arith.constant dense<0xFF800000> : vector<256xf32>
      %reduce_max3A_188 = vector.multi_reduction <maximumf>, %get3A_186, %reduce_max3A_187 [1] : vector<256x512xf32> to vector<256xf32>
      %broadcast_in_dim3A_189 = vector.shape_cast %reduce_max3A_188 : vector<256xf32> to vector<256x1xf32>
      %eq3A_190 = vector.broadcast %broadcast_in_dim3A_189 : vector<256x1xf32> to vector<256x512xf32>
      %eq3A_191 = arith.cmpf oeq, %get3A_186, %eq3A_190 : vector<256x512xf32>
      %broadcast_in_dim3A_192 = vector.broadcast %cond3A_98 : f32 to vector<256x512xf32>
      %select_n3A_193 = arith.select %eq3A_191, %broadcast_in_dim3A_192, %get3A_186 : vector<256x512xi1>, vector<256x512xf32>
      %swap3A_194 = arith.constant 0 : index
      %swap3A_195 = arith.constant 0 : index
      %swap3A_196 = vector.load %arg13[%swap3A_194, %swap3A_195] : memref<256x512xf32, #tpu.memory_space<vmem>>, vector<256x512xf32>
      tpu.vector_store %arg13[%swap3A_194, %swap3A_195], %select_n3A_193 {strides = array<i32>} : memref<256x512xf32, #tpu.memory_space<vmem>>, vector<256x512xf32>,
      %gt3A_197 = vector.broadcast %broadcast_in_dim3A_189 : vector<256x1xf32> to vector<256x4096xf32>
      %gt3A_198 = arith.cmpf ogt, %select_n3A, %gt3A_197 : vector<256x4096xf32>
      %convert_element_type3A_199 = arith.extui %gt3A_198 : vector<256x4096xi1> to vector<256x4096xi32>
      %convert_element_type3A_200 = arith.sitofp %convert_element_type3A_199 : vector<256x4096xi32> to vector<256x4096xf32>
      %reduce_sum3A_201 = arith.constant dense<0.000000e+00> : vector<256xf32>
      %reduce_sum3A_202 = vector.multi_reduction <add>, %convert_element_type3A_200, %reduce_sum3A_201 [1] : vector<256x4096xf32> to vector<256xf32>
      %broadcast_in_dim3A_203 = vector.shape_cast %reduce_sum3A_202 : vector<256xf32> to vector<256x1xf32>
      %add3A_204 = arith.constant 2.000000e+00 : f32
      %add3A_205 = vector.broadcast %add3A_204 : f32 to vector<256x1xf32>
      %add3A_206 = arith.addf %add3A_205, %broadcast_in_dim3A_203 : vector<256x1xf32>
      %log3A = math.log %add3A_206 : vector<256x1xf32>
      %log3A_207 = arith.constant 2.000000e+00 : f32
      %log3A_208 = math.log %log3A_207 : f32
      %div3A = vector.broadcast %log3A_208 : f32 to vector<256x1xf32>
      %div3A_209 = arith.divf %log3A, %div3A : vector<256x1xf32>
      %div3A_210 = arith.constant 1.000000e+00 : f32
      %div3A_211 = vector.broadcast %div3A_210 : f32 to vector<256x1xf32>
      %div3A_212 = arith.divf %div3A_211, %div3A_209 : vector<256x1xf32>
      %add3A_213 = arith.constant 1.000000e+00 : f32
      %add3A_214 = vector.broadcast %add3A_213 : f32 to vector<256x1xf32>
      %add3A_215 = arith.addf %div3A_212, %add3A_214 : vector<256x1xf32>
      %get3A_216 = arith.constant 0 : index
      %get3A_217 = arith.constant 0 : index
      %get3A_218 = vector.load %arg14[%get3A_216, %get3A_217] : memref<256x1xf32, #tpu.memory_space<vmem>>, vector<256x1xf32>
      %ge3A_219 = arith.constant 2.000000e+00 : f32
      %ge3A_220 = vector.broadcast %ge3A_219 : f32 to vector<256x1xf32>
      %ge3A_221 = arith.cmpf oge, %min3A_38, %ge3A_220 : vector<256x1xf32>
      %mul3A_222 = arith.constant 1.63092971 : f32
      %mul3A_223 = vector.broadcast %mul3A_222 : f32 to vector<256x1xf32>
      %mul3A_224 = arith.mulf %broadcast_in_dim3A_176, %mul3A_223 : vector<256x1xf32>
      %jit3A_225 = arith.constant 0.000000e+00 : f32
      %broadcast_in_dim3A_226 = vector.broadcast %jit3A_225 : f32 to vector<256x1xf32>
      %select_n3A_227 = arith.select %ge3A_221, %mul3A_224, %broadcast_in_dim3A_226 : vector<256x1xi1>, vector<256x1xf32>
      %gt3A_228 = arith.constant 1.000000e+00 : f32
      %gt3A_229 = vector.broadcast %gt3A_228 : f32 to vector<256x1xf32>
      %gt3A_230 = arith.cmpf ogt, %min3A_38, %gt3A_229 : vector<256x1xf32>
      %mul3A_231 = arith.mulf %broadcast_in_dim3A_189, %add3A_215 : vector<256x1xf32>
      %jit3A_232 = arith.constant 0.000000e+00 : f32
      %broadcast_in_dim3A_233 = vector.broadcast %jit3A_232 : f32 to vector<256x1xf32>
      %select_n3A_234 = arith.select %gt3A_230, %mul3A_231, %broadcast_in_dim3A_233 : vector<256x1xi1>, vector<256x1xf32>
      %sub3A_235 = arith.subf %select_n3A_227, %select_n3A_234 : vector<256x1xf32>
      %add3A_236 = arith.addf %get3A_218, %sub3A_235 : vector<256x1xf32>
      %swap3A_237 = arith.constant 0 : index
      %swap3A_238 = arith.constant 0 : index
      %swap3A_239 = vector.load %arg14[%swap3A_237, %swap3A_238] : memref<256x1xf32, #tpu.memory_space<vmem>>, vector<256x1xf32>
      tpu.vector_store %arg14[%swap3A_237, %swap3A_238], %add3A_236 {strides = array<i32>} : memref<256x1xf32, #tpu.memory_space<vmem>>, vector<256x1xf32>,
    } else {
    }
    %ge3A_101 = arith.constant 3 : i32
    %ge3A_102 = arith.cmpi sge, %convert_element_type3A, %ge3A_101 : i32
    %convert_element_type3A_103 = arith.extui %ge3A_102 : i1 to i32
    %cond3A_104 = arith.constant 0xFF800000 : f32
    %cond3A_105 = arith.constant 0 : i32
    %cond3A_106 = arith.cmpi ne, %convert_element_type3A_103, %cond3A_105 : i32
    scf.if %cond3A_106 {
      %get3A_171 = arith.constant 0 : index
      %get3A_172 = arith.constant 0 : index
      %get3A_173 = vector.load %arg12[%get3A_171, %get3A_172] : memref<256x4096xf32, #tpu.memory_space<vmem>>, vector<256x4096xf32>
      %reduce_max3A_174 = arith.constant dense<0xFF800000> : vector<256xf32>
      %reduce_max3A_175 = vector.multi_reduction <maximumf>, %get3A_173, %reduce_max3A_174 [1] : vector<256x4096xf32> to vector<256xf32>
      %broadcast_in_dim3A_176 = vector.shape_cast %reduce_max3A_175 : vector<256xf32> to vector<256x1xf32>
      %eq3A_177 = vector.broadcast %broadcast_in_dim3A_176 : vector<256x1xf32> to vector<256x4096xf32>
      %eq3A_178 = arith.cmpf oeq, %get3A_173, %eq3A_177 : vector<256x4096xf32>
      %broadcast_in_dim3A_179 = vector.broadcast %cond3A_104 : f32 to vector<256x4096xf32>
      %select_n3A_180 = arith.select %eq3A_178, %broadcast_in_dim3A_179, %get3A_173 : vector<256x4096xi1>, vector<256x4096xf32>
      %swap3A_181 = arith.constant 0 : index
      %swap3A_182 = arith.constant 0 : index
      %swap3A_183 = vector.load %arg12[%swap3A_181, %swap3A_182] : memref<256x4096xf32, #tpu.memory_space<vmem>>, vector<256x4096xf32>
      tpu.vector_store %arg12[%swap3A_181, %swap3A_182], %select_n3A_180 {strides = array<i32>} : memref<256x4096xf32, #tpu.memory_space<vmem>>, vector<256x4096xf32>,
      %get3A_184 = arith.constant 0 : index
      %get3A_185 = arith.constant 0 : index
      %get3A_186 = vector.load %arg13[%get3A_184, %get3A_185] : memref<256x512xf32, #tpu.memory_space<vmem>>, vector<256x512xf32>
      %reduce_max3A_187 = arith.constant dense<0xFF800000> : vector<256xf32>
      %reduce_max3A_188 = vector.multi_reduction <maximumf>, %get3A_186, %reduce_max3A_187 [1] : vector<256x512xf32> to vector<256xf32>
      %broadcast_in_dim3A_189 = vector.shape_cast %reduce_max3A_188 : vector<256xf32> to vector<256x1xf32>
      %eq3A_190 = vector.broadcast %broadcast_in_dim3A_189 : vector<256x1xf32> to vector<256x512xf32>
      %eq3A_191 = arith.cmpf oeq, %get3A_186, %eq3A_190 : vector<256x512xf32>
      %broadcast_in_dim3A_192 = vector.broadcast %cond3A_104 : f32 to vector<256x512xf32>
      %select_n3A_193 = arith.select %eq3A_191, %broadcast_in_dim3A_192, %get3A_186 : vector<256x512xi1>, vector<256x512xf32>
      %swap3A_194 = arith.constant 0 : index
      %swap3A_195 = arith.constant 0 : index
      %swap3A_196 = vector.load %arg13[%swap3A_194, %swap3A_195] : memref<256x512xf32, #tpu.memory_space<vmem>>, vector<256x512xf32>
      tpu.vector_store %arg13[%swap3A_194, %swap3A_195], %select_n3A_193 {strides = array<i32>} : memref<256x512xf32, #tpu.memory_space<vmem>>, vector<256x512xf32>,
      %gt3A_197 = vector.broadcast %broadcast_in_dim3A_189 : vector<256x1xf32> to vector<256x4096xf32>
      %gt3A_198 = arith.cmpf ogt, %select_n3A, %gt3A_197 : vector<256x4096xf32>
      %convert_element_type3A_199 = arith.extui %gt3A_198 : vector<256x4096xi1> to vector<256x4096xi32>
      %convert_element_type3A_200 = arith.sitofp %convert_element_type3A_199 : vector<256x4096xi32> to vector<256x4096xf32>
      %reduce_sum3A_201 = arith.constant dense<0.000000e+00> : vector<256xf32>
      %reduce_sum3A_202 = vector.multi_reduction <add>, %convert_element_type3A_200, %reduce_sum3A_201 [1] : vector<256x4096xf32> to vector<256xf32>
      %broadcast_in_dim3A_203 = vector.shape_cast %reduce_sum3A_202 : vector<256xf32> to vector<256x1xf32>
      %add3A_204 = arith.constant 2.000000e+00 : f32
      %add3A_205 = vector.broadcast %add3A_204 : f32 to vector<256x1xf32>
      %add3A_206 = arith.addf %add3A_205, %broadcast_in_dim3A_203 : vector<256x1xf32>
      %log3A = math.log %add3A_206 : vector<256x1xf32>
      %log3A_207 = arith.constant 2.000000e+00 : f32
      %log3A_208 = math.log %log3A_207 : f32
      %div3A = vector.broadcast %log3A_208 : f32 to vector<256x1xf32>
      %div3A_209 = arith.divf %log3A, %div3A : vector<256x1xf32>
      %div3A_210 = arith.constant 1.000000e+00 : f32
      %div3A_211 = vector.broadcast %div3A_210 : f32 to vector<256x1xf32>
      %div3A_212 = arith.divf %div3A_211, %div3A_209 : vector<256x1xf32>
      %add3A_213 = arith.constant 1.000000e+00 : f32
      %add3A_214 = vector.broadcast %add3A_213 : f32 to vector<256x1xf32>
      %add3A_215 = arith.addf %div3A_212, %add3A_214 : vector<256x1xf32>
      %get3A_216 = arith.constant 0 : index
      %get3A_217 = arith.constant 0 : index
      %get3A_218 = vector.load %arg14[%get3A_216, %get3A_217] : memref<256x1xf32, #tpu.memory_space<vmem>>, vector<256x1xf32>
      %ge3A_219 = arith.constant 3.000000e+00 : f32
      %ge3A_220 = vector.broadcast %ge3A_219 : f32 to vector<256x1xf32>
      %ge3A_221 = arith.cmpf oge, %min3A_38, %ge3A_220 : vector<256x1xf32>
      %mul3A_222 = arith.constant 1.500000e+00 : f32
      %mul3A_223 = vector.broadcast %mul3A_222 : f32 to vector<256x1xf32>
      %mul3A_224 = arith.mulf %broadcast_in_dim3A_176, %mul3A_223 : vector<256x1xf32>
      %jit3A_225 = arith.constant 0.000000e+00 : f32
      %broadcast_in_dim3A_226 = vector.broadcast %jit3A_225 : f32 to vector<256x1xf32>
      %select_n3A_227 = arith.select %ge3A_221, %mul3A_224, %broadcast_in_dim3A_226 : vector<256x1xi1>, vector<256x1xf32>
      %gt3A_228 = arith.constant 2.000000e+00 : f32
      %gt3A_229 = vector.broadcast %gt3A_228 : f32 to vector<256x1xf32>
      %gt3A_230 = arith.cmpf ogt, %min3A_38, %gt3A_229 : vector<256x1xf32>
      %mul3A_231 = arith.mulf %broadcast_in_dim3A_189, %add3A_215 : vector<256x1xf32>
      %jit3A_232 = arith.constant 0.000000e+00 : f32
      %broadcast_in_dim3A_233 = vector.broadcast %jit3A_232 : f32 to vector<256x1xf32>
      %select_n3A_234 = arith.select %gt3A_230, %mul3A_231, %broadcast_in_dim3A_233 : vector<256x1xi1>, vector<256x1xf32>
      %sub3A_235 = arith.subf %select_n3A_227, %select_n3A_234 : vector<256x1xf32>
      %add3A_236 = arith.addf %get3A_218, %sub3A_235 : vector<256x1xf32>
      %swap3A_237 = arith.constant 0 : index
      %swap3A_238 = arith.constant 0 : index
      %swap3A_239 = vector.load %arg14[%swap3A_237, %swap3A_238] : memref<256x1xf32, #tpu.memory_space<vmem>>, vector<256x1xf32>
      tpu.vector_store %arg14[%swap3A_237, %swap3A_238], %add3A_236 {strides = array<i32>} : memref<256x1xf32, #tpu.memory_space<vmem>>, vector<256x1xf32>,
    } else {
    }
    %ge3A_107 = arith.constant 4 : i32
    %ge3A_108 = arith.cmpi sge, %convert_element_type3A, %ge3A_107 : i32
    %convert_element_type3A_109 = arith.extui %ge3A_108 : i1 to i32
    %cond3A_110 = arith.constant 0xFF800000 : f32
    %cond3A_111 = arith.constant 0 : i32
    %cond3A_112 = arith.cmpi ne, %convert_element_type3A_109, %cond3A_111 : i32
    scf.if %cond3A_112 {
      %get3A_171 = arith.constant 0 : index
      %get3A_172 = arith.constant 0 : index
      %get3A_173 = vector.load %arg12[%get3A_171, %get3A_172] : memref<256x4096xf32, #tpu.memory_space<vmem>>, vector<256x4096xf32>
      %reduce_max3A_174 = arith.constant dense<0xFF800000> : vector<256xf32>
      %reduce_max3A_175 = vector.multi_reduction <maximumf>, %get3A_173, %reduce_max3A_174 [1] : vector<256x4096xf32> to vector<256xf32>
      %broadcast_in_dim3A_176 = vector.shape_cast %reduce_max3A_175 : vector<256xf32> to vector<256x1xf32>
      %eq3A_177 = vector.broadcast %broadcast_in_dim3A_176 : vector<256x1xf32> to vector<256x4096xf32>
      %eq3A_178 = arith.cmpf oeq, %get3A_173, %eq3A_177 : vector<256x4096xf32>
      %broadcast_in_dim3A_179 = vector.broadcast %cond3A_110 : f32 to vector<256x4096xf32>
      %select_n3A_180 = arith.select %eq3A_178, %broadcast_in_dim3A_179, %get3A_173 : vector<256x4096xi1>, vector<256x4096xf32>
      %swap3A_181 = arith.constant 0 : index
      %swap3A_182 = arith.constant 0 : index
      %swap3A_183 = vector.load %arg12[%swap3A_181, %swap3A_182] : memref<256x4096xf32, #tpu.memory_space<vmem>>, vector<256x4096xf32>
      tpu.vector_store %arg12[%swap3A_181, %swap3A_182], %select_n3A_180 {strides = array<i32>} : memref<256x4096xf32, #tpu.memory_space<vmem>>, vector<256x4096xf32>,
      %get3A_184 = arith.constant 0 : index
      %get3A_185 = arith.constant 0 : index
      %get3A_186 = vector.load %arg13[%get3A_184, %get3A_185] : memref<256x512xf32, #tpu.memory_space<vmem>>, vector<256x512xf32>
      %reduce_max3A_187 = arith.constant dense<0xFF800000> : vector<256xf32>
      %reduce_max3A_188 = vector.multi_reduction <maximumf>, %get3A_186, %reduce_max3A_187 [1] : vector<256x512xf32> to vector<256xf32>
      %broadcast_in_dim3A_189 = vector.shape_cast %reduce_max3A_188 : vector<256xf32> to vector<256x1xf32>
      %eq3A_190 = vector.broadcast %broadcast_in_dim3A_189 : vector<256x1xf32> to vector<256x512xf32>
      %eq3A_191 = arith.cmpf oeq, %get3A_186, %eq3A_190 : vector<256x512xf32>
      %broadcast_in_dim3A_192 = vector.broadcast %cond3A_110 : f32 to vector<256x512xf32>
      %select_n3A_193 = arith.select %eq3A_191, %broadcast_in_dim3A_192, %get3A_186 : vector<256x512xi1>, vector<256x512xf32>
      %swap3A_194 = arith.constant 0 : index
      %swap3A_195 = arith.constant 0 : index
      %swap3A_196 = vector.load %arg13[%swap3A_194, %swap3A_195] : memref<256x512xf32, #tpu.memory_space<vmem>>, vector<256x512xf32>
      tpu.vector_store %arg13[%swap3A_194, %swap3A_195], %select_n3A_193 {strides = array<i32>} : memref<256x512xf32, #tpu.memory_space<vmem>>, vector<256x512xf32>,
      %gt3A_197 = vector.broadcast %broadcast_in_dim3A_189 : vector<256x1xf32> to vector<256x4096xf32>
      %gt3A_198 = arith.cmpf ogt, %select_n3A, %gt3A_197 : vector<256x4096xf32>
      %convert_element_type3A_199 = arith.extui %gt3A_198 : vector<256x4096xi1> to vector<256x4096xi32>
      %convert_element_type3A_200 = arith.sitofp %convert_element_type3A_199 : vector<256x4096xi32> to vector<256x4096xf32>
      %reduce_sum3A_201 = arith.constant dense<0.000000e+00> : vector<256xf32>
      %reduce_sum3A_202 = vector.multi_reduction <add>, %convert_element_type3A_200, %reduce_sum3A_201 [1] : vector<256x4096xf32> to vector<256xf32>
      %broadcast_in_dim3A_203 = vector.shape_cast %reduce_sum3A_202 : vector<256xf32> to vector<256x1xf32>
      %add3A_204 = arith.constant 2.000000e+00 : f32
      %add3A_205 = vector.broadcast %add3A_204 : f32 to vector<256x1xf32>
      %add3A_206 = arith.addf %add3A_205, %broadcast_in_dim3A_203 : vector<256x1xf32>
      %log3A = math.log %add3A_206 : vector<256x1xf32>
      %log3A_207 = arith.constant 2.000000e+00 : f32
      %log3A_208 = math.log %log3A_207 : f32
      %div3A = vector.broadcast %log3A_208 : f32 to vector<256x1xf32>
      %div3A_209 = arith.divf %log3A, %div3A : vector<256x1xf32>
      %div3A_210 = arith.constant 1.000000e+00 : f32
      %div3A_211 = vector.broadcast %div3A_210 : f32 to vector<256x1xf32>
      %div3A_212 = arith.divf %div3A_211, %div3A_209 : vector<256x1xf32>
      %add3A_213 = arith.constant 1.000000e+00 : f32
      %add3A_214 = vector.broadcast %add3A_213 : f32 to vector<256x1xf32>
      %add3A_215 = arith.addf %div3A_212, %add3A_214 : vector<256x1xf32>
      %get3A_216 = arith.constant 0 : index
      %get3A_217 = arith.constant 0 : index
      %get3A_218 = vector.load %arg14[%get3A_216, %get3A_217] : memref<256x1xf32, #tpu.memory_space<vmem>>, vector<256x1xf32>
      %ge3A_219 = arith.constant 4.000000e+00 : f32
      %ge3A_220 = vector.broadcast %ge3A_219 : f32 to vector<256x1xf32>
      %ge3A_221 = arith.cmpf oge, %min3A_38, %ge3A_220 : vector<256x1xf32>
      %mul3A_222 = arith.constant 1.43067658 : f32
      %mul3A_223 = vector.broadcast %mul3A_222 : f32 to vector<256x1xf32>
      %mul3A_224 = arith.mulf %broadcast_in_dim3A_176, %mul3A_223 : vector<256x1xf32>
      %jit3A_225 = arith.constant 0.000000e+00 : f32
      %broadcast_in_dim3A_226 = vector.broadcast %jit3A_225 : f32 to vector<256x1xf32>
      %select_n3A_227 = arith.select %ge3A_221, %mul3A_224, %broadcast_in_dim3A_226 : vector<256x1xi1>, vector<256x1xf32>
      %gt3A_228 = arith.constant 3.000000e+00 : f32
      %gt3A_229 = vector.broadcast %gt3A_228 : f32 to vector<256x1xf32>
      %gt3A_230 = arith.cmpf ogt, %min3A_38, %gt3A_229 : vector<256x1xf32>
      %mul3A_231 = arith.mulf %broadcast_in_dim3A_189, %add3A_215 : vector<256x1xf32>
      %jit3A_232 = arith.constant 0.000000e+00 : f32
      %broadcast_in_dim3A_233 = vector.broadcast %jit3A_232 : f32 to vector<256x1xf32>
      %select_n3A_234 = arith.select %gt3A_230, %mul3A_231, %broadcast_in_dim3A_233 : vector<256x1xi1>, vector<256x1xf32>
      %sub3A_235 = arith.subf %select_n3A_227, %select_n3A_234 : vector<256x1xf32>
      %add3A_236 = arith.addf %get3A_218, %sub3A_235 : vector<256x1xf32>
      %swap3A_237 = arith.constant 0 : index
      %swap3A_238 = arith.constant 0 : index
      %swap3A_239 = vector.load %arg14[%swap3A_237, %swap3A_238] : memref<256x1xf32, #tpu.memory_space<vmem>>, vector<256x1xf32>
      tpu.vector_store %arg14[%swap3A_237, %swap3A_238], %add3A_236 {strides = array<i32>} : memref<256x1xf32, #tpu.memory_space<vmem>>, vector<256x1xf32>,
    } else {
    }
    %ge3A_113 = arith.constant 5 : i32
    %ge3A_114 = arith.cmpi sge, %convert_element_type3A, %ge3A_113 : i32
    %convert_element_type3A_115 = arith.extui %ge3A_114 : i1 to i32
    %cond3A_116 = arith.constant 0xFF800000 : f32
    %cond3A_117 = arith.constant 0 : i32
    %cond3A_118 = arith.cmpi ne, %convert_element_type3A_115, %cond3A_117 : i32
    scf.if %cond3A_118 {
      %get3A_171 = arith.constant 0 : index
      %get3A_172 = arith.constant 0 : index
      %get3A_173 = vector.load %arg12[%get3A_171, %get3A_172] : memref<256x4096xf32, #tpu.memory_space<vmem>>, vector<256x4096xf32>
      %reduce_max3A_174 = arith.constant dense<0xFF800000> : vector<256xf32>
      %reduce_max3A_175 = vector.multi_reduction <maximumf>, %get3A_173, %reduce_max3A_174 [1] : vector<256x4096xf32> to vector<256xf32>
      %broadcast_in_dim3A_176 = vector.shape_cast %reduce_max3A_175 : vector<256xf32> to vector<256x1xf32>
      %eq3A_177 = vector.broadcast %broadcast_in_dim3A_176 : vector<256x1xf32> to vector<256x4096xf32>
      %eq3A_178 = arith.cmpf oeq, %get3A_173, %eq3A_177 : vector<256x4096xf32>
      %broadcast_in_dim3A_179 = vector.broadcast %cond3A_116 : f32 to vector<256x4096xf32>
      %select_n3A_180 = arith.select %eq3A_178, %broadcast_in_dim3A_179, %get3A_173 : vector<256x4096xi1>, vector<256x4096xf32>
      %swap3A_181 = arith.constant 0 : index
      %swap3A_182 = arith.constant 0 : index
      %swap3A_183 = vector.load %arg12[%swap3A_181, %swap3A_182] : memref<256x4096xf32, #tpu.memory_space<vmem>>, vector<256x4096xf32>
      tpu.vector_store %arg12[%swap3A_181, %swap3A_182], %select_n3A_180 {strides = array<i32>} : memref<256x4096xf32, #tpu.memory_space<vmem>>, vector<256x4096xf32>,
      %get3A_184 = arith.constant 0 : index
      %get3A_185 = arith.constant 0 : index
      %get3A_186 = vector.load %arg13[%get3A_184, %get3A_185] : memref<256x512xf32, #tpu.memory_space<vmem>>, vector<256x512xf32>
      %reduce_max3A_187 = arith.constant dense<0xFF800000> : vector<256xf32>
      %reduce_max3A_188 = vector.multi_reduction <maximumf>, %get3A_186, %reduce_max3A_187 [1] : vector<256x512xf32> to vector<256xf32>
      %broadcast_in_dim3A_189 = vector.shape_cast %reduce_max3A_188 : vector<256xf32> to vector<256x1xf32>
      %eq3A_190 = vector.broadcast %broadcast_in_dim3A_189 : vector<256x1xf32> to vector<256x512xf32>
      %eq3A_191 = arith.cmpf oeq, %get3A_186, %eq3A_190 : vector<256x512xf32>
      %broadcast_in_dim3A_192 = vector.broadcast %cond3A_116 : f32 to vector<256x512xf32>
      %select_n3A_193 = arith.select %eq3A_191, %broadcast_in_dim3A_192, %get3A_186 : vector<256x512xi1>, vector<256x512xf32>
      %swap3A_194 = arith.constant 0 : index
      %swap3A_195 = arith.constant 0 : index
      %swap3A_196 = vector.load %arg13[%swap3A_194, %swap3A_195] : memref<256x512xf32, #tpu.memory_space<vmem>>, vector<256x512xf32>
      tpu.vector_store %arg13[%swap3A_194, %swap3A_195], %select_n3A_193 {strides = array<i32>} : memref<256x512xf32, #tpu.memory_space<vmem>>, vector<256x512xf32>,
      %gt3A_197 = vector.broadcast %broadcast_in_dim3A_189 : vector<256x1xf32> to vector<256x4096xf32>
      %gt3A_198 = arith.cmpf ogt, %select_n3A, %gt3A_197 : vector<256x4096xf32>
      %convert_element_type3A_199 = arith.extui %gt3A_198 : vector<256x4096xi1> to vector<256x4096xi32>
      %convert_element_type3A_200 = arith.sitofp %convert_element_type3A_199 : vector<256x4096xi32> to vector<256x4096xf32>
      %reduce_sum3A_201 = arith.constant dense<0.000000e+00> : vector<256xf32>
      %reduce_sum3A_202 = vector.multi_reduction <add>, %convert_element_type3A_200, %reduce_sum3A_201 [1] : vector<256x4096xf32> to vector<256xf32>
      %broadcast_in_dim3A_203 = vector.shape_cast %reduce_sum3A_202 : vector<256xf32> to vector<256x1xf32>
      %add3A_204 = arith.constant 2.000000e+00 : f32
      %add3A_205 = vector.broadcast %add3A_204 : f32 to vector<256x1xf32>
      %add3A_206 = arith.addf %add3A_205, %broadcast_in_dim3A_203 : vector<256x1xf32>
      %log3A = math.log %add3A_206 : vector<256x1xf32>
      %log3A_207 = arith.constant 2.000000e+00 : f32
      %log3A_208 = math.log %log3A_207 : f32
      %div3A = vector.broadcast %log3A_208 : f32 to vector<256x1xf32>
      %div3A_209 = arith.divf %log3A, %div3A : vector<256x1xf32>
      %div3A_210 = arith.constant 1.000000e+00 : f32
      %div3A_211 = vector.broadcast %div3A_210 : f32 to vector<256x1xf32>
      %div3A_212 = arith.divf %div3A_211, %div3A_209 : vector<256x1xf32>
      %add3A_213 = arith.constant 1.000000e+00 : f32
      %add3A_214 = vector.broadcast %add3A_213 : f32 to vector<256x1xf32>
      %add3A_215 = arith.addf %div3A_212, %add3A_214 : vector<256x1xf32>
      %get3A_216 = arith.constant 0 : index
      %get3A_217 = arith.constant 0 : index
      %get3A_218 = vector.load %arg14[%get3A_216, %get3A_217] : memref<256x1xf32, #tpu.memory_space<vmem>>, vector<256x1xf32>
      %ge3A_219 = arith.constant 5.000000e+00 : f32
      %ge3A_220 = vector.broadcast %ge3A_219 : f32 to vector<256x1xf32>
      %ge3A_221 = arith.cmpf oge, %min3A_38, %ge3A_220 : vector<256x1xf32>
      %mul3A_222 = arith.constant 1.38685286 : f32
      %mul3A_223 = vector.broadcast %mul3A_222 : f32 to vector<256x1xf32>
      %mul3A_224 = arith.mulf %broadcast_in_dim3A_176, %mul3A_223 : vector<256x1xf32>
      %jit3A_225 = arith.constant 0.000000e+00 : f32
      %broadcast_in_dim3A_226 = vector.broadcast %jit3A_225 : f32 to vector<256x1xf32>
      %select_n3A_227 = arith.select %ge3A_221, %mul3A_224, %broadcast_in_dim3A_226 : vector<256x1xi1>, vector<256x1xf32>
      %gt3A_228 = arith.constant 4.000000e+00 : f32
      %gt3A_229 = vector.broadcast %gt3A_228 : f32 to vector<256x1xf32>
      %gt3A_230 = arith.cmpf ogt, %min3A_38, %gt3A_229 : vector<256x1xf32>
      %mul3A_231 = arith.mulf %broadcast_in_dim3A_189, %add3A_215 : vector<256x1xf32>
      %jit3A_232 = arith.constant 0.000000e+00 : f32
      %broadcast_in_dim3A_233 = vector.broadcast %jit3A_232 : f32 to vector<256x1xf32>
      %select_n3A_234 = arith.select %gt3A_230, %mul3A_231, %broadcast_in_dim3A_233 : vector<256x1xi1>, vector<256x1xf32>
      %sub3A_235 = arith.subf %select_n3A_227, %select_n3A_234 : vector<256x1xf32>
      %add3A_236 = arith.addf %get3A_218, %sub3A_235 : vector<256x1xf32>
      %swap3A_237 = arith.constant 0 : index
      %swap3A_238 = arith.constant 0 : index
      %swap3A_239 = vector.load %arg14[%swap3A_237, %swap3A_238] : memref<256x1xf32, #tpu.memory_space<vmem>>, vector<256x1xf32>
      tpu.vector_store %arg14[%swap3A_237, %swap3A_238], %add3A_236 {strides = array<i32>} : memref<256x1xf32, #tpu.memory_space<vmem>>, vector<256x1xf32>,
    } else {
    }
    %ge3A_119 = arith.constant 6 : i32
    %ge3A_120 = arith.cmpi sge, %convert_element_type3A, %ge3A_119 : i32
    %convert_element_type3A_121 = arith.extui %ge3A_120 : i1 to i32
    %cond3A_122 = arith.constant 0xFF800000 : f32
    %cond3A_123 = arith.constant 0 : i32
    %cond3A_124 = arith.cmpi ne, %convert_element_type3A_121, %cond3A_123 : i32
    scf.if %cond3A_124 {
      %get3A_171 = arith.constant 0 : index
      %get3A_172 = arith.constant 0 : index
      %get3A_173 = vector.load %arg12[%get3A_171, %get3A_172] : memref<256x4096xf32, #tpu.memory_space<vmem>>, vector<256x4096xf32>
      %reduce_max3A_174 = arith.constant dense<0xFF800000> : vector<256xf32>
      %reduce_max3A_175 = vector.multi_reduction <maximumf>, %get3A_173, %reduce_max3A_174 [1] : vector<256x4096xf32> to vector<256xf32>
      %broadcast_in_dim3A_176 = vector.shape_cast %reduce_max3A_175 : vector<256xf32> to vector<256x1xf32>
      %eq3A_177 = vector.broadcast %broadcast_in_dim3A_176 : vector<256x1xf32> to vector<256x4096xf32>
      %eq3A_178 = arith.cmpf oeq, %get3A_173, %eq3A_177 : vector<256x4096xf32>
      %broadcast_in_dim3A_179 = vector.broadcast %cond3A_122 : f32 to vector<256x4096xf32>
      %select_n3A_180 = arith.select %eq3A_178, %broadcast_in_dim3A_179, %get3A_173 : vector<256x4096xi1>, vector<256x4096xf32>
      %swap3A_181 = arith.constant 0 : index
      %swap3A_182 = arith.constant 0 : index
      %swap3A_183 = vector.load %arg12[%swap3A_181, %swap3A_182] : memref<256x4096xf32, #tpu.memory_space<vmem>>, vector<256x4096xf32>
      tpu.vector_store %arg12[%swap3A_181, %swap3A_182], %select_n3A_180 {strides = array<i32>} : memref<256x4096xf32, #tpu.memory_space<vmem>>, vector<256x4096xf32>,
      %get3A_184 = arith.constant 0 : index
      %get3A_185 = arith.constant 0 : index
      %get3A_186 = vector.load %arg13[%get3A_184, %get3A_185] : memref<256x512xf32, #tpu.memory_space<vmem>>, vector<256x512xf32>
      %reduce_max3A_187 = arith.constant dense<0xFF800000> : vector<256xf32>
      %reduce_max3A_188 = vector.multi_reduction <maximumf>, %get3A_186, %reduce_max3A_187 [1] : vector<256x512xf32> to vector<256xf32>
      %broadcast_in_dim3A_189 = vector.shape_cast %reduce_max3A_188 : vector<256xf32> to vector<256x1xf32>
      %eq3A_190 = vector.broadcast %broadcast_in_dim3A_189 : vector<256x1xf32> to vector<256x512xf32>
      %eq3A_191 = arith.cmpf oeq, %get3A_186, %eq3A_190 : vector<256x512xf32>
      %broadcast_in_dim3A_192 = vector.broadcast %cond3A_122 : f32 to vector<256x512xf32>
      %select_n3A_193 = arith.select %eq3A_191, %broadcast_in_dim3A_192, %get3A_186 : vector<256x512xi1>, vector<256x512xf32>
      %swap3A_194 = arith.constant 0 : index
      %swap3A_195 = arith.constant 0 : index
      %swap3A_196 = vector.load %arg13[%swap3A_194, %swap3A_195] : memref<256x512xf32, #tpu.memory_space<vmem>>, vector<256x512xf32>
      tpu.vector_store %arg13[%swap3A_194, %swap3A_195], %select_n3A_193 {strides = array<i32>} : memref<256x512xf32, #tpu.memory_space<vmem>>, vector<256x512xf32>,
      %gt3A_197 = vector.broadcast %broadcast_in_dim3A_189 : vector<256x1xf32> to vector<256x4096xf32>
      %gt3A_198 = arith.cmpf ogt, %select_n3A, %gt3A_197 : vector<256x4096xf32>
      %convert_element_type3A_199 = arith.extui %gt3A_198 : vector<256x4096xi1> to vector<256x4096xi32>
      %convert_element_type3A_200 = arith.sitofp %convert_element_type3A_199 : vector<256x4096xi32> to vector<256x4096xf32>
      %reduce_sum3A_201 = arith.constant dense<0.000000e+00> : vector<256xf32>
      %reduce_sum3A_202 = vector.multi_reduction <add>, %convert_element_type3A_200, %reduce_sum3A_201 [1] : vector<256x4096xf32> to vector<256xf32>
      %broadcast_in_dim3A_203 = vector.shape_cast %reduce_sum3A_202 : vector<256xf32> to vector<256x1xf32>
      %add3A_204 = arith.constant 2.000000e+00 : f32
      %add3A_205 = vector.broadcast %add3A_204 : f32 to vector<256x1xf32>
      %add3A_206 = arith.addf %add3A_205, %broadcast_in_dim3A_203 : vector<256x1xf32>
      %log3A = math.log %add3A_206 : vector<256x1xf32>
      %log3A_207 = arith.constant 2.000000e+00 : f32
      %log3A_208 = math.log %log3A_207 : f32
      %div3A = vector.broadcast %log3A_208 : f32 to vector<256x1xf32>
      %div3A_209 = arith.divf %log3A, %div3A : vector<256x1xf32>
      %div3A_210 = arith.constant 1.000000e+00 : f32
      %div3A_211 = vector.broadcast %div3A_210 : f32 to vector<256x1xf32>
      %div3A_212 = arith.divf %div3A_211, %div3A_209 : vector<256x1xf32>
      %add3A_213 = arith.constant 1.000000e+00 : f32
      %add3A_214 = vector.broadcast %add3A_213 : f32 to vector<256x1xf32>
      %add3A_215 = arith.addf %div3A_212, %add3A_214 : vector<256x1xf32>
      %get3A_216 = arith.constant 0 : index
      %get3A_217 = arith.constant 0 : index
      %get3A_218 = vector.load %arg14[%get3A_216, %get3A_217] : memref<256x1xf32, #tpu.memory_space<vmem>>, vector<256x1xf32>
      %ge3A_219 = arith.constant 6.000000e+00 : f32
      %ge3A_220 = vector.broadcast %ge3A_219 : f32 to vector<256x1xf32>
      %ge3A_221 = arith.cmpf oge, %min3A_38, %ge3A_220 : vector<256x1xf32>
      %mul3A_222 = arith.constant 1.35620713 : f32
      %mul3A_223 = vector.broadcast %mul3A_222 : f32 to vector<256x1xf32>
      %mul3A_224 = arith.mulf %broadcast_in_dim3A_176, %mul3A_223 : vector<256x1xf32>
      %jit3A_225 = arith.constant 0.000000e+00 : f32
      %broadcast_in_dim3A_226 = vector.broadcast %jit3A_225 : f32 to vector<256x1xf32>
      %select_n3A_227 = arith.select %ge3A_221, %mul3A_224, %broadcast_in_dim3A_226 : vector<256x1xi1>, vector<256x1xf32>
      %gt3A_228 = arith.constant 5.000000e+00 : f32
      %gt3A_229 = vector.broadcast %gt3A_228 : f32 to vector<256x1xf32>
      %gt3A_230 = arith.cmpf ogt, %min3A_38, %gt3A_229 : vector<256x1xf32>
      %mul3A_231 = arith.mulf %broadcast_in_dim3A_189, %add3A_215 : vector<256x1xf32>
      %jit3A_232 = arith.constant 0.000000e+00 : f32
      %broadcast_in_dim3A_233 = vector.broadcast %jit3A_232 : f32 to vector<256x1xf32>
      %select_n3A_234 = arith.select %gt3A_230, %mul3A_231, %broadcast_in_dim3A_233 : vector<256x1xi1>, vector<256x1xf32>
      %sub3A_235 = arith.subf %select_n3A_227, %select_n3A_234 : vector<256x1xf32>
      %add3A_236 = arith.addf %get3A_218, %sub3A_235 : vector<256x1xf32>
      %swap3A_237 = arith.constant 0 : index
      %swap3A_238 = arith.constant 0 : index
      %swap3A_239 = vector.load %arg14[%swap3A_237, %swap3A_238] : memref<256x1xf32, #tpu.memory_space<vmem>>, vector<256x1xf32>
      tpu.vector_store %arg14[%swap3A_237, %swap3A_238], %add3A_236 {strides = array<i32>} : memref<256x1xf32, #tpu.memory_space<vmem>>, vector<256x1xf32>,
    } else {
    }
    %ge3A_125 = arith.constant 7 : i32
    %ge3A_126 = arith.cmpi sge, %convert_element_type3A, %ge3A_125 : i32
    %convert_element_type3A_127 = arith.extui %ge3A_126 : i1 to i32
    %cond3A_128 = arith.constant 0xFF800000 : f32
    %cond3A_129 = arith.constant 0 : i32
    %cond3A_130 = arith.cmpi ne, %convert_element_type3A_127, %cond3A_129 : i32
    scf.if %cond3A_130 {
      %get3A_171 = arith.constant 0 : index
      %get3A_172 = arith.constant 0 : index
      %get3A_173 = vector.load %arg12[%get3A_171, %get3A_172] : memref<256x4096xf32, #tpu.memory_space<vmem>>, vector<256x4096xf32>
      %reduce_max3A_174 = arith.constant dense<0xFF800000> : vector<256xf32>
      %reduce_max3A_175 = vector.multi_reduction <maximumf>, %get3A_173, %reduce_max3A_174 [1] : vector<256x4096xf32> to vector<256xf32>
      %broadcast_in_dim3A_176 = vector.shape_cast %reduce_max3A_175 : vector<256xf32> to vector<256x1xf32>
      %eq3A_177 = vector.broadcast %broadcast_in_dim3A_176 : vector<256x1xf32> to vector<256x4096xf32>
      %eq3A_178 = arith.cmpf oeq, %get3A_173, %eq3A_177 : vector<256x4096xf32>
      %broadcast_in_dim3A_179 = vector.broadcast %cond3A_128 : f32 to vector<256x4096xf32>
      %select_n3A_180 = arith.select %eq3A_178, %broadcast_in_dim3A_179, %get3A_173 : vector<256x4096xi1>, vector<256x4096xf32>
      %swap3A_181 = arith.constant 0 : index
      %swap3A_182 = arith.constant 0 : index
      %swap3A_183 = vector.load %arg12[%swap3A_181, %swap3A_182] : memref<256x4096xf32, #tpu.memory_space<vmem>>, vector<256x4096xf32>
      tpu.vector_store %arg12[%swap3A_181, %swap3A_182], %select_n3A_180 {strides = array<i32>} : memref<256x4096xf32, #tpu.memory_space<vmem>>, vector<256x4096xf32>,
      %get3A_184 = arith.constant 0 : index
      %get3A_185 = arith.constant 0 : index
      %get3A_186 = vector.load %arg13[%get3A_184, %get3A_185] : memref<256x512xf32, #tpu.memory_space<vmem>>, vector<256x512xf32>
      %reduce_max3A_187 = arith.constant dense<0xFF800000> : vector<256xf32>
      %reduce_max3A_188 = vector.multi_reduction <maximumf>, %get3A_186, %reduce_max3A_187 [1] : vector<256x512xf32> to vector<256xf32>
      %broadcast_in_dim3A_189 = vector.shape_cast %reduce_max3A_188 : vector<256xf32> to vector<256x1xf32>
      %eq3A_190 = vector.broadcast %broadcast_in_dim3A_189 : vector<256x1xf32> to vector<256x512xf32>
      %eq3A_191 = arith.cmpf oeq, %get3A_186, %eq3A_190 : vector<256x512xf32>
      %broadcast_in_dim3A_192 = vector.broadcast %cond3A_128 : f32 to vector<256x512xf32>
      %select_n3A_193 = arith.select %eq3A_191, %broadcast_in_dim3A_192, %get3A_186 : vector<256x512xi1>, vector<256x512xf32>
      %swap3A_194 = arith.constant 0 : index
      %swap3A_195 = arith.constant 0 : index
      %swap3A_196 = vector.load %arg13[%swap3A_194, %swap3A_195] : memref<256x512xf32, #tpu.memory_space<vmem>>, vector<256x512xf32>
      tpu.vector_store %arg13[%swap3A_194, %swap3A_195], %select_n3A_193 {strides = array<i32>} : memref<256x512xf32, #tpu.memory_space<vmem>>, vector<256x512xf32>,
      %gt3A_197 = vector.broadcast %broadcast_in_dim3A_189 : vector<256x1xf32> to vector<256x4096xf32>
      %gt3A_198 = arith.cmpf ogt, %select_n3A, %gt3A_197 : vector<256x4096xf32>
      %convert_element_type3A_199 = arith.extui %gt3A_198 : vector<256x4096xi1> to vector<256x4096xi32>
      %convert_element_type3A_200 = arith.sitofp %convert_element_type3A_199 : vector<256x4096xi32> to vector<256x4096xf32>
      %reduce_sum3A_201 = arith.constant dense<0.000000e+00> : vector<256xf32>
      %reduce_sum3A_202 = vector.multi_reduction <add>, %convert_element_type3A_200, %reduce_sum3A_201 [1] : vector<256x4096xf32> to vector<256xf32>
      %broadcast_in_dim3A_203 = vector.shape_cast %reduce_sum3A_202 : vector<256xf32> to vector<256x1xf32>
      %add3A_204 = arith.constant 2.000000e+00 : f32
      %add3A_205 = vector.broadcast %add3A_204 : f32 to vector<256x1xf32>
      %add3A_206 = arith.addf %add3A_205, %broadcast_in_dim3A_203 : vector<256x1xf32>
      %log3A = math.log %add3A_206 : vector<256x1xf32>
      %log3A_207 = arith.constant 2.000000e+00 : f32
      %log3A_208 = math.log %log3A_207 : f32
      %div3A = vector.broadcast %log3A_208 : f32 to vector<256x1xf32>
      %div3A_209 = arith.divf %log3A, %div3A : vector<256x1xf32>
      %div3A_210 = arith.constant 1.000000e+00 : f32
      %div3A_211 = vector.broadcast %div3A_210 : f32 to vector<256x1xf32>
      %div3A_212 = arith.divf %div3A_211, %div3A_209 : vector<256x1xf32>
      %add3A_213 = arith.constant 1.000000e+00 : f32
      %add3A_214 = vector.broadcast %add3A_213 : f32 to vector<256x1xf32>
      %add3A_215 = arith.addf %div3A_212, %add3A_214 : vector<256x1xf32>
      %get3A_216 = arith.constant 0 : index
      %get3A_217 = arith.constant 0 : index
      %get3A_218 = vector.load %arg14[%get3A_216, %get3A_217] : memref<256x1xf32, #tpu.memory_space<vmem>>, vector<256x1xf32>
      %ge3A_219 = arith.constant 7.000000e+00 : f32
      %ge3A_220 = vector.broadcast %ge3A_219 : f32 to vector<256x1xf32>
      %ge3A_221 = arith.cmpf oge, %min3A_38, %ge3A_220 : vector<256x1xf32>
      %mul3A_222 = arith.constant 1.33333337 : f32
      %mul3A_223 = vector.broadcast %mul3A_222 : f32 to vector<256x1xf32>
      %mul3A_224 = arith.mulf %broadcast_in_dim3A_176, %mul3A_223 : vector<256x1xf32>
      %jit3A_225 = arith.constant 0.000000e+00 : f32
      %broadcast_in_dim3A_226 = vector.broadcast %jit3A_225 : f32 to vector<256x1xf32>
      %select_n3A_227 = arith.select %ge3A_221, %mul3A_224, %broadcast_in_dim3A_226 : vector<256x1xi1>, vector<256x1xf32>
      %gt3A_228 = arith.constant 6.000000e+00 : f32
      %gt3A_229 = vector.broadcast %gt3A_228 : f32 to vector<256x1xf32>
      %gt3A_230 = arith.cmpf ogt, %min3A_38, %gt3A_229 : vector<256x1xf32>
      %mul3A_231 = arith.mulf %broadcast_in_dim3A_189, %add3A_215 : vector<256x1xf32>
      %jit3A_232 = arith.constant 0.000000e+00 : f32
      %broadcast_in_dim3A_233 = vector.broadcast %jit3A_232 : f32 to vector<256x1xf32>
      %select_n3A_234 = arith.select %gt3A_230, %mul3A_231, %broadcast_in_dim3A_233 : vector<256x1xi1>, vector<256x1xf32>
      %sub3A_235 = arith.subf %select_n3A_227, %select_n3A_234 : vector<256x1xf32>
      %add3A_236 = arith.addf %get3A_218, %sub3A_235 : vector<256x1xf32>
      %swap3A_237 = arith.constant 0 : index
      %swap3A_238 = arith.constant 0 : index
      %swap3A_239 = vector.load %arg14[%swap3A_237, %swap3A_238] : memref<256x1xf32, #tpu.memory_space<vmem>>, vector<256x1xf32>
      tpu.vector_store %arg14[%swap3A_237, %swap3A_238], %add3A_236 {strides = array<i32>} : memref<256x1xf32, #tpu.memory_space<vmem>>, vector<256x1xf32>,
    } else {
    }
    %ge3A_131 = arith.constant 8 : i32
    %ge3A_132 = arith.cmpi sge, %convert_element_type3A, %ge3A_131 : i32
    %convert_element_type3A_133 = arith.extui %ge3A_132 : i1 to i32
    %cond3A_134 = arith.constant 0xFF800000 : f32
    %cond3A_135 = arith.constant 0 : i32
    %cond3A_136 = arith.cmpi ne, %convert_element_type3A_133, %cond3A_135 : i32
    scf.if %cond3A_136 {
      %get3A_171 = arith.constant 0 : index
      %get3A_172 = arith.constant 0 : index
      %get3A_173 = vector.load %arg12[%get3A_171, %get3A_172] : memref<256x4096xf32, #tpu.memory_space<vmem>>, vector<256x4096xf32>
      %reduce_max3A_174 = arith.constant dense<0xFF800000> : vector<256xf32>
      %reduce_max3A_175 = vector.multi_reduction <maximumf>, %get3A_173, %reduce_max3A_174 [1] : vector<256x4096xf32> to vector<256xf32>
      %broadcast_in_dim3A_176 = vector.shape_cast %reduce_max3A_175 : vector<256xf32> to vector<256x1xf32>
      %eq3A_177 = vector.broadcast %broadcast_in_dim3A_176 : vector<256x1xf32> to vector<256x4096xf32>
      %eq3A_178 = arith.cmpf oeq, %get3A_173, %eq3A_177 : vector<256x4096xf32>
      %broadcast_in_dim3A_179 = vector.broadcast %cond3A_134 : f32 to vector<256x4096xf32>
      %select_n3A_180 = arith.select %eq3A_178, %broadcast_in_dim3A_179, %get3A_173 : vector<256x4096xi1>, vector<256x4096xf32>
      %swap3A_181 = arith.constant 0 : index
      %swap3A_182 = arith.constant 0 : index
      %swap3A_183 = vector.load %arg12[%swap3A_181, %swap3A_182] : memref<256x4096xf32, #tpu.memory_space<vmem>>, vector<256x4096xf32>
      tpu.vector_store %arg12[%swap3A_181, %swap3A_182], %select_n3A_180 {strides = array<i32>} : memref<256x4096xf32, #tpu.memory_space<vmem>>, vector<256x4096xf32>,
      %get3A_184 = arith.constant 0 : index
      %get3A_185 = arith.constant 0 : index
      %get3A_186 = vector.load %arg13[%get3A_184, %get3A_185] : memref<256x512xf32, #tpu.memory_space<vmem>>, vector<256x512xf32>
      %reduce_max3A_187 = arith.constant dense<0xFF800000> : vector<256xf32>
      %reduce_max3A_188 = vector.multi_reduction <maximumf>, %get3A_186, %reduce_max3A_187 [1] : vector<256x512xf32> to vector<256xf32>
      %broadcast_in_dim3A_189 = vector.shape_cast %reduce_max3A_188 : vector<256xf32> to vector<256x1xf32>
      %eq3A_190 = vector.broadcast %broadcast_in_dim3A_189 : vector<256x1xf32> to vector<256x512xf32>
      %eq3A_191 = arith.cmpf oeq, %get3A_186, %eq3A_190 : vector<256x512xf32>
      %broadcast_in_dim3A_192 = vector.broadcast %cond3A_134 : f32 to vector<256x512xf32>
      %select_n3A_193 = arith.select %eq3A_191, %broadcast_in_dim3A_192, %get3A_186 : vector<256x512xi1>, vector<256x512xf32>
      %swap3A_194 = arith.constant 0 : index
      %swap3A_195 = arith.constant 0 : index
      %swap3A_196 = vector.load %arg13[%swap3A_194, %swap3A_195] : memref<256x512xf32, #tpu.memory_space<vmem>>, vector<256x512xf32>
      tpu.vector_store %arg13[%swap3A_194, %swap3A_195], %select_n3A_193 {strides = array<i32>} : memref<256x512xf32, #tpu.memory_space<vmem>>, vector<256x512xf32>,
      %gt3A_197 = vector.broadcast %broadcast_in_dim3A_189 : vector<256x1xf32> to vector<256x4096xf32>
      %gt3A_198 = arith.cmpf ogt, %select_n3A, %gt3A_197 : vector<256x4096xf32>
      %convert_element_type3A_199 = arith.extui %gt3A_198 : vector<256x4096xi1> to vector<256x4096xi32>
      %convert_element_type3A_200 = arith.sitofp %convert_element_type3A_199 : vector<256x4096xi32> to vector<256x4096xf32>
      %reduce_sum3A_201 = arith.constant dense<0.000000e+00> : vector<256xf32>
      %reduce_sum3A_202 = vector.multi_reduction <add>, %convert_element_type3A_200, %reduce_sum3A_201 [1] : vector<256x4096xf32> to vector<256xf32>
      %broadcast_in_dim3A_203 = vector.shape_cast %reduce_sum3A_202 : vector<256xf32> to vector<256x1xf32>
      %add3A_204 = arith.constant 2.000000e+00 : f32
      %add3A_205 = vector.broadcast %add3A_204 : f32 to vector<256x1xf32>
      %add3A_206 = arith.addf %add3A_205, %broadcast_in_dim3A_203 : vector<256x1xf32>
      %log3A = math.log %add3A_206 : vector<256x1xf32>
      %log3A_207 = arith.constant 2.000000e+00 : f32
      %log3A_208 = math.log %log3A_207 : f32
      %div3A = vector.broadcast %log3A_208 : f32 to vector<256x1xf32>
      %div3A_209 = arith.divf %log3A, %div3A : vector<256x1xf32>
      %div3A_210 = arith.constant 1.000000e+00 : f32
      %div3A_211 = vector.broadcast %div3A_210 : f32 to vector<256x1xf32>
      %div3A_212 = arith.divf %div3A_211, %div3A_209 : vector<256x1xf32>
      %add3A_213 = arith.constant 1.000000e+00 : f32
      %add3A_214 = vector.broadcast %add3A_213 : f32 to vector<256x1xf32>
      %add3A_215 = arith.addf %div3A_212, %add3A_214 : vector<256x1xf32>
      %get3A_216 = arith.constant 0 : index
      %get3A_217 = arith.constant 0 : index
      %get3A_218 = vector.load %arg14[%get3A_216, %get3A_217] : memref<256x1xf32, #tpu.memory_space<vmem>>, vector<256x1xf32>
      %ge3A_219 = arith.constant 8.000000e+00 : f32
      %ge3A_220 = vector.broadcast %ge3A_219 : f32 to vector<256x1xf32>
      %ge3A_221 = arith.cmpf oge, %min3A_38, %ge3A_220 : vector<256x1xf32>
      %mul3A_222 = arith.constant 1.31546485 : f32
      %mul3A_223 = vector.broadcast %mul3A_222 : f32 to vector<256x1xf32>
      %mul3A_224 = arith.mulf %broadcast_in_dim3A_176, %mul3A_223 : vector<256x1xf32>
      %jit3A_225 = arith.constant 0.000000e+00 : f32
      %broadcast_in_dim3A_226 = vector.broadcast %jit3A_225 : f32 to vector<256x1xf32>
      %select_n3A_227 = arith.select %ge3A_221, %mul3A_224, %broadcast_in_dim3A_226 : vector<256x1xi1>, vector<256x1xf32>
      %gt3A_228 = arith.constant 7.000000e+00 : f32
      %gt3A_229 = vector.broadcast %gt3A_228 : f32 to vector<256x1xf32>
      %gt3A_230 = arith.cmpf ogt, %min3A_38, %gt3A_229 : vector<256x1xf32>
      %mul3A_231 = arith.mulf %broadcast_in_dim3A_189, %add3A_215 : vector<256x1xf32>
      %jit3A_232 = arith.constant 0.000000e+00 : f32
      %broadcast_in_dim3A_233 = vector.broadcast %jit3A_232 : f32 to vector<256x1xf32>
      %select_n3A_234 = arith.select %gt3A_230, %mul3A_231, %broadcast_in_dim3A_233 : vector<256x1xi1>, vector<256x1xf32>
      %sub3A_235 = arith.subf %select_n3A_227, %select_n3A_234 : vector<256x1xf32>
      %add3A_236 = arith.addf %get3A_218, %sub3A_235 : vector<256x1xf32>
      %swap3A_237 = arith.constant 0 : index
      %swap3A_238 = arith.constant 0 : index
      %swap3A_239 = vector.load %arg14[%swap3A_237, %swap3A_238] : memref<256x1xf32, #tpu.memory_space<vmem>>, vector<256x1xf32>
      tpu.vector_store %arg14[%swap3A_237, %swap3A_238], %add3A_236 {strides = array<i32>} : memref<256x1xf32, #tpu.memory_space<vmem>>, vector<256x1xf32>,
    } else {
    }
    %ge3A_137 = arith.constant 9 : i32
    %ge3A_138 = arith.cmpi sge, %convert_element_type3A, %ge3A_137 : i32
    %convert_element_type3A_139 = arith.extui %ge3A_138 : i1 to i32
    %cond3A_140 = arith.constant 0xFF800000 : f32
    %cond3A_141 = arith.constant 0 : i32
    %cond3A_142 = arith.cmpi ne, %convert_element_type3A_139, %cond3A_141 : i32
    scf.if %cond3A_142 {
      %get3A_171 = arith.constant 0 : index
      %get3A_172 = arith.constant 0 : index
      %get3A_173 = vector.load %arg12[%get3A_171, %get3A_172] : memref<256x4096xf32, #tpu.memory_space<vmem>>, vector<256x4096xf32>
      %reduce_max3A_174 = arith.constant dense<0xFF800000> : vector<256xf32>
      %reduce_max3A_175 = vector.multi_reduction <maximumf>, %get3A_173, %reduce_max3A_174 [1] : vector<256x4096xf32> to vector<256xf32>
      %broadcast_in_dim3A_176 = vector.shape_cast %reduce_max3A_175 : vector<256xf32> to vector<256x1xf32>
      %eq3A_177 = vector.broadcast %broadcast_in_dim3A_176 : vector<256x1xf32> to vector<256x4096xf32>
      %eq3A_178 = arith.cmpf oeq, %get3A_173, %eq3A_177 : vector<256x4096xf32>
      %broadcast_in_dim3A_179 = vector.broadcast %cond3A_140 : f32 to vector<256x4096xf32>
      %select_n3A_180 = arith.select %eq3A_178, %broadcast_in_dim3A_179, %get3A_173 : vector<256x4096xi1>, vector<256x4096xf32>
      %swap3A_181 = arith.constant 0 : index
      %swap3A_182 = arith.constant 0 : index
      %swap3A_183 = vector.load %arg12[%swap3A_181, %swap3A_182] : memref<256x4096xf32, #tpu.memory_space<vmem>>, vector<256x4096xf32>
      tpu.vector_store %arg12[%swap3A_181, %swap3A_182], %select_n3A_180 {strides = array<i32>} : memref<256x4096xf32, #tpu.memory_space<vmem>>, vector<256x4096xf32>,
      %get3A_184 = arith.constant 0 : index
      %get3A_185 = arith.constant 0 : index
      %get3A_186 = vector.load %arg13[%get3A_184, %get3A_185] : memref<256x512xf32, #tpu.memory_space<vmem>>, vector<256x512xf32>
      %reduce_max3A_187 = arith.constant dense<0xFF800000> : vector<256xf32>
      %reduce_max3A_188 = vector.multi_reduction <maximumf>, %get3A_186, %reduce_max3A_187 [1] : vector<256x512xf32> to vector<256xf32>
      %broadcast_in_dim3A_189 = vector.shape_cast %reduce_max3A_188 : vector<256xf32> to vector<256x1xf32>
      %eq3A_190 = vector.broadcast %broadcast_in_dim3A_189 : vector<256x1xf32> to vector<256x512xf32>
      %eq3A_191 = arith.cmpf oeq, %get3A_186, %eq3A_190 : vector<256x512xf32>
      %broadcast_in_dim3A_192 = vector.broadcast %cond3A_140 : f32 to vector<256x512xf32>
      %select_n3A_193 = arith.select %eq3A_191, %broadcast_in_dim3A_192, %get3A_186 : vector<256x512xi1>, vector<256x512xf32>
      %swap3A_194 = arith.constant 0 : index
      %swap3A_195 = arith.constant 0 : index
      %swap3A_196 = vector.load %arg13[%swap3A_194, %swap3A_195] : memref<256x512xf32, #tpu.memory_space<vmem>>, vector<256x512xf32>
      tpu.vector_store %arg13[%swap3A_194, %swap3A_195], %select_n3A_193 {strides = array<i32>} : memref<256x512xf32, #tpu.memory_space<vmem>>, vector<256x512xf32>,
      %gt3A_197 = vector.broadcast %broadcast_in_dim3A_189 : vector<256x1xf32> to vector<256x4096xf32>
      %gt3A_198 = arith.cmpf ogt, %select_n3A, %gt3A_197 : vector<256x4096xf32>
      %convert_element_type3A_199 = arith.extui %gt3A_198 : vector<256x4096xi1> to vector<256x4096xi32>
      %convert_element_type3A_200 = arith.sitofp %convert_element_type3A_199 : vector<256x4096xi32> to vector<256x4096xf32>
      %reduce_sum3A_201 = arith.constant dense<0.000000e+00> : vector<256xf32>
      %reduce_sum3A_202 = vector.multi_reduction <add>, %convert_element_type3A_200, %reduce_sum3A_201 [1] : vector<256x4096xf32> to vector<256xf32>
      %broadcast_in_dim3A_203 = vector.shape_cast %reduce_sum3A_202 : vector<256xf32> to vector<256x1xf32>
      %add3A_204 = arith.constant 2.000000e+00 : f32
      %add3A_205 = vector.broadcast %add3A_204 : f32 to vector<256x1xf32>
      %add3A_206 = arith.addf %add3A_205, %broadcast_in_dim3A_203 : vector<256x1xf32>
      %log3A = math.log %add3A_206 : vector<256x1xf32>
      %log3A_207 = arith.constant 2.000000e+00 : f32
      %log3A_208 = math.log %log3A_207 : f32
      %div3A = vector.broadcast %log3A_208 : f32 to vector<256x1xf32>
      %div3A_209 = arith.divf %log3A, %div3A : vector<256x1xf32>
      %div3A_210 = arith.constant 1.000000e+00 : f32
      %div3A_211 = vector.broadcast %div3A_210 : f32 to vector<256x1xf32>
      %div3A_212 = arith.divf %div3A_211, %div3A_209 : vector<256x1xf32>
      %add3A_213 = arith.constant 1.000000e+00 : f32
      %add3A_214 = vector.broadcast %add3A_213 : f32 to vector<256x1xf32>
      %add3A_215 = arith.addf %div3A_212, %add3A_214 : vector<256x1xf32>
      %get3A_216 = arith.constant 0 : index
      %get3A_217 = arith.constant 0 : index
      %get3A_218 = vector.load %arg14[%get3A_216, %get3A_217] : memref<256x1xf32, #tpu.memory_space<vmem>>, vector<256x1xf32>
      %ge3A_219 = arith.constant 9.000000e+00 : f32
      %ge3A_220 = vector.broadcast %ge3A_219 : f32 to vector<256x1xf32>
      %ge3A_221 = arith.cmpf oge, %min3A_38, %ge3A_220 : vector<256x1xf32>
      %mul3A_222 = arith.constant 1.301030e+00 : f32
      %mul3A_223 = vector.broadcast %mul3A_222 : f32 to vector<256x1xf32>
      %mul3A_224 = arith.mulf %broadcast_in_dim3A_176, %mul3A_223 : vector<256x1xf32>
      %jit3A_225 = arith.constant 0.000000e+00 : f32
      %broadcast_in_dim3A_226 = vector.broadcast %jit3A_225 : f32 to vector<256x1xf32>
      %select_n3A_227 = arith.select %ge3A_221, %mul3A_224, %broadcast_in_dim3A_226 : vector<256x1xi1>, vector<256x1xf32>
      %gt3A_228 = arith.constant 8.000000e+00 : f32
      %gt3A_229 = vector.broadcast %gt3A_228 : f32 to vector<256x1xf32>
      %gt3A_230 = arith.cmpf ogt, %min3A_38, %gt3A_229 : vector<256x1xf32>
      %mul3A_231 = arith.mulf %broadcast_in_dim3A_189, %add3A_215 : vector<256x1xf32>
      %jit3A_232 = arith.constant 0.000000e+00 : f32
      %broadcast_in_dim3A_233 = vector.broadcast %jit3A_232 : f32 to vector<256x1xf32>
      %select_n3A_234 = arith.select %gt3A_230, %mul3A_231, %broadcast_in_dim3A_233 : vector<256x1xi1>, vector<256x1xf32>
      %sub3A_235 = arith.subf %select_n3A_227, %select_n3A_234 : vector<256x1xf32>
      %add3A_236 = arith.addf %get3A_218, %sub3A_235 : vector<256x1xf32>
      %swap3A_237 = arith.constant 0 : index
      %swap3A_238 = arith.constant 0 : index
      %swap3A_239 = vector.load %arg14[%swap3A_237, %swap3A_238] : memref<256x1xf32, #tpu.memory_space<vmem>>, vector<256x1xf32>
      tpu.vector_store %arg14[%swap3A_237, %swap3A_238], %add3A_236 {strides = array<i32>} : memref<256x1xf32, #tpu.memory_space<vmem>>, vector<256x1xf32>,
    } else {
    }
    %ge3A_143 = arith.constant 10 : i32
    %ge3A_144 = arith.cmpi sge, %convert_element_type3A, %ge3A_143 : i32
    %convert_element_type3A_145 = arith.extui %ge3A_144 : i1 to i32
    %cond3A_146 = arith.constant 0xFF800000 : f32
    %cond3A_147 = arith.constant 0 : i32
    %cond3A_148 = arith.cmpi ne, %convert_element_type3A_145, %cond3A_147 : i32
    scf.if %cond3A_148 {
      %get3A_171 = arith.constant 0 : index
      %get3A_172 = arith.constant 0 : index
      %get3A_173 = vector.load %arg12[%get3A_171, %get3A_172] : memref<256x4096xf32, #tpu.memory_space<vmem>>, vector<256x4096xf32>
      %reduce_max3A_174 = arith.constant dense<0xFF800000> : vector<256xf32>
      %reduce_max3A_175 = vector.multi_reduction <maximumf>, %get3A_173, %reduce_max3A_174 [1] : vector<256x4096xf32> to vector<256xf32>
      %broadcast_in_dim3A_176 = vector.shape_cast %reduce_max3A_175 : vector<256xf32> to vector<256x1xf32>
      %eq3A_177 = vector.broadcast %broadcast_in_dim3A_176 : vector<256x1xf32> to vector<256x4096xf32>
      %eq3A_178 = arith.cmpf oeq, %get3A_173, %eq3A_177 : vector<256x4096xf32>
      %broadcast_in_dim3A_179 = vector.broadcast %cond3A_146 : f32 to vector<256x4096xf32>
      %select_n3A_180 = arith.select %eq3A_178, %broadcast_in_dim3A_179, %get3A_173 : vector<256x4096xi1>, vector<256x4096xf32>
      %swap3A_181 = arith.constant 0 : index
      %swap3A_182 = arith.constant 0 : index
      %swap3A_183 = vector.load %arg12[%swap3A_181, %swap3A_182] : memref<256x4096xf32, #tpu.memory_space<vmem>>, vector<256x4096xf32>
      tpu.vector_store %arg12[%swap3A_181, %swap3A_182], %select_n3A_180 {strides = array<i32>} : memref<256x4096xf32, #tpu.memory_space<vmem>>, vector<256x4096xf32>,
      %get3A_184 = arith.constant 0 : index
      %get3A_185 = arith.constant 0 : index
      %get3A_186 = vector.load %arg13[%get3A_184, %get3A_185] : memref<256x512xf32, #tpu.memory_space<vmem>>, vector<256x512xf32>
      %reduce_max3A_187 = arith.constant dense<0xFF800000> : vector<256xf32>
      %reduce_max3A_188 = vector.multi_reduction <maximumf>, %get3A_186, %reduce_max3A_187 [1] : vector<256x512xf32> to vector<256xf32>
      %broadcast_in_dim3A_189 = vector.shape_cast %reduce_max3A_188 : vector<256xf32> to vector<256x1xf32>
      %eq3A_190 = vector.broadcast %broadcast_in_dim3A_189 : vector<256x1xf32> to vector<256x512xf32>
      %eq3A_191 = arith.cmpf oeq, %get3A_186, %eq3A_190 : vector<256x512xf32>
      %broadcast_in_dim3A_192 = vector.broadcast %cond3A_146 : f32 to vector<256x512xf32>
      %select_n3A_193 = arith.select %eq3A_191, %broadcast_in_dim3A_192, %get3A_186 : vector<256x512xi1>, vector<256x512xf32>
      %swap3A_194 = arith.constant 0 : index
      %swap3A_195 = arith.constant 0 : index
      %swap3A_196 = vector.load %arg13[%swap3A_194, %swap3A_195] : memref<256x512xf32, #tpu.memory_space<vmem>>, vector<256x512xf32>
      tpu.vector_store %arg13[%swap3A_194, %swap3A_195], %select_n3A_193 {strides = array<i32>} : memref<256x512xf32, #tpu.memory_space<vmem>>, vector<256x512xf32>,
      %gt3A_197 = vector.broadcast %broadcast_in_dim3A_189 : vector<256x1xf32> to vector<256x4096xf32>
      %gt3A_198 = arith.cmpf ogt, %select_n3A, %gt3A_197 : vector<256x4096xf32>
      %convert_element_type3A_199 = arith.extui %gt3A_198 : vector<256x4096xi1> to vector<256x4096xi32>
      %convert_element_type3A_200 = arith.sitofp %convert_element_type3A_199 : vector<256x4096xi32> to vector<256x4096xf32>
      %reduce_sum3A_201 = arith.constant dense<0.000000e+00> : vector<256xf32>
      %reduce_sum3A_202 = vector.multi_reduction <add>, %convert_element_type3A_200, %reduce_sum3A_201 [1] : vector<256x4096xf32> to vector<256xf32>
      %broadcast_in_dim3A_203 = vector.shape_cast %reduce_sum3A_202 : vector<256xf32> to vector<256x1xf32>
      %add3A_204 = arith.constant 2.000000e+00 : f32
      %add3A_205 = vector.broadcast %add3A_204 : f32 to vector<256x1xf32>
      %add3A_206 = arith.addf %add3A_205, %broadcast_in_dim3A_203 : vector<256x1xf32>
      %log3A = math.log %add3A_206 : vector<256x1xf32>
      %log3A_207 = arith.constant 2.000000e+00 : f32
      %log3A_208 = math.log %log3A_207 : f32
      %div3A = vector.broadcast %log3A_208 : f32 to vector<256x1xf32>
      %div3A_209 = arith.divf %log3A, %div3A : vector<256x1xf32>
      %div3A_210 = arith.constant 1.000000e+00 : f32
      %div3A_211 = vector.broadcast %div3A_210 : f32 to vector<256x1xf32>
      %div3A_212 = arith.divf %div3A_211, %div3A_209 : vector<256x1xf32>
      %add3A_213 = arith.constant 1.000000e+00 : f32
      %add3A_214 = vector.broadcast %add3A_213 : f32 to vector<256x1xf32>
      %add3A_215 = arith.addf %div3A_212, %add3A_214 : vector<256x1xf32>
      %get3A_216 = arith.constant 0 : index
      %get3A_217 = arith.constant 0 : index
      %get3A_218 = vector.load %arg14[%get3A_216, %get3A_217] : memref<256x1xf32, #tpu.memory_space<vmem>>, vector<256x1xf32>
      %ge3A_219 = arith.constant 1.000000e+01 : f32
      %ge3A_220 = vector.broadcast %ge3A_219 : f32 to vector<256x1xf32>
      %ge3A_221 = arith.cmpf oge, %min3A_38, %ge3A_220 : vector<256x1xf32>
      %mul3A_222 = arith.constant 1.28906488 : f32
      %mul3A_223 = vector.broadcast %mul3A_222 : f32 to vector<256x1xf32>
      %mul3A_224 = arith.mulf %broadcast_in_dim3A_176, %mul3A_223 : vector<256x1xf32>
      %jit3A_225 = arith.constant 0.000000e+00 : f32
      %broadcast_in_dim3A_226 = vector.broadcast %jit3A_225 : f32 to vector<256x1xf32>
      %select_n3A_227 = arith.select %ge3A_221, %mul3A_224, %broadcast_in_dim3A_226 : vector<256x1xi1>, vector<256x1xf32>
      %gt3A_228 = arith.constant 9.000000e+00 : f32
      %gt3A_229 = vector.broadcast %gt3A_228 : f32 to vector<256x1xf32>
      %gt3A_230 = arith.cmpf ogt, %min3A_38, %gt3A_229 : vector<256x1xf32>
      %mul3A_231 = arith.mulf %broadcast_in_dim3A_189, %add3A_215 : vector<256x1xf32>
      %jit3A_232 = arith.constant 0.000000e+00 : f32
      %broadcast_in_dim3A_233 = vector.broadcast %jit3A_232 : f32 to vector<256x1xf32>
      %select_n3A_234 = arith.select %gt3A_230, %mul3A_231, %broadcast_in_dim3A_233 : vector<256x1xi1>, vector<256x1xf32>
      %sub3A_235 = arith.subf %select_n3A_227, %select_n3A_234 : vector<256x1xf32>
      %add3A_236 = arith.addf %get3A_218, %sub3A_235 : vector<256x1xf32>
      %swap3A_237 = arith.constant 0 : index
      %swap3A_238 = arith.constant 0 : index
      %swap3A_239 = vector.load %arg14[%swap3A_237, %swap3A_238] : memref<256x1xf32, #tpu.memory_space<vmem>>, vector<256x1xf32>
      tpu.vector_store %arg14[%swap3A_237, %swap3A_238], %add3A_236 {strides = array<i32>} : memref<256x1xf32, #tpu.memory_space<vmem>>, vector<256x1xf32>,
    } else {
    }
    %ge3A_149 = arith.constant 11 : i32
    %ge3A_150 = arith.cmpi sge, %convert_element_type3A, %ge3A_149 : i32
    %convert_element_type3A_151 = arith.extui %ge3A_150 : i1 to i32
    %cond3A_152 = arith.constant 0xFF800000 : f32
    %cond3A_153 = arith.constant 0 : i32
    %cond3A_154 = arith.cmpi ne, %convert_element_type3A_151, %cond3A_153 : i32
    scf.if %cond3A_154 {
      %get3A_171 = arith.constant 0 : index
      %get3A_172 = arith.constant 0 : index
      %get3A_173 = vector.load %arg12[%get3A_171, %get3A_172] : memref<256x4096xf32, #tpu.memory_space<vmem>>, vector<256x4096xf32>
      %reduce_max3A_174 = arith.constant dense<0xFF800000> : vector<256xf32>
      %reduce_max3A_175 = vector.multi_reduction <maximumf>, %get3A_173, %reduce_max3A_174 [1] : vector<256x4096xf32> to vector<256xf32>
      %broadcast_in_dim3A_176 = vector.shape_cast %reduce_max3A_175 : vector<256xf32> to vector<256x1xf32>
      %eq3A_177 = vector.broadcast %broadcast_in_dim3A_176 : vector<256x1xf32> to vector<256x4096xf32>
      %eq3A_178 = arith.cmpf oeq, %get3A_173, %eq3A_177 : vector<256x4096xf32>
      %broadcast_in_dim3A_179 = vector.broadcast %cond3A_152 : f32 to vector<256x4096xf32>
      %select_n3A_180 = arith.select %eq3A_178, %broadcast_in_dim3A_179, %get3A_173 : vector<256x4096xi1>, vector<256x4096xf32>
      %swap3A_181 = arith.constant 0 : index
      %swap3A_182 = arith.constant 0 : index
      %swap3A_183 = vector.load %arg12[%swap3A_181, %swap3A_182] : memref<256x4096xf32, #tpu.memory_space<vmem>>, vector<256x4096xf32>
      tpu.vector_store %arg12[%swap3A_181, %swap3A_182], %select_n3A_180 {strides = array<i32>} : memref<256x4096xf32, #tpu.memory_space<vmem>>, vector<256x4096xf32>,
      %get3A_184 = arith.constant 0 : index
      %get3A_185 = arith.constant 0 : index
      %get3A_186 = vector.load %arg13[%get3A_184, %get3A_185] : memref<256x512xf32, #tpu.memory_space<vmem>>, vector<256x512xf32>
      %reduce_max3A_187 = arith.constant dense<0xFF800000> : vector<256xf32>
      %reduce_max3A_188 = vector.multi_reduction <maximumf>, %get3A_186, %reduce_max3A_187 [1] : vector<256x512xf32> to vector<256xf32>
      %broadcast_in_dim3A_189 = vector.shape_cast %reduce_max3A_188 : vector<256xf32> to vector<256x1xf32>
      %eq3A_190 = vector.broadcast %broadcast_in_dim3A_189 : vector<256x1xf32> to vector<256x512xf32>
      %eq3A_191 = arith.cmpf oeq, %get3A_186, %eq3A_190 : vector<256x512xf32>
      %broadcast_in_dim3A_192 = vector.broadcast %cond3A_152 : f32 to vector<256x512xf32>
      %select_n3A_193 = arith.select %eq3A_191, %broadcast_in_dim3A_192, %get3A_186 : vector<256x512xi1>, vector<256x512xf32>
      %swap3A_194 = arith.constant 0 : index
      %swap3A_195 = arith.constant 0 : index
      %swap3A_196 = vector.load %arg13[%swap3A_194, %swap3A_195] : memref<256x512xf32, #tpu.memory_space<vmem>>, vector<256x512xf32>
      tpu.vector_store %arg13[%swap3A_194, %swap3A_195], %select_n3A_193 {strides = array<i32>} : memref<256x512xf32, #tpu.memory_space<vmem>>, vector<256x512xf32>,
      %gt3A_197 = vector.broadcast %broadcast_in_dim3A_189 : vector<256x1xf32> to vector<256x4096xf32>
      %gt3A_198 = arith.cmpf ogt, %select_n3A, %gt3A_197 : vector<256x4096xf32>
      %convert_element_type3A_199 = arith.extui %gt3A_198 : vector<256x4096xi1> to vector<256x4096xi32>
      %convert_element_type3A_200 = arith.sitofp %convert_element_type3A_199 : vector<256x4096xi32> to vector<256x4096xf32>
      %reduce_sum3A_201 = arith.constant dense<0.000000e+00> : vector<256xf32>
      %reduce_sum3A_202 = vector.multi_reduction <add>, %convert_element_type3A_200, %reduce_sum3A_201 [1] : vector<256x4096xf32> to vector<256xf32>
      %broadcast_in_dim3A_203 = vector.shape_cast %reduce_sum3A_202 : vector<256xf32> to vector<256x1xf32>
      %add3A_204 = arith.constant 2.000000e+00 : f32
      %add3A_205 = vector.broadcast %add3A_204 : f32 to vector<256x1xf32>
      %add3A_206 = arith.addf %add3A_205, %broadcast_in_dim3A_203 : vector<256x1xf32>
      %log3A = math.log %add3A_206 : vector<256x1xf32>
      %log3A_207 = arith.constant 2.000000e+00 : f32
      %log3A_208 = math.log %log3A_207 : f32
      %div3A = vector.broadcast %log3A_208 : f32 to vector<256x1xf32>
      %div3A_209 = arith.divf %log3A, %div3A : vector<256x1xf32>
      %div3A_210 = arith.constant 1.000000e+00 : f32
      %div3A_211 = vector.broadcast %div3A_210 : f32 to vector<256x1xf32>
      %div3A_212 = arith.divf %div3A_211, %div3A_209 : vector<256x1xf32>
      %add3A_213 = arith.constant 1.000000e+00 : f32
      %add3A_214 = vector.broadcast %add3A_213 : f32 to vector<256x1xf32>
      %add3A_215 = arith.addf %div3A_212, %add3A_214 : vector<256x1xf32>
      %get3A_216 = arith.constant 0 : index
      %get3A_217 = arith.constant 0 : index
      %get3A_218 = vector.load %arg14[%get3A_216, %get3A_217] : memref<256x1xf32, #tpu.memory_space<vmem>>, vector<256x1xf32>
      %ge3A_219 = arith.constant 1.100000e+01 : f32
      %ge3A_220 = vector.broadcast %ge3A_219 : f32 to vector<256x1xf32>
      %ge3A_221 = arith.cmpf oge, %min3A_38, %ge3A_220 : vector<256x1xf32>
      %mul3A_222 = arith.constant 1.27894294 : f32
      %mul3A_223 = vector.broadcast %mul3A_222 : f32 to vector<256x1xf32>
      %mul3A_224 = arith.mulf %broadcast_in_dim3A_176, %mul3A_223 : vector<256x1xf32>
      %jit3A_225 = arith.constant 0.000000e+00 : f32
      %broadcast_in_dim3A_226 = vector.broadcast %jit3A_225 : f32 to vector<256x1xf32>
      %select_n3A_227 = arith.select %ge3A_221, %mul3A_224, %broadcast_in_dim3A_226 : vector<256x1xi1>, vector<256x1xf32>
      %gt3A_228 = arith.constant 1.000000e+01 : f32
      %gt3A_229 = vector.broadcast %gt3A_228 : f32 to vector<256x1xf32>
      %gt3A_230 = arith.cmpf ogt, %min3A_38, %gt3A_229 : vector<256x1xf32>
      %mul3A_231 = arith.mulf %broadcast_in_dim3A_189, %add3A_215 : vector<256x1xf32>
      %jit3A_232 = arith.constant 0.000000e+00 : f32
      %broadcast_in_dim3A_233 = vector.broadcast %jit3A_232 : f32 to vector<256x1xf32>
      %select_n3A_234 = arith.select %gt3A_230, %mul3A_231, %broadcast_in_dim3A_233 : vector<256x1xi1>, vector<256x1xf32>
      %sub3A_235 = arith.subf %select_n3A_227, %select_n3A_234 : vector<256x1xf32>
      %add3A_236 = arith.addf %get3A_218, %sub3A_235 : vector<256x1xf32>
      %swap3A_237 = arith.constant 0 : index
      %swap3A_238 = arith.constant 0 : index
      %swap3A_239 = vector.load %arg14[%swap3A_237, %swap3A_238] : memref<256x1xf32, #tpu.memory_space<vmem>>, vector<256x1xf32>
      tpu.vector_store %arg14[%swap3A_237, %swap3A_238], %add3A_236 {strides = array<i32>} : memref<256x1xf32, #tpu.memory_space<vmem>>, vector<256x1xf32>,
    } else {
    }
    %get3A_155 = arith.constant 0 : index
    %get3A_156 = arith.constant 0 : index
    %get3A_157 = vector.load %arg14[%get3A_155, %get3A_156] : memref<256x1xf32, #tpu.memory_space<vmem>>, vector<256x1xf32>
    %reduce_sum3A = vector.shape_cast %get3A_157 : vector<256x1xf32> to vector<1x256x1xf32>
    %reduce_sum3A_158 = arith.constant dense<0.000000e+00> : vector<1xf32>
    %reduce_sum3A_159 = vector.multi_reduction <add>, %reduce_sum3A, %reduce_sum3A_158 [1, 2] : vector<1x256x1xf32> to vector<1xf32>
    %reduce_sum3A_160 = vector.shape_cast %reduce_sum3A_159 : vector<1xf32> to vector<1x1x1xf32>
    %reduce_sum3A_161 = vector.extract %reduce_sum3A_160[0, 0, 0] : f32 from vector<1x1x1xf32>
    %reshape3A = vector.broadcast %reduce_sum3A_161 : f32 to vector<1x1xf32>
    %eq3A_162 = arith.constant 0 : i32
    %eq3A_163 = arith.cmpi eq, %arg0, %eq3A_162 : i32
    %convert_element_type3A_164 = arith.extui %eq3A_163 : i1 to i32
    %cond3A_165 = arith.constant 0 : i32
    %cond3A_166 = arith.cmpi ne, %convert_element_type3A_164, %cond3A_165 : i32
    scf.if %cond3A_166 {
      %swap3A_171 = arith.constant 0 : index
      %swap3A_172 = arith.constant 0 : index
      %swap3A_173 = vector.load %arg11[%swap3A_171, %swap3A_172] : memref<1x1xf32, #tpu.memory_space<vmem>>, vector<1x1xf32>
      tpu.vector_store %arg11[%swap3A_171, %swap3A_172], %reshape3A {strides = array<i32>} : memref<1x1xf32, #tpu.memory_space<vmem>>, vector<1x1xf32>,
    } else {
    }
    %gt3A = arith.constant 0 : i32
    %gt3A_167 = arith.cmpi sgt, %arg0, %gt3A : i32
    %convert_element_type3A_168 = arith.extui %gt3A_167 : i1 to i32
    %cond3A_169 = arith.constant 0 : i32
    %cond3A_170 = arith.cmpi ne, %convert_element_type3A_168, %cond3A_169 : i32
    scf.if %cond3A_170 {
      %get3A_171 = arith.constant 0 : index
      %get3A_172 = arith.constant 0 : index
      %get3A_173 = vector.load %arg11[%get3A_171, %get3A_172] : memref<1x1xf32, #tpu.memory_space<vmem>>, vector<1x1xf32>
      %add3A_174 = arith.addf %get3A_173, %reshape3A : vector<1x1xf32>
      %swap3A_175 = arith.constant 0 : index
      %swap3A_176 = arith.constant 0 : index
      %swap3A_177 = vector.load %arg11[%swap3A_175, %swap3A_176] : memref<1x1xf32, #tpu.memory_space<vmem>>, vector<1x1xf32>
      tpu.vector_store %arg11[%swap3A_175, %swap3A_176], %add3A_174 {strides = array<i32>} : memref<1x1xf32, #tpu.memory_space<vmem>>, vector<1x1xf32>,
    } else {
    }
    return
  }
  func.func @transform_0(%arg0: i32) -> (i32, i32) {
    %c0_i32 = arith.constant 0 : i32
    %c0_i32_0 = arith.constant 0 : i32
    return %arg0, %c0_i32 : i32, i32
  }
  func.func @transform_1(%arg0: i32) -> (i32, i32) {
    %c0_i32 = arith.constant 0 : i32
    %c0_i32_0 = arith.constant 0 : i32
    return %arg0, %c0_i32 : i32, i32
  }
  func.func @transform_2(%arg0: i32) -> (i32, i32) {
    %c0_i32 = arith.constant 0 : i32
    %c0_i32_0 = arith.constant 0 : i32
    return %arg0, %c0_i32 : i32, i32
  }
  func.func @transform_3(%arg0: i32) -> (i32, i32) {
    %c0_i32 = arith.constant 0 : i32
    %c0_i32_0 = arith.constant 0 : i32
    return %arg0, %c0_i32 : i32, i32
  }
  func.func @transform_4(%arg0: i32) -> (i32, i32) {
    %c0_i32 = arith.constant 0 : i32
    %c0_i32_0 = arith.constant 0 : i32
    %c0_i32_1 = arith.constant 0 : i32
    return %c0_i32, %c0_i32_0 : i32, i32
  }
  func.func @transform_5(%arg0: i32) -> (i32, i32) {
    %c0_i32 = arith.constant 0 : i32
    %c0_i32_0 = arith.constant 0 : i32
    %c0_i32_1 = arith.constant 0 : i32
    return %c0_i32, %c0_i32_0 : i32, i32
  }
  func.func @transform_6(%arg0: i32) -> (i32, i32) {
    %c0_i32 = arith.constant 0 : i32
    %c0_i32_0 = arith.constant 0 : i32
    %c0_i32_1 = arith.constant 0 : i32
    return %c0_i32, %c0_i32_0 : i32, i32
  }
  func.func @transform_7(%arg0: i32) -> (i32, i32, i32) {
    %c0_i32 = arith.constant 0 : i32
    %c0_i32_0 = arith.constant 0 : i32
    %c0_i32_1 = arith.constant 0 : i32
    return %arg0, %c0_i32, %c0_i32_0 : i32, i32, i32
  }
  func.func @transform_8(%arg0: i32) -> (i32, i32, i32) {
    %c0_i32 = arith.constant 0 : i32
    %c0_i32_0 = arith.constant 0 : i32
    %c0_i32_1 = arith.constant 0 : i32
    return %arg0, %c0_i32, %c0_i32_0 : i32, i32, i32
  }
  func.func @transform_9(%arg0: i32) -> (i32, i32, i32) {
    %c0_i32 = arith.constant 0 : i32
    %c0_i32_0 = arith.constant 0 : i32
    %c0_i32_1 = arith.constant 0 : i32
    return %arg0, %c0_i32, %c0_i32_0 : i32, i32, i32
  }
  func.func @transform_10(%arg0: i32) -> (i32, i32) {
    %c0_i32 = arith.constant 0 : i32
    %c0_i32_0 = arith.constant 0 : i32
    %c0_i32_1 = arith.constant 0 : i32
    return %c0_i32, %c0_i32_0 : i32, i32
  }
}

</mosaic_0001>

<sc_bundles>
// kernel: gather_offload_async_start.1
scs
__scs_entry_jumppad:
0x0: {  	(pc) =	sbr.rel $0x88, $3  }
0x1: {  	(tag) =	ssettag $0x0;
	lr =	simm.s32 $0x1  }
0x2: {  	[smem:$0x3F9F] =	sst lr;
	_ =	strace $0xD0000000  }
0x3: {  	_ = 	snop  }
0x4: {  	_ = 	snop  }
0x5: {  	_ = 	snop  }
0x6: {  	_ = 	snop  }
0x7: {  	_ = 	snop  }
__scs_overlays_trampoline_lowered:
0x8: {  	[smem:$0x3FAE] =	sst s0  }
0x9: {  	[smem:$0x3FAF] =	sst s1  }
0xa: {  	[smem:$0x3FB0] =	sst s2  }
0xb: {  	[smem:$0x3FB1] =	sst s3  }
0xc: {  	[smem:$0x3FB2] =	sst s4  }
0xd: {  	[smem:$0x3FB3] =	sst s5  }
0xe: {  	[smem:$0x3FB4] =	sst s6  }
0xf: {  	[smem:$0x3FB5] =	sst s7  }
0x10: {  	[smem:$0x3FB6] =	sst s8  }
0x11: {  	[smem:$0x3FB7] =	sst s9;
	s0 =	simm.s32 @!p0 $0x0  }
0x12: {  	s1 =	sld [smem:$0x3F9D];
	s0 =	simm.s32 @p0 $0x1  }
0x13: {  	[smem:$0x3FB8] =	sst s0;
	s0 =	simm.s32 @!p1 $0x0  }
0x14: {  	s2 =	sld [smem:$0x3F9C];
	s0 =	simm.s32 @p1 $0x1  }
0x15: {  	[smem:$0x3FB9] =	sst s0;
	s0 =	simm.s32 @!p2 $0x0  }
0x16: {  	s3 =	sld [smem:$0x3FDB];
	s0 =	simm.s32 @p2 $0x1  }
0x17: {  	s4 =	simm.s32 $0x1BF5;
	[smem:$0x3FBB] =	sst s0  }
0x18: {  	s0 =	sld [smem:$0x3F9E];
	_ =	swait.ge [sflag:s4], $0x0  }
0x19: {  	s7 =	sld [smem:$0x3F9F]  }
0x1a: {  	s8 =	sadd.s32 $0xFFFFE003, lr  }
0x1b: {  	s9 =	sadd.s32 $0xFFFFFEF7, lr;
	s5 =	simm.s32 $0xFFFFFFFF;
	p2 =	slt.u32 s8, $0xFFFFF086  }
0x1c: {  	p1 =	slt.u32 s9, $0xF7A;
	s5 =	simm.s32 @!p2 $0x0  }
0x1d: {  	s5 =	simm.s32 @p1 $0x1;
	p0 =	seq.s32 s7, s2  }
0x1e: {  	s7 =	smul.u32 @!p0 $0xF7A, s2;
	p2 =	seq.s32 @!p0 s5, $0x0  }
0x1f: {  	s9 =	smul.u32 $0xF7A, s1;
	s8 =	simm.s32 @!p0 $0x1BF5;
	p2 =	por !p2, p0  }
0x20: {  	[sflag:s8] =	ssyncset.s32 @!p0 $0xFFFFF086;
	s6 =	sadd.s32 @!p0 s3, s7;
	s7 =	simm.s32 @!p0 $0x108  }
0x21: {  	s3 =	sadd.s32 s3, s9;
	s6 =	sadd.s32 @!p0 $0x88, s6;
	s7 =	simm.s32 @p2 $0x1082  }
0x22: {  	[simem:s7], [sflag:s8] =	dma.local @!p0 [hbm:s6], $0xF7A  }
0x23: {  	s9 =	sor.u32 $0xD0000000, s2;
	s6 =	simm.s32 $0x108;
	_ =	swait.ge @!p0 [sflag:s8], $0x0  }
0x24: {  	s3 =	sadd.s32 $0x88, s3;
	s6 =	simm.s32 @!p1 $0x1082;
	[sflag:s4] =	ssyncset.s32 $0xFFFFF086  }
0x25: {  	[simem:s6], [sflag:s4] =	dma.local [hbm:s3], $0xF7A  }
0x26: {  	[smem:$0x3F9F] =	sst s1;
	(tag) =	ssettag s2;
	_ =	strace s9  }
0x27: {  	s1 =	sld [smem:$0x3FAF]  }
0x28: {  	s2 =	sld [smem:$0x3FB0]  }
0x29: {  	s4 =	sld [smem:$0x3FB2]  }
0x2a: {  	p0 =	seq.s32 s5, $0x0;
	s5 =	sld [smem:$0x3FB3]  }
0x2b: {  	s6 =	sld [smem:$0x3FB4]  }
0x2c: {  	s7 =	sld [smem:$0x3FB5]  }
0x2d: {  	s3 =	simm.s32 $0x108;
	s8 =	sld [smem:$0x3FB6]  }
0x2e: {  	s3 =	simm.s32 @!p0 $0x1082;
	s9 =	sld [smem:$0x3FB7]  }
0x2f: {  	lr =	sadd.s32 s0, s3;
	s0 =	sld [smem:$0x3FAE]  }
0x30: {  	s3 =	sld [smem:$0x3FB1]  }
0x31: {  	[smem:$0x3FBA] =	sst s10  }
0x32: {  	s10 =	sld [smem:$0x3FB8];
	_ =	sdelay $0x3  }
0x33: {  	p0 =	seq.s32 s10, $0x1;
	s10 =	sld [smem:$0x3FBA];
	_ =	sdelay $0x3  }
0x34: {  	[smem:$0x3FBA] =	sst s10  }
0x35: {  	s10 =	sld [smem:$0x3FB9];
	_ =	sdelay $0x3  }
0x36: {  	p1 =	seq.s32 s10, $0x1;
	s10 =	sld [smem:$0x3FBA];
	_ =	sdelay $0x3  }
0x37: {  	[smem:$0x3FBA] =	sst s10  }
0x38: {  	s10 =	sld [smem:$0x3FBB]  }
0x39: {  	_ = 	snop;
	(pc) =	sbr.ind lr, $3  }
0x3a: {  	_ = 	snop  }
0x3b: {  	_ = 	snop  }
0x3c: {  	p2 =	seq.s32 s10, $0x1;
	s10 =	sld [smem:$0x3FBA]  }
0x3d: {  	_ =	shalt  }
0x3e: {  	_ =	shalt  }
0x3f: {  	_ =	shalt  }
0x40: {  	_ =	shalt  }
0x41: {  	_ =	shalt  }
0x42: {  	_ =	shalt  }
0x43: {  	_ =	shalt  }
0x44: {  	_ =	shalt  }
0x45: {  	_ =	shalt  }
0x46: {  	_ =	shalt  }
0x47: {  	_ =	shalt  }
0x48: {  	_ =	shalt  }
0x49: {  	_ =	shalt  }
0x4a: {  	_ =	shalt  }
0x4b: {  	_ =	shalt  }
0x4c: {  	_ =	shalt  }
0x4d: {  	_ =	shalt  }
0x4e: {  	_ =	shalt  }
0x4f: {  	_ =	shalt  }
0x50: {  	_ =	shalt  }
0x51: {  	_ =	shalt  }
0x52: {  	_ =	shalt  }
0x53: {  	_ =	shalt  }
0x54: {  	_ =	shalt  }
0x55: {  	_ =	shalt  }
0x56: {  	_ =	shalt  }
0x57: {  	_ =	shalt  }
0x58: {  	_ =	shalt  }
0x59: {  	_ =	shalt  }
0x5a: {  	_ =	shalt  }
0x5b: {  	_ =	shalt  }
0x5c: {  	_ =	shalt  }
0x5d: {  	_ =	shalt  }
0x5e: {  	_ =	shalt  }
0x5f: {  	_ =	shalt  }
0x60: {  	_ =	shalt  }
0x61: {  	_ =	shalt  }
0x62: {  	_ =	shalt  }
0x63: {  	_ =	shalt  }
0x64: {  	_ =	shalt  }
0x65: {  	_ =	shalt  }
0x66: {  	_ =	shalt  }
0x67: {  	_ =	shalt  }
0x68: {  	_ =	shalt  }
0x69: {  	_ =	shalt  }
0x6a: {  	_ =	shalt  }
0x6b: {  	_ =	shalt  }
0x6c: {  	_ =	shalt  }
0x6d: {  	_ =	shalt  }
0x6e: {  	_ =	shalt  }
0x6f: {  	_ =	shalt  }
0x70: {  	_ =	shalt  }
0x71: {  	_ =	shalt  }
0x72: {  	_ =	shalt  }
0x73: {  	_ =	shalt  }
0x74: {  	_ =	shalt  }
0x75: {  	_ =	shalt  }
0x76: {  	_ =	shalt  }
0x77: {  	_ =	shalt  }
0x78: {  	_ =	shalt  }
0x79: {  	_ =	shalt  }
0x7a: {  	_ =	shalt  }
0x7b: {  	_ =	shalt  }
0x7c: {  	_ =	shalt  }
0x7d: {  	_ =	shalt  }
0x7e: {  	_ =	shalt  }
0x7f: {  	_ =	shalt  }
0x80: {  	_ =	shalt  }
0x81: {  	_ =	shalt  }
0x82: {  	_ =	shalt  }
0x83: {  	_ =	shalt  }
0x84: {  	_ =	shalt  }
0x85: {  	_ =	shalt  }
0x86: {  	_ =	shalt  }
0x87: {  	_ =	shalt  }
.Lfunc_end0:
.L_simem_size_0:
called_computation.2_lowered:
.L_overlay_start_0:
0x88: {  	s2 =	sld [smem:$0x3FD9]  }
0x89: {  	s3 =	sld [smem:$0x3FFE];
	_ =	sdelay $0x1  }
0x8a: {  	s1 =	srdreg.scid  }
0x8b: {  	s0 =	sand.u32 $0x1, s1  }
0x8c: {  	s17 =	sshll.u32 s0, $0xA;
	s2 =	sadd.s32 s3, s2  }
0x8d: {  	s2 =	sadd.s32 s2, s17  }
0x8e: {  	[smem:$0x3FC6] =	sst s2  }
0x8f: {  	_ = 	snop  }
0x90: {  	s18 =	sld [smem:$0x3FC8];
	(tm) =	ssettm $0x1  }
0x91: {  	s19 =	sld [smem:$0x3FFB];
	_ =	sdelay $0x3  }
0x92: {  	_ =	strace s19  }
0x93: {  	s2 =	sld [smem:$0x3FFC];
	_ =	sdelay $0x3  }
0x94: {  	_ =	strace s2  }
0x95: {  	s2 =	sld [smem:$0x3FFD];
	_ =	sdelay $0x3  }
0x96: {  	_ =	strace s2  }
0x97: {  	_ =	strace $0x8FFFFFFF  }
0x98: {  	s20 =	sld [smem:$0x3FDB];
	_ =	sdelay $0x1  }
0x99: {  	s4 =	simm.s32 $_scs_section_size  }
0x9a: {  	s5 =	simm.s32 $_size__tile_overlayer_lowered;
	s6 =	simm.s32 $_tile_overlayer_lowered  }
0x9b: {  	s7 =	simm.s32 $0x1BFF;
	s21 =	sshll.u32 s6, $0x1;
	s4 =	sadd.s32 s4, s20  }
0x9c: {  	s22 =	simm.s32 $0x0;
	s5 =	sshll.u32 s5, $0x1;
	s6 =	sadd.s32 s21, s4  }
0x9d: {  	[timem:s22], [sflag:s7] =	dma.local [hbm:s6], s5  }
0x9e: {  	_ =	swait.ge [sflag:s7], s5  }
0x9f: {  	s5 =	ssub.s32 $0x0, s5;
	[sflag:s7] =	ssyncset.done $0x0  }
0xa0: {  	[sflag:s7] =	ssyncadd.s32 s5;
	_ =	sdelay $0x1  }
0xa1: {  	s23 =	simm.s32 $0x1B8B  }
0xa2: {  	_ =	swait.ge [sflag:s23], $0x1  }
0xa3: {  	[sflag:s23] =	ssyncset.done $0x0  }
0xa4: {  	[sflag:s23] =	ssyncadd.s32 $0xFFFFFFFF  }
0xa5: {  	s5 =	sld [smem:$0x0]  }
0xa6: {  	s6 =	sand.u32 $0xFFFFFFFE, s1  }
0xa7: {  	p0 =	sne.s32 s1, s6  }
0xa8: {  	s6 =	sshll.u32 @p0 s6, $0xE  }
0xa9: {  	s6 =	sadd.s32 @p0 $0x11B8D, s6;
	s7 =	sshll.u32 @p0 s5, $0x11  }
0xaa: {  	s6 =	sor.u32 @p0 s7, s6  }
0xab: {  	[sflag:s6] =	ssyncadd.remote.s32 @p0 $0x1;
	_ =	sdelay $0x1  }
0xac: {  	s6 =	simm.s32 @p0 $0x1B8D  }
0xad: {  	_ =	swait.eq @p0 [sflag:s6], $0x1  }
0xae: {  	[sflag:s6] =	ssyncadd.s32 @p0 $0xFFFFFFFF  }
0xaf: {  	s7 =	sshll.u32 @!p0 s1, $0xE  }
0xb0: {  	s7 =	sor.u32 @!p0 $0x4000, s7;
	s6 =	simm.s32 @!p0 $0x1B8D  }
0xb1: {  	s5 =	sshll.u32 @!p0 s5, $0x11;
	s7 =	sadd.s32 @!p0 $0x11B8D, s7;
	_ =	swait.eq @!p0 [sflag:s6], $0x1  }
0xb2: {  	s5 =	sor.u32 @!p0 s5, s7;
	[sflag:s6] =	ssyncadd.s32 @!p0 $0xFFFFFFFF  }
0xb3: {  	s25 =	simm.s32 $0x1B8E;
	s24 =	sld [smem:$0x3FFE];
	[sflag:s5] =	ssyncadd.remote.s32 @!p0 $0x1  }
0xb4: {  	s26 =	simm.s32 $execute0_lowered;
	[smem:$0x3FD2] =	sst s25  }
0xb5: {  	s6 =	sshll.u32 s26, $0x1;
	_ =	strace $0x8000004F;
	[dreg:$0x1] =	wrdreg $0xFFFFFFFF  }
0xb6: {  	s28 =	simm.s32 $_size_execute0_lowered;
	s4 =	sadd.s32 s4, s6;
	[dreg:$0x0] =	wrdreg $0x0  }
0xb7: {  	s6 =	sshll.u32 s28, $0x1;
	[dreg:$0x2] =	wrdreg s4  }
0xb8: {  	[dreg:$0x3] =	wrdreg s6  }
0xb9: {  	[dreg:$0x4] =	wrdreg $0xC0  }
0xba: {  	_ =	task [dreg:s22], $0x5FFFF  }
0xbb: {  	[dreg:$0x1] =	wrdreg $0xFFFFFFFF  }
0xbc: {  	[dreg:$0x0] =	wrdreg $0x60  }
0xbd: {  	[dreg:$0x2] =	wrdreg s18  }
0xbe: {  	[dreg:$0x3] =	wrdreg s24  }
0xbf: {  	[dreg:$0x4] =	wrdreg $0x9  }
0xc0: {  	_ =	task.clear_ibuf [dreg:s22], $0x5FFFF;
	_ =	strace $0x9000004F  }
0xc1: {  	s29 =	simm.s32 $0x9;
	_ =	strace $0x80000051  }
0xc2: {  	_ =	swait.ge [sflag:s29], $0x1  }
0xc3: {  	[sflag:s29] =	ssyncadd.s32 $0xFFFFFFFF  }
0xc4: {  	_ =	strace $0x90000051  }
0xc5: {  	_ =	sfence  }
0xc6: {  	s30 =	sld [smem:$0x0];
	_ =	sdelay $0x2  }
0xc7: {  	s31 =	sshll.u32 s1, $0xD;
	s1 =	sshrl.u32 s1, $0x2  }
0xc8: {  	s4 =	sand.u32 $0x4000, s31;
	s1 =	sadd.s32 s1, s30  }
0xc9: {  	s0 =	sor.u32 s4, s0;
	s1 =	sshll.u32 s1, $0x11  }
0xca: {  	s0 =	sor.u32 s1, s0  }
0xcb: {  	s0 =	sadd.s32 $0x8F2B, s0  }
0xcc: {  	[sflag:s0] =	ssyncadd.remote.s32 $0x1  }
0xcd: {  	_ =	sfence.sel $0xFFFF  }
0xce: {  	[dreg:$0x0] =	wrdreg $0xFFFFFFFF;
	(pc) =	sbr.abs _section_cstart, $3  }
0xcf: {  	[dreg:$0x1] =	wrdreg $0xFFFFFFFF  }
0xd0: {  	_ =	task.clear_ibuf [dreg:s22], $0x2FFFF;
	_ =	strace $0x9FFFFFFF  }
0xd1: {  	(tm) =	ssettm $0x7FFFFFFF  }
tec
execute0_lowered:
.L_overlay_start_1:
0x0: {  	(tag) =	ssettag $0x1  }
0x1: {  	s1 =	srdreg.scid;
	s2 =	rddreg [dreg:$0x0]  }
0x2: {  	s0 =	stileid.u32;
	s5 =	rddreg [dreg:$0x1];
	s6 =	simm.s32 $0x1  }
0x3: {  	s9 =	simm.s32 $0x1;
	s10 =	simm.s32 $0x3;
	s1 =	sshll.u32 s1, $0x6  }
0x4: {  	s13 =	simm.s32 $0x0;
	s3 =	sshll.u32 s0, $0x7;
	s4 =	sand.u32 $0x40, s1  }
0x5: {  	s12 =	simm.s32 $0x0;
	s1 =	rddreg [dreg:$0x2];
	s3 =	sor.u32 s3, s4  }
0x6: {  	_ =	strace $0x80000050;
	s4 =	sadd.s32 $0x800, s5;
	s8 =	ssub.s32 $0x1000, s3  }
.Ltmp0:
0x7: {  	s5 =	sadd.s32 $0x10E00, s5;
	s7 =	sand.u32 $0x7C0, s8;
	(pc) =	sbr.rel .LBB2_1-.Ltmp0, $4  }
0x8: {  	[sflag:s6] =	ssyncpa.u1 $0x0;
	s11 =	smov.u32 s3;
	p0 =	sne.s32 s7, $0x0  }
0x9: {  	s8 =	sshrl.u32 s8, $0xB;
	s7 =	simm.s32 $0x2;
	s9 =	simm.s32 @!p0 $0x0  }
0xa: {  	[sflag:s7] =	ssyncpa.u1 $0x0;
	p0 =	por $0x0, $0x0;
	s8 =	sadd.s32 s9, s8  }
0xb: {  	vm0 =	vmmov $0xffff;
	[sflag:s10] =	ssyncpa.u1 $0x0;
	s10 =	simm.s32 $0x0;
	s9 =	sadd.s32 $0x1, s8  }
.LBB2_4:
0xc: {  	v2 =	vnsel vm1, $0x0, v2  }
0xd: {  	vm1 =	vgt.s32 v0, $0x0;
	v2 =	vmin.u32 v2, $0xFFF  }
0xe: {  	v0 =	vnsel vm1, $0x0, v0  }
0xf: {  	v0 =	vmin.u32 v0, $0xFFF  }
0x10: {  	[tilespmem:s15], [sflag:$0x1] =	stream.indirect_vreg.gather [hbm4b:s2+s10], $0x1, v1, vm0, $0x4038;
	[tilespmem:$0x100] =	vst v63  }
0x11: {  	(ifvalue) =	ssetifvalue $0x7FFFFFFF  }
0x12: {  	[tilespmem:s16], [sflag:$0x1] =	stream.indirect_vreg.gather [hbm4b:s2+s10], $0x1, v2, vm0, $0x4038;
	[tilespmem:$0x100] =	vst v63  }
0x13: {  	s29 =	sadd.s32 $0x10, s16;
	(ifvalue) =	ssetifvalue $0x7FFFFFFF  }
0x14: {  	[tilespmem:s29], [sflag:$0x1] =	stream.indirect_vreg.gather [hbm4b:s2+s10], $0x1, v0, vm0, $0x4038;
	[tilespmem:$0x100] =	vst v63  }
0x15: {  	_ =	swait.ge [sflag:s6], $0x40  }
0x16: {  	s30 =	sshrl.u32 s13, $0x3;
	[sflag:s6] =	ssyncset.done $0x0  }
0x17: {  	s31 =	sand.u32 $0x7, s13;
	s15 =	sadd.s32 s5, s30;
	[sflag:s6] =	ssyncadd.s32 $0xFFFFFFC0  }
0x18: {  	[hbm4b:s15+s31] =	stream.linear.scatter [tilespmem:s14], [sflag:$0x3], $0x40, $0x38;
	[tilespmem:$0x100] =	vst v63  }
.LBB2_5:
0x19: {  	s15 =	sadd.s32 $0x800, s11  }
0x1a: {  	p2 =	sgt.s32 s15, $0xFFF  }
0x1b: {  	s15 =	smov.u32 @p2 s3;
	p2 =	sne.s32 s12, s9  }
.Ltmp1:
0x1c: {  	p1 =	slt.u32 s12, $0x2;
	(pc) =	sbr.rel @!p2 .LBB2_6-.Ltmp1, $4  }
0x1d: {  	s14 =	simm.s32 @!p1 $0x3  }
0x1e: {  	s16 =	sadd.s32 $0x1, s12;
	_ =	swait.ge @!p1 [sflag:s14], $0x40  }
0x1f: {  	s13 =	smov.u32 s11;
	p0 =	por !p0, !p0;
	[sflag:s14] =	ssyncset.done @!p1 $0x0  }
0x20: {  	s12 =	smov.u32 s16;
	s11 =	smov.u32 s15;
	[sflag:s14] =	ssyncadd.s32 @!p1 $0xFFFFFFC0  }
.LBB2_1:
0x21: {  	p1 =	sge.u32 s12, s8  }
0x22: {  	s14 =	sxor.u32 @!p1 $0xFFFFFFFF, s12  }
0x23: {  	s31 =	sadd.s32 $0xFFFFFFFF, s12;
	s15 =	sshrl.u32 @!p1 s11, $0x3;
	s14 =	sshll.u32 @!p1 s14, $0x6  }
0x24: {  	s16 =	sand.u32 @!p1 $0x7, s11;
	s15 =	sadd.s32 @!p1 s4, s15;
	s14 =	sand.u32 @!p1 $0x40, s14  }
0x25: {  	[tilespmem:s14], [sflag:$0x2] =	stream.linear.gather @!p1 [hbm4b:s15+s16], $0x40, $0x38;
	[tilespmem:$0x100] =	vst v63  }
0x26: {  	p1 =	sge.u32 s31, s8  }
.Ltmp2:
0x27: {  	_ = 	snop;
	(pc) =	sbr.rel @p1 .LBB2_5-.Ltmp2, $1  }
0x28: {  	_ =	sdelay $0x3  }
0x29: {  	s14 =	simm.s32 $0x1  }
0x2a: {  	_ =	swait.ge [sflag:s7], $0x40;
	s14 =	simm.s32 @!p0 $0x0  }
0x2b: {  	[sflag:s7] =	ssyncset.done $0x0;
	s14 =	sshll.u32 s14, $0x6  }
0x2c: {  	[sflag:s7] =	ssyncadd.s32 $0xFFFFFFC0;
	(ifvalue) =	ssetifvalue $0x7FFFFFFF;
	v0 =	vld.msk [tilespmem:s14+$0x0 ss:$0x1], $0xffff;
	_ =	sdelay $0x4  }
0x2d: {  	s15 =	sadd.s32 $0x10, s14;
	vm1 =	vgt.s32 v0, $0x0  }
0x2e: {  	v2 =	vld.msk [tilespmem:s15+$0x0 ss:$0x1], $0xffff;
	v1 =	vnsel vm1, $0x0, v0  }
0x2f: {  	v1 =	vmin.u32 v1, $0xFFF;
	_ =	sdelay $0x1  }
0x30: {  	s16 =	sshll.u32 s12, $0x6;
	s18 =	simm.s32 $0x20  }
0x31: {  	s16 =	sand.u32 $0x40, s16;
	s17 =	sadd.s32 $0x10, s15;
	s15 =	sor.u32 $0x80, s14  }
0x32: {  	s14 =	sor.u32 $0x80, s16;
	s16 =	sadd.s32 $0x10, s15;
	v0 =	vld.msk [tilespmem:s17+$0x0 ss:$0x1], $0xffff;
	vm1 =	vgt.s32 v2, $0x0;
	(ifvalue) =	ssetifvalue $0x7FFFFFFF  }
.LBB2_3:
0x33: {  	[tilespmem:s15], [sflag:$0x1] =	stream.indirect_vreg.gather [hbm4b:s2+s10], $0x1, v1, vm0, $0x4038;
	[tilespmem:$0x100] =	vst v63  }
0x34: {  	s18 =	sadd.s32 $0x10, s18  }
0x35: {  	v2 =	vnsel vm1, $0x0, v2;
	p1 =	slt.u32 s18, $0x30  }
.Ltmp3:
0x36: {  	s15 =	smov.u32 s16;
	v1 =	vmin.u32 v2, $0xFFF;
	(pc) =	sbr.rel @p1 .LBB2_3-.Ltmp3, $3  }
0x37: {  	_ =	sdelay $0x1  }
0x38: {  	s17 =	sadd.s32 $0x10, s17  }
0x39: {  	vm1 =	vgt.s32 v0, $0x0;
	s16 =	sadd.s32 $0x10, s16;
	v2 =	vmov v0;
	(ifvalue) =	ssetifvalue $0x7FFFFFFF;
	v0 =	vld.msk [tilespmem:s17+$0x0 ss:$0x1], $0xffff  }
.Ltmp4:
0x3a: {  	_ = 	snop;
	(pc) =	sbr.rel .LBB2_4-.Ltmp4, $1  }
0x3b: {  	_ =	sdelay $0x3  }
.LBB2_6:
0x3c: {  	_ =	sfence.sel $0x180000  }
0x3d: {  	s2 =	simm.s32 $0x2;
	[bflag:$0x0] =	sbarrier.arrive $0xFFFF  }
0x3e: {  	s30 =	simm.s32 $0x3;
	[sflag:s2] =	ssyncpa.u1 $0x1  }
0x3f: {  	s31 =	simm.s32 $0x1;
	[sflag:s30] =	ssyncpa.u1 $0x1  }
0x40: {  	[sflag:s31] =	ssyncpa.u1 $0x1  }
0x41: {  	p0 =	sne.s32 s0, $0x0;
	_ =	strace $0x90000050  }
0x42: {  	s0 =	sadd.s32 @!p0 $0x100000, s1;
	[bflag:$0x2] =	sbarrier.arrive $0xFFFF  }
0x43: {  	[sflag:s0] =	ssyncadd.tile.s32 @!p0 $0x1;
	_ =	shalt  }
.Lfunc_end2:
_tile_overlayer_lowered:
.L_overlay_start_2:
0x44: {  	(tag) =	ssettag $0x2  }
0x45: {  	s0 =	rddreg [dreg:$0x0];
	s2 =	stileid.u32  }
0x46: {  	s1 =	rddreg [dreg:$0x1];
	p0 =	sne.s32 s2, $0x0  }
0x47: {  	s3 =	rddreg [dreg:$0x2];
	[bflag:$0x3] =	sbarrier.arrive $0xFFFF;
	s2 =	simm.s32 @!p0 $0x1C01  }
0x48: {  	[timem:s3], [sflag:s2] =	dma.local @!p0 [hbm:s0], s1  }
0x49: {  	s0 =	simm.s32 @!p0 $0x1  }
0x4a: {  	_ =	swait.ge @!p0 [sflag:s0], s1  }
0x4b: {  	s1 =	ssub.s32 @!p0 $0x0, s1;
	[sflag:s0] =	ssyncset.done @!p0 $0x0  }
0x4c: {  	[sflag:s0] =	ssyncadd.s32 @!p0 s1  }
0x4d: {  	[bflag:$0x3] =	sbarrier.arrive $0xFFFF  }
0x4e: {  	_ =	shalt  }

// kernel: gather_offload_async_start.2
scs
__scs_entry_jumppad:
0x0: {  	(pc) =	sbr.rel $0x88, $3  }
0x1: {  	(tag) =	ssettag $0x0;
	lr =	simm.s32 $0x1  }
0x2: {  	[smem:$0x3F9F] =	sst lr;
	_ =	strace $0xD0000000  }
0x3: {  	_ = 	snop  }
0x4: {  	_ = 	snop  }
0x5: {  	_ = 	snop  }
0x6: {  	_ = 	snop  }
0x7: {  	_ = 	snop  }
__scs_overlays_trampoline_lowered:
0x8: {  	[smem:$0x3FAE] =	sst s0  }
0x9: {  	[smem:$0x3FAF] =	sst s1  }
0xa: {  	[smem:$0x3FB0] =	sst s2  }
0xb: {  	[smem:$0x3FB1] =	sst s3  }
0xc: {  	[smem:$0x3FB2] =	sst s4  }
0xd: {  	[smem:$0x3FB3] =	sst s5  }
0xe: {  	[smem:$0x3FB4] =	sst s6  }
0xf: {  	[smem:$0x3FB5] =	sst s7  }
0x10: {  	[smem:$0x3FB6] =	sst s8  }
0x11: {  	[smem:$0x3FB7] =	sst s9;
	s0 =	simm.s32 @!p0 $0x0  }
0x12: {  	s1 =	sld [smem:$0x3F9D];
	s0 =	simm.s32 @p0 $0x1  }
0x13: {  	[smem:$0x3FB8] =	sst s0;
	s0 =	simm.s32 @!p1 $0x0  }
0x14: {  	s2 =	sld [smem:$0x3F9C];
	s0 =	simm.s32 @p1 $0x1  }
0x15: {  	[smem:$0x3FB9] =	sst s0;
	s0 =	simm.s32 @!p2 $0x0  }
0x16: {  	s3 =	sld [smem:$0x3FDB];
	s0 =	simm.s32 @p2 $0x1  }
0x17: {  	s4 =	simm.s32 $0x1BF5;
	[smem:$0x3FBB] =	sst s0  }
0x18: {  	s0 =	sld [smem:$0x3F9E];
	_ =	swait.ge [sflag:s4], $0x0  }
0x19: {  	s7 =	sld [smem:$0x3F9F]  }
0x1a: {  	s8 =	sadd.s32 $0xFFFFE003, lr  }
0x1b: {  	s9 =	sadd.s32 $0xFFFFFEF7, lr;
	s5 =	simm.s32 $0xFFFFFFFF;
	p2 =	slt.u32 s8, $0xFFFFF086  }
0x1c: {  	p1 =	slt.u32 s9, $0xF7A;
	s5 =	simm.s32 @!p2 $0x0  }
0x1d: {  	s5 =	simm.s32 @p1 $0x1;
	p0 =	seq.s32 s7, s2  }
0x1e: {  	s7 =	smul.u32 @!p0 $0xF7A, s2;
	p2 =	seq.s32 @!p0 s5, $0x0  }
0x1f: {  	s9 =	smul.u32 $0xF7A, s1;
	s8 =	simm.s32 @!p0 $0x1BF5;
	p2 =	por !p2, p0  }
0x20: {  	[sflag:s8] =	ssyncset.s32 @!p0 $0xFFFFF086;
	s6 =	sadd.s32 @!p0 s3, s7;
	s7 =	simm.s32 @!p0 $0x108  }
0x21: {  	s3 =	sadd.s32 s3, s9;
	s6 =	sadd.s32 @!p0 $0x88, s6;
	s7 =	simm.s32 @p2 $0x1082  }
0x22: {  	[simem:s7], [sflag:s8] =	dma.local @!p0 [hbm:s6], $0xF7A  }
0x23: {  	s9 =	sor.u32 $0xD0000000, s2;
	s6 =	simm.s32 $0x108;
	_ =	swait.ge @!p0 [sflag:s8], $0x0  }
0x24: {  	s3 =	sadd.s32 $0x88, s3;
	s6 =	simm.s32 @!p1 $0x1082;
	[sflag:s4] =	ssyncset.s32 $0xFFFFF086  }
0x25: {  	[simem:s6], [sflag:s4] =	dma.local [hbm:s3], $0xF7A  }
0x26: {  	[smem:$0x3F9F] =	sst s1;
	(tag) =	ssettag s2;
	_ =	strace s9  }
0x27: {  	s1 =	sld [smem:$0x3FAF]  }
0x28: {  	s2 =	sld [smem:$0x3FB0]  }
0x29: {  	s4 =	sld [smem:$0x3FB2]  }
0x2a: {  	p0 =	seq.s32 s5, $0x0;
	s5 =	sld [smem:$0x3FB3]  }
0x2b: {  	s6 =	sld [smem:$0x3FB4]  }
0x2c: {  	s7 =	sld [smem:$0x3FB5]  }
0x2d: {  	s3 =	simm.s32 $0x108;
	s8 =	sld [smem:$0x3FB6]  }
0x2e: {  	s3 =	simm.s32 @!p0 $0x1082;
	s9 =	sld [smem:$0x3FB7]  }
0x2f: {  	lr =	sadd.s32 s0, s3;
	s0 =	sld [smem:$0x3FAE]  }
0x30: {  	s3 =	sld [smem:$0x3FB1]  }
0x31: {  	[smem:$0x3FBA] =	sst s10  }
0x32: {  	s10 =	sld [smem:$0x3FB8];
	_ =	sdelay $0x3  }
0x33: {  	p0 =	seq.s32 s10, $0x1;
	s10 =	sld [smem:$0x3FBA];
	_ =	sdelay $0x3  }
0x34: {  	[smem:$0x3FBA] =	sst s10  }
0x35: {  	s10 =	sld [smem:$0x3FB9];
	_ =	sdelay $0x3  }
0x36: {  	p1 =	seq.s32 s10, $0x1;
	s10 =	sld [smem:$0x3FBA];
	_ =	sdelay $0x3  }
0x37: {  	[smem:$0x3FBA] =	sst s10  }
0x38: {  	s10 =	sld [smem:$0x3FBB]  }
0x39: {  	_ = 	snop;
	(pc) =	sbr.ind lr, $3  }
0x3a: {  	_ = 	snop  }
0x3b: {  	_ = 	snop  }
0x3c: {  	p2 =	seq.s32 s10, $0x1;
	s10 =	sld [smem:$0x3FBA]  }
0x3d: {  	_ =	shalt  }
0x3e: {  	_ =	shalt  }
0x3f: {  	_ =	shalt  }
0x40: {  	_ =	shalt  }
0x41: {  	_ =	shalt  }
0x42: {  	_ =	shalt  }
0x43: {  	_ =	shalt  }
0x44: {  	_ =	shalt  }
0x45: {  	_ =	shalt  }
0x46: {  	_ =	shalt  }
0x47: {  	_ =	shalt  }
0x48: {  	_ =	shalt  }
0x49: {  	_ =	shalt  }
0x4a: {  	_ =	shalt  }
0x4b: {  	_ =	shalt  }
0x4c: {  	_ =	shalt  }
0x4d: {  	_ =	shalt  }
0x4e: {  	_ =	shalt  }
0x4f: {  	_ =	shalt  }
0x50: {  	_ =	shalt  }
0x51: {  	_ =	shalt  }
0x52: {  	_ =	shalt  }
0x53: {  	_ =	shalt  }
0x54: {  	_ =	shalt  }
0x55: {  	_ =	shalt  }
0x56: {  	_ =	shalt  }
0x57: {  	_ =	shalt  }
0x58: {  	_ =	shalt  }
0x59: {  	_ =	shalt  }
0x5a: {  	_ =	shalt  }
0x5b: {  	_ =	shalt  }
0x5c: {  	_ =	shalt  }
0x5d: {  	_ =	shalt  }
0x5e: {  	_ =	shalt  }
0x5f: {  	_ =	shalt  }
0x60: {  	_ =	shalt  }
0x61: {  	_ =	shalt  }
0x62: {  	_ =	shalt  }
0x63: {  	_ =	shalt  }
0x64: {  	_ =	shalt  }
0x65: {  	_ =	shalt  }
0x66: {  	_ =	shalt  }
0x67: {  	_ =	shalt  }
0x68: {  	_ =	shalt  }
0x69: {  	_ =	shalt  }
0x6a: {  	_ =	shalt  }
0x6b: {  	_ =	shalt  }
0x6c: {  	_ =	shalt  }
0x6d: {  	_ =	shalt  }
0x6e: {  	_ =	shalt  }
0x6f: {  	_ =	shalt  }
0x70: {  	_ =	shalt  }
0x71: {  	_ =	shalt  }
0x72: {  	_ =	shalt  }
0x73: {  	_ =	shalt  }
0x74: {  	_ =	shalt  }
0x75: {  	_ =	shalt  }
0x76: {  	_ =	shalt  }
0x77: {  	_ =	shalt  }
0x78: {  	_ =	shalt  }
0x79: {  	_ =	shalt  }
0x7a: {  	_ =	shalt  }
0x7b: {  	_ =	shalt  }
0x7c: {  	_ =	shalt  }
0x7d: {  	_ =	shalt  }
0x7e: {  	_ =	shalt  }
0x7f: {  	_ =	shalt  }
0x80: {  	_ =	shalt  }
0x81: {  	_ =	shalt  }
0x82: {  	_ =	shalt  }
0x83: {  	_ =	shalt  }
0x84: {  	_ =	shalt  }
0x85: {  	_ =	shalt  }
0x86: {  	_ =	shalt  }
0x87: {  	_ =	shalt  }
.Lfunc_end0:
.L_simem_size_0:
called_computation.3_lowered:
.L_overlay_start_0:
0x88: {  	s2 =	sld [smem:$0x3FD9]  }
0x89: {  	s3 =	sld [smem:$0x3FFE];
	_ =	sdelay $0x1  }
0x8a: {  	s1 =	srdreg.scid  }
0x8b: {  	s0 =	sand.u32 $0x1, s1  }
0x8c: {  	s17 =	sshll.u32 s0, $0xA;
	s2 =	sadd.s32 s3, s2  }
0x8d: {  	s2 =	sadd.s32 s2, s17  }
0x8e: {  	[smem:$0x3FC6] =	sst s2  }
0x8f: {  	_ = 	snop  }
0x90: {  	s2 =	sld [smem:$0x3FC9];
	(tm) =	ssettm $0x1  }
0x91: {  	s18 =	sld [smem:$0x3FFB];
	_ =	sdelay $0x3  }
0x92: {  	_ =	strace s18  }
0x93: {  	s3 =	sld [smem:$0x3FFC];
	_ =	sdelay $0x3  }
0x94: {  	_ =	strace s3  }
0x95: {  	s3 =	sld [smem:$0x3FFD];
	_ =	sdelay $0x3  }
0x96: {  	_ =	strace s3  }
0x97: {  	_ =	strace $0x8FFFFFFF  }
0x98: {  	s19 =	sld [smem:$0x3FDB];
	_ =	sdelay $0x1  }
0x99: {  	s4 =	simm.s32 $_scs_section_size  }
0x9a: {  	s5 =	simm.s32 $_size__tile_overlayer_lowered;
	s6 =	simm.s32 $_tile_overlayer_lowered  }
0x9b: {  	s22 =	simm.s32 $0x1BFF;
	s21 =	sshll.u32 s6, $0x1;
	s3 =	sadd.s32 s4, s19  }
0x9c: {  	s7 =	simm.s32 $0x0;
	s20 =	sshll.u32 s5, $0x1;
	s5 =	sadd.s32 s21, s3  }
0x9d: {  	[timem:s7], [sflag:s22] =	dma.local [hbm:s5], s20  }
0x9e: {  	_ =	swait.ge [sflag:s22], s20  }
0x9f: {  	s4 =	ssub.s32 $0x0, s20;
	[sflag:s22] =	ssyncset.done $0x0  }
0xa0: {  	[sflag:s22] =	ssyncadd.s32 s4;
	_ =	sdelay $0x1  }
0xa1: {  	s23 =	simm.s32 $0x1B8B  }
0xa2: {  	_ =	swait.ge [sflag:s23], $0x1  }
0xa3: {  	[sflag:s23] =	ssyncset.done $0x0  }
0xa4: {  	s25 =	simm.s32 $0x1B8E;
	s24 =	sld [smem:$0x3FFE];
	[sflag:s23] =	ssyncadd.s32 $0xFFFFFFFF  }
0xa5: {  	s26 =	simm.s32 $execute0_lowered;
	[smem:$0x3FD2] =	sst s25  }
0xa6: {  	s5 =	sshll.u32 s26, $0x1;
	_ =	strace $0x8000004C;
	[dreg:$0x1] =	wrdreg $0xFFFFFFFF  }
0xa7: {  	s28 =	simm.s32 $_size_execute0_lowered;
	s3 =	sadd.s32 s3, s5;
	[dreg:$0x0] =	wrdreg $0x0  }
0xa8: {  	s5 =	sshll.u32 s28, $0x1;
	[dreg:$0x2] =	wrdreg s3  }
0xa9: {  	[dreg:$0x3] =	wrdreg s5  }
0xaa: {  	[dreg:$0x4] =	wrdreg $0xC0  }
0xab: {  	_ =	task [dreg:s7], $0x5FFFF  }
0xac: {  	[dreg:$0x1] =	wrdreg $0xFFFFFFFF  }
0xad: {  	[dreg:$0x0] =	wrdreg $0x60  }
0xae: {  	[dreg:$0x2] =	wrdreg s2  }
0xaf: {  	[dreg:$0x3] =	wrdreg s24  }
0xb0: {  	[dreg:$0x4] =	wrdreg $0xA  }
0xb1: {  	_ =	task.clear_ibuf [dreg:s7], $0x5FFFF;
	_ =	strace $0x9000004C  }
0xb2: {  	s29 =	simm.s32 $0xA;
	_ =	strace $0x8000004E  }
0xb3: {  	_ =	swait.ge [sflag:s29], $0x1  }
0xb4: {  	[sflag:s29] =	ssyncadd.s32 $0xFFFFFFFF  }
0xb5: {  	_ =	strace $0x9000004E  }
0xb6: {  	_ =	sfence  }
0xb7: {  	s30 =	sld [smem:$0x0];
	_ =	sdelay $0x2  }
0xb8: {  	s31 =	sshll.u32 s1, $0xD;
	s1 =	sshrl.u32 s1, $0x2  }
0xb9: {  	s3 =	sand.u32 $0x4000, s31;
	s1 =	sadd.s32 s1, s30  }
0xba: {  	s0 =	sor.u32 s3, s0;
	s1 =	sshll.u32 s1, $0x11  }
0xbb: {  	s0 =	sor.u32 s1, s0  }
0xbc: {  	s0 =	sadd.s32 $0x8F2B, s0  }
0xbd: {  	[sflag:s0] =	ssyncadd.remote.s32 $0x1  }
0xbe: {  	_ =	sfence.sel $0xFFFF  }
0xbf: {  	[dreg:$0x0] =	wrdreg $0xFFFFFFFF;
	(pc) =	sbr.abs _section_cstart, $3  }
0xc0: {  	[dreg:$0x1] =	wrdreg $0xFFFFFFFF  }
0xc1: {  	_ =	task.clear_ibuf [dreg:s7], $0x2FFFF;
	_ =	strace $0x9FFFFFFF  }
0xc2: {  	(tm) =	ssettm $0x7FFFFFFF  }
0xc3: {  	_ =	shalt  }
tec
execute0_lowered:
.L_overlay_start_1:
0x0: {  	(tag) =	ssettag $0x1  }
0x1: {  	s2 =	rddreg [dreg:$0x0]  }
0x2: {  	s7 =	rddreg [dreg:$0x1]  }
0x3: {  	s0 =	rddreg [dreg:$0x2]  }
0x4: {  	s1 =	srdreg.scid;
	_ =	strace $0x8000004D;
	s4 =	simm.s32 $0x1  }
0x5: {  	s9 =	simm.s32 $0x3;
	s12 =	simm.s32 $0x0;
	s5 =	sshll.u32 s1, $0x4  }
.Ltmp0:
0x6: {  	s1 =	stileid.u32;
	s5 =	sand.u32 $0x10, s5;
	(pc) =	sbr.rel .LBB2_1-.Ltmp0, $4  }
0x7: {  	s10 =	simm.s32 $0x0;
	s3 =	sadd.s32 $0x800, s7;
	s6 =	sor.u32 s1, s5  }
0x8: {  	[sflag:s4] =	ssyncpa.u1 $0x0;
	s5 =	simm.s32 $0x2;
	s6 =	sshll.u32 s6, $0x7  }
0x9: {  	s7 =	sadd.s32 $0xE00, s7;
	[sflag:s5] =	ssyncpa.u1 $0x0;
	s8 =	sadd.s32 $0x80, s6  }
0xa: {  	vm0 =	vmmov $0xff;
	vm1 =	vcmask $0x3F20;
	[sflag:s9] =	ssyncpa.u1 $0x0;
	s9 =	simm.s32 $0x80;
	s11 =	smov.u32 s6  }
.LBB2_9:
0xb: {  	p0 =	seq.s32 s10, $0x2  }
.Ltmp1:
0xc: {  	_ = 	snop;
	(pc) =	sbr.rel @p0 .LBB2_11-.Ltmp1, $1  }
0xd: {  	_ =	sdelay $0x3  }
.LBB2_10:
0xe: {  	s12 =	sadd.s32 $0x80, s11  }
0xf: {  	s13 =	smov.u32 s6;
	p0 =	slt.s32 s12, s8  }
0x10: {  	s13 =	smov.u32 @p0 s12  }
0x11: {  	s10 =	sadd.s32 $0x1, s10;
	s12 =	smov.u32 s11;
	s11 =	smov.u32 s13  }
.LBB2_1:
0x12: {  	p0 =	sne.s32 s10, $0x0  }
.Ltmp2:
0x13: {  	_ = 	snop;
	(pc) =	sbr.rel @!p0 .LBB2_2-.Ltmp2, $1  }
0x14: {  	_ =	sdelay $0x3  }
0x15: {  	s13 =	sand.u32 $0x1, s10  }
0x16: {  	p0 =	seq.s32 s13, $0x0  }
.Ltmp3:
0x17: {  	_ = 	snop;
	(pc) =	sbr.rel @p0 .LBB2_9-.Ltmp3, $1  }
0x18: {  	_ =	sdelay $0x3  }
0x19: {  	_ =	swait.ge [sflag:s5], $0x80  }
0x1a: {  	[sflag:s5] =	ssyncset.done $0x0  }
0x1b: {  	s13 =	simm.s32 $0x0;
	[sflag:s5] =	ssyncadd.s32 $0xFFFFFF80  }
0x1c: {  	v0 =	vld.msk [tilespmem:s13+$0x80 ss:$0x1], $0xffff;
	_ =	sdelay $0x4  }
0x1d: {  	vm2 =	vgt.s32 v0, $0x0  }
0x1e: {  	v0 =	vnsel vm2, $0x0, v0  }
0x1f: {  	v0 =	vmin.u32 v0, $0xFFF  }
0x20: {  	v0 =	vshll.u32 v0, $0x4;
	_ =	sdelay $0x3  }
0x21: {  	s13 =	simm.s32 $0x4100  }
0x22: {  	[tilespmem:s13], [sflag:$0x1] =	stream.indirect_vreg.gather [hbm:s2], $0x80, v0, vm0, $0x38;
	[tilespmem:$0x8100] =	vst v63  }
0x23: {  	s14 =	simm.s32 $0x4500;
	s31 =	simm.s32 $0x10  }
0x24: {  	[tilespmem:s14], [sflag:$0x1] =	stream.indirect_vreg.gather [hbm:s2], $0x80, v0, vm1, $0x38;
	[tilespmem:$0x8100] =	vst v63  }
0x25: {  	s14 =	simm.s32 $0x80;
	v0 =	vld.msk [tilespmem:s31+$0x80 ss:$0x1], $0xffff  }
.LBB2_5:
0x26: {  	p0 =	sne.s32 s14, $0x1C0;
	_ =	sdelay $0x4  }
0x27: {  	vm2 =	vgt.s32 v0, $0x0  }
0x28: {  	v0 =	vnsel vm2, $0x0, v0  }
0x29: {  	v0 =	vmin.u32 v0, $0xFFF  }
0x2a: {  	v0 =	vshll.u32 v0, $0x4;
	_ =	sdelay $0x3  }
.Ltmp4:
0x2b: {  	s13 =	sadd.s32 $0x800, s13;
	(pc) =	sbr.rel @p0 .LBB2_5-.Ltmp4, $4  }
0x2c: {  	[tilespmem:s13], [sflag:$0x1] =	stream.indirect_vreg.gather [hbm:s2], $0x80, v0, vm0, $0x38;
	[tilespmem:$0x8100] =	vst v63  }
0x2d: {  	s15 =	sshra.s32 s14, $0x2;
	s16 =	sadd.s32 $0x400, s13  }
0x2e: {  	[tilespmem:s16], [sflag:$0x1] =	stream.indirect_vreg.gather [hbm:s2], $0x80, v0, vm1, $0x38;
	[tilespmem:$0x8100] =	vst v63  }
0x2f: {  	s14 =	sadd.s32 $0x40, s14;
	v0 =	vld.msk [tilespmem:s15+$0x80 ss:$0x1], $0xffff  }
0x30: {  	_ =	sdelay $0x3  }
0x31: {  	vm2 =	vgt.s32 v0, $0x0  }
0x32: {  	v0 =	vnsel vm2, $0x0, v0  }
0x33: {  	v0 =	vmin.u32 v0, $0xFFF  }
0x34: {  	v0 =	vshll.u32 v0, $0x4;
	_ =	sdelay $0x3  }
0x35: {  	s13 =	sadd.s32 $0x800, s13  }
0x36: {  	[tilespmem:s13], [sflag:$0x1] =	stream.indirect_vreg.gather [hbm:s2], $0x80, v0, vm0, $0x38;
	[tilespmem:$0x8100] =	vst v63  }
0x37: {  	s13 =	sadd.s32 $0x400, s13  }
0x38: {  	[tilespmem:s13], [sflag:$0x1] =	stream.indirect_vreg.gather [hbm:s2], $0x80, v0, vm1, $0x38;
	[tilespmem:$0x8100] =	vst v63  }
0x39: {  	s12 =	sshll.u32 s12, $0x4;
	s14 =	simm.s32 $0x80;
	_ =	swait.ge [sflag:s4], $0x4000  }
0x3a: {  	s15 =	simm.s32 $0x4500;
	s12 =	sadd.s32 s12, s7;
	[sflag:s4] =	ssyncset.done $0x0  }
0x3b: {  	s16 =	sadd.s32 $0x0, s12;
	s13 =	simm.s32 $0x4100;
	[sflag:s4] =	ssyncadd.s32 $0xFFFFC000  }
.LBB2_7:
0x3c: {  	[hbm:s16] =	stream.linear.scatter [tilespmem:s13], [sflag:$0x3], $0x400, $0x38;
	[tilespmem:$0x8100] =	vst v63  }
0x3d: {  	s16 =	smov.u32 s14;
	s13 =	smov.u32 s15;
	p0 =	sne.s32 s14, $0x780  }
.Ltmp5:
0x3e: {  	s14 =	sadd.s32 $0x80, s14;
	(pc) =	sbr.rel @p0 .LBB2_7-.Ltmp5, $2  }
0x3f: {  	_ =	sdelay $0x2  }
0x40: {  	s15 =	sadd.s32 $0x400, s15;
	s16 =	sadd.s32 s16, s12  }
.Ltmp6:
0x41: {  	(pc) =	sbr.rel .LBB2_9-.Ltmp6, $2  }
0x42: {  	_ =	sdelay $0x2  }
0x43: {  	[hbm:s16] =	stream.linear.scatter [tilespmem:s13], [sflag:$0x3], $0x400, $0x38;
	[tilespmem:$0x8100] =	vst v63  }
.LBB2_2:
.Ltmp7:
0x44: {  	(pc) =	sbr.rel .LBB2_10-.Ltmp7, $4  }
0x45: {  	_ = 	snop  }
0x46: {  	s12 =	sshrl.u32 s11, $0x3  }
0x47: {  	s13 =	sand.u32 $0x7, s11;
	s12 =	sadd.s32 s3, s12  }
0x48: {  	[tilespmem:s9], [sflag:$0x2] =	stream.linear.gather [hbm4b:s12+s13], $0x80, $0x38;
	[tilespmem:$0x8100] =	vst v63  }
.LBB2_11:
0x49: {  	s2 =	simm.s32 $0x3  }
0x4a: {  	_ =	swait.ge [sflag:s2], $0x4000  }
0x4b: {  	[sflag:s2] =	ssyncset.done $0x0  }
0x4c: {  	[sflag:s2] =	ssyncadd.s32 $0xFFFFC000  }
0x4d: {  	_ =	sfence.sel $0x180000  }
0x4e: {  	s3 =	simm.s32 $0x2;
	[bflag:$0x0] =	sbarrier.arrive $0xFFFF  }
0x4f: {  	[sflag:s3] =	ssyncpa.u1 $0x1  }
0x50: {  	s31 =	simm.s32 $0x1;
	[sflag:s2] =	ssyncpa.u1 $0x1  }
0x51: {  	[sflag:s31] =	ssyncpa.u1 $0x1  }
0x52: {  	p0 =	sne.s32 s1, $0x0;
	_ =	strace $0x9000004D  }
0x53: {  	s0 =	sadd.s32 @!p0 $0x100000, s0;
	[bflag:$0x2] =	sbarrier.arrive $0xFFFF  }
0x54: {  	[sflag:s0] =	ssyncadd.tile.s32 @!p0 $0x1;
	_ =	shalt  }
.Lfunc_end2:
_tile_overlayer_lowered:
.L_overlay_start_2:
0x55: {  	(tag) =	ssettag $0x2  }
0x56: {  	s0 =	rddreg [dreg:$0x0];
	s2 =	stileid.u32  }
0x57: {  	s1 =	rddreg [dreg:$0x1];
	p0 =	sne.s32 s2, $0x0  }
0x58: {  	s3 =	rddreg [dreg:$0x2];
	[bflag:$0x3] =	sbarrier.arrive $0xFFFF;
	s2 =	simm.s32 @!p0 $0x1C01  }
0x59: {  	[timem:s3], [sflag:s2] =	dma.local @!p0 [hbm:s0], s1  }
0x5a: {  	s0 =	simm.s32 @!p0 $0x1  }
0x5b: {  	_ =	swait.ge @!p0 [sflag:s0], s1  }
0x5c: {  	s1 =	ssub.s32 @!p0 $0x0, s1;
	[sflag:s0] =	ssyncset.done @!p0 $0x0  }
0x5d: {  	[sflag:s0] =	ssyncadd.s32 @!p0 s1  }
0x5e: {  	[bflag:$0x3] =	sbarrier.arrive $0xFFFF  }
0x5f: {  	_ =	shalt  }

// kernel: gather_offload_async_start
scs
__scs_entry_jumppad:
0x0: {  	(pc) =	sbr.rel $0x88, $3  }
0x1: {  	(tag) =	ssettag $0x0;
	lr =	simm.s32 $0x1  }
0x2: {  	[smem:$0x3F9F] =	sst lr;
	_ =	strace $0xD0000000  }
0x3: {  	_ = 	snop  }
0x4: {  	_ = 	snop  }
0x5: {  	_ = 	snop  }
0x6: {  	_ = 	snop  }
0x7: {  	_ = 	snop  }
__scs_overlays_trampoline_lowered:
0x8: {  	[smem:$0x3FAE] =	sst s0  }
0x9: {  	[smem:$0x3FAF] =	sst s1  }
0xa: {  	[smem:$0x3FB0] =	sst s2  }
0xb: {  	[smem:$0x3FB1] =	sst s3  }
0xc: {  	[smem:$0x3FB2] =	sst s4  }
0xd: {  	[smem:$0x3FB3] =	sst s5  }
0xe: {  	[smem:$0x3FB4] =	sst s6  }
0xf: {  	[smem:$0x3FB5] =	sst s7  }
0x10: {  	[smem:$0x3FB6] =	sst s8  }
0x11: {  	[smem:$0x3FB7] =	sst s9;
	s0 =	simm.s32 @!p0 $0x0  }
0x12: {  	s1 =	sld [smem:$0x3F9D];
	s0 =	simm.s32 @p0 $0x1  }
0x13: {  	[smem:$0x3FB8] =	sst s0;
	s0 =	simm.s32 @!p1 $0x0  }
0x14: {  	s2 =	sld [smem:$0x3F9C];
	s0 =	simm.s32 @p1 $0x1  }
0x15: {  	[smem:$0x3FB9] =	sst s0;
	s0 =	simm.s32 @!p2 $0x0  }
0x16: {  	s3 =	sld [smem:$0x3FDB];
	s0 =	simm.s32 @p2 $0x1  }
0x17: {  	s4 =	simm.s32 $0x1BF5;
	[smem:$0x3FBB] =	sst s0  }
0x18: {  	s0 =	sld [smem:$0x3F9E];
	_ =	swait.ge [sflag:s4], $0x0  }
0x19: {  	s7 =	sld [smem:$0x3F9F]  }
0x1a: {  	s8 =	sadd.s32 $0xFFFFE003, lr  }
0x1b: {  	s9 =	sadd.s32 $0xFFFFFEF7, lr;
	s5 =	simm.s32 $0xFFFFFFFF;
	p2 =	slt.u32 s8, $0xFFFFF086  }
0x1c: {  	p1 =	slt.u32 s9, $0xF7A;
	s5 =	simm.s32 @!p2 $0x0  }
0x1d: {  	s5 =	simm.s32 @p1 $0x1;
	p0 =	seq.s32 s7, s2  }
0x1e: {  	s7 =	smul.u32 @!p0 $0xF7A, s2;
	p2 =	seq.s32 @!p0 s5, $0x0  }
0x1f: {  	s9 =	smul.u32 $0xF7A, s1;
	s8 =	simm.s32 @!p0 $0x1BF5;
	p2 =	por !p2, p0  }
0x20: {  	[sflag:s8] =	ssyncset.s32 @!p0 $0xFFFFF086;
	s6 =	sadd.s32 @!p0 s3, s7;
	s7 =	simm.s32 @!p0 $0x108  }
0x21: {  	s3 =	sadd.s32 s3, s9;
	s6 =	sadd.s32 @!p0 $0x88, s6;
	s7 =	simm.s32 @p2 $0x1082  }
0x22: {  	[simem:s7], [sflag:s8] =	dma.local @!p0 [hbm:s6], $0xF7A  }
0x23: {  	s9 =	sor.u32 $0xD0000000, s2;
	s6 =	simm.s32 $0x108;
	_ =	swait.ge @!p0 [sflag:s8], $0x0  }
0x24: {  	s3 =	sadd.s32 $0x88, s3;
	s6 =	simm.s32 @!p1 $0x1082;
	[sflag:s4] =	ssyncset.s32 $0xFFFFF086  }
0x25: {  	[simem:s6], [sflag:s4] =	dma.local [hbm:s3], $0xF7A  }
0x26: {  	[smem:$0x3F9F] =	sst s1;
	(tag) =	ssettag s2;
	_ =	strace s9  }
0x27: {  	s1 =	sld [smem:$0x3FAF]  }
0x28: {  	s2 =	sld [smem:$0x3FB0]  }
0x29: {  	s4 =	sld [smem:$0x3FB2]  }
0x2a: {  	p0 =	seq.s32 s5, $0x0;
	s5 =	sld [smem:$0x3FB3]  }
0x2b: {  	s6 =	sld [smem:$0x3FB4]  }
0x2c: {  	s7 =	sld [smem:$0x3FB5]  }
0x2d: {  	s3 =	simm.s32 $0x108;
	s8 =	sld [smem:$0x3FB6]  }
0x2e: {  	s3 =	simm.s32 @!p0 $0x1082;
	s9 =	sld [smem:$0x3FB7]  }
0x2f: {  	lr =	sadd.s32 s0, s3;
	s0 =	sld [smem:$0x3FAE]  }
0x30: {  	s3 =	sld [smem:$0x3FB1]  }
0x31: {  	[smem:$0x3FBA] =	sst s10  }
0x32: {  	s10 =	sld [smem:$0x3FB8];
	_ =	sdelay $0x3  }
0x33: {  	p0 =	seq.s32 s10, $0x1;
	s10 =	sld [smem:$0x3FBA];
	_ =	sdelay $0x3  }
0x34: {  	[smem:$0x3FBA] =	sst s10  }
0x35: {  	s10 =	sld [smem:$0x3FB9];
	_ =	sdelay $0x3  }
0x36: {  	p1 =	seq.s32 s10, $0x1;
	s10 =	sld [smem:$0x3FBA];
	_ =	sdelay $0x3  }
0x37: {  	[smem:$0x3FBA] =	sst s10  }
0x38: {  	s10 =	sld [smem:$0x3FBB]  }
0x39: {  	_ = 	snop;
	(pc) =	sbr.ind lr, $3  }
0x3a: {  	_ = 	snop  }
0x3b: {  	_ = 	snop  }
0x3c: {  	p2 =	seq.s32 s10, $0x1;
	s10 =	sld [smem:$0x3FBA]  }
0x3d: {  	_ =	shalt  }
0x3e: {  	_ =	shalt  }
0x3f: {  	_ =	shalt  }
0x40: {  	_ =	shalt  }
0x41: {  	_ =	shalt  }
0x42: {  	_ =	shalt  }
0x43: {  	_ =	shalt  }
0x44: {  	_ =	shalt  }
0x45: {  	_ =	shalt  }
0x46: {  	_ =	shalt  }
0x47: {  	_ =	shalt  }
0x48: {  	_ =	shalt  }
0x49: {  	_ =	shalt  }
0x4a: {  	_ =	shalt  }
0x4b: {  	_ =	shalt  }
0x4c: {  	_ =	shalt  }
0x4d: {  	_ =	shalt  }
0x4e: {  	_ =	shalt  }
0x4f: {  	_ =	shalt  }
0x50: {  	_ =	shalt  }
0x51: {  	_ =	shalt  }
0x52: {  	_ =	shalt  }
0x53: {  	_ =	shalt  }
0x54: {  	_ =	shalt  }
0x55: {  	_ =	shalt  }
0x56: {  	_ =	shalt  }
0x57: {  	_ =	shalt  }
0x58: {  	_ =	shalt  }
0x59: {  	_ =	shalt  }
0x5a: {  	_ =	shalt  }
0x5b: {  	_ =	shalt  }
0x5c: {  	_ =	shalt  }
0x5d: {  	_ =	shalt  }
0x5e: {  	_ =	shalt  }
0x5f: {  	_ =	shalt  }
0x60: {  	_ =	shalt  }
0x61: {  	_ =	shalt  }
0x62: {  	_ =	shalt  }
0x63: {  	_ =	shalt  }
0x64: {  	_ =	shalt  }
0x65: {  	_ =	shalt  }
0x66: {  	_ =	shalt  }
0x67: {  	_ =	shalt  }
0x68: {  	_ =	shalt  }
0x69: {  	_ =	shalt  }
0x6a: {  	_ =	shalt  }
0x6b: {  	_ =	shalt  }
0x6c: {  	_ =	shalt  }
0x6d: {  	_ =	shalt  }
0x6e: {  	_ =	shalt  }
0x6f: {  	_ =	shalt  }
0x70: {  	_ =	shalt  }
0x71: {  	_ =	shalt  }
0x72: {  	_ =	shalt  }
0x73: {  	_ =	shalt  }
0x74: {  	_ =	shalt  }
0x75: {  	_ =	shalt  }
0x76: {  	_ =	shalt  }
0x77: {  	_ =	shalt  }
0x78: {  	_ =	shalt  }
0x79: {  	_ =	shalt  }
0x7a: {  	_ =	shalt  }
0x7b: {  	_ =	shalt  }
0x7c: {  	_ =	shalt  }
0x7d: {  	_ =	shalt  }
0x7e: {  	_ =	shalt  }
0x7f: {  	_ =	shalt  }
0x80: {  	_ =	shalt  }
0x81: {  	_ =	shalt  }
0x82: {  	_ =	shalt  }
0x83: {  	_ =	shalt  }
0x84: {  	_ =	shalt  }
0x85: {  	_ =	shalt  }
0x86: {  	_ =	shalt  }
0x87: {  	_ =	shalt  }
.Lfunc_end0:
.L_simem_size_0:
called_computation.1_lowered:
.L_overlay_start_0:
0x88: {  	s2 =	sld [smem:$0x3FD9]  }
0x89: {  	s3 =	sld [smem:$0x3FFE];
	_ =	sdelay $0x1  }
0x8a: {  	s1 =	srdreg.scid  }
0x8b: {  	s0 =	sand.u32 $0x1, s1  }
0x8c: {  	s16 =	sshll.u32 s0, $0xA;
	s2 =	sadd.s32 s3, s2  }
0x8d: {  	s2 =	sadd.s32 s2, s16  }
0x8e: {  	[smem:$0x3FC6] =	sst s2  }
0x8f: {  	_ = 	snop  }
0x90: {  	(tm) =	ssettm $0x1  }
0x91: {  	s17 =	sld [smem:$0x3FFB];
	_ =	sdelay $0x3  }
0x92: {  	_ =	strace s17  }
0x93: {  	s2 =	sld [smem:$0x3FFC];
	_ =	sdelay $0x3  }
0x94: {  	_ =	strace s2  }
0x95: {  	s2 =	sld [smem:$0x3FFD];
	_ =	sdelay $0x3  }
0x96: {  	_ =	strace s2  }
0x97: {  	_ =	strace $0x8FFFFFFF  }
0x98: {  	s18 =	sld [smem:$0x3FDB];
	_ =	sdelay $0x1  }
0x99: {  	s19 =	simm.s32 $_scs_section_size  }
0x9a: {  	s4 =	simm.s32 $_size__tile_overlayer_lowered;
	s5 =	simm.s32 $_tile_overlayer_lowered  }
0x9b: {  	s22 =	simm.s32 $0x1BFF;
	s21 =	sshll.u32 s5, $0x1;
	s2 =	sadd.s32 s19, s18  }
0x9c: {  	s6 =	simm.s32 $0x0;
	s20 =	sshll.u32 s4, $0x1;
	s4 =	sadd.s32 s21, s2  }
0x9d: {  	[timem:s6], [sflag:s22] =	dma.local [hbm:s4], s20  }
0x9e: {  	_ =	swait.ge [sflag:s22], s20  }
0x9f: {  	s3 =	ssub.s32 $0x0, s20;
	[sflag:s22] =	ssyncset.done $0x0  }
0xa0: {  	[sflag:s22] =	ssyncadd.s32 s3;
	_ =	sdelay $0x1  }
0xa1: {  	s23 =	simm.s32 $0x1B8B  }
0xa2: {  	_ =	swait.ge [sflag:s23], $0x1  }
0xa3: {  	[sflag:s23] =	ssyncset.done $0x0  }
0xa4: {  	s25 =	simm.s32 $0x1B8E;
	s24 =	sld [smem:$0x3FFE];
	[sflag:s23] =	ssyncadd.s32 $0xFFFFFFFF  }
0xa5: {  	s26 =	simm.s32 $execute0_lowered;
	[smem:$0x3FD2] =	sst s25  }
0xa6: {  	s4 =	sshll.u32 s26, $0x1;
	_ =	strace $0x80000046;
	[dreg:$0x1] =	wrdreg $0xFFFFFFFF  }
0xa7: {  	s28 =	simm.s32 $_size_execute0_lowered;
	s2 =	sadd.s32 s2, s4;
	[dreg:$0x0] =	wrdreg $0x0  }
0xa8: {  	s4 =	sshll.u32 s28, $0x1;
	[dreg:$0x2] =	wrdreg s2  }
0xa9: {  	[dreg:$0x3] =	wrdreg s4  }
0xaa: {  	[dreg:$0x4] =	wrdreg $0xC0  }
0xab: {  	_ =	task [dreg:s6], $0x5FFFF  }
0xac: {  	[dreg:$0x1] =	wrdreg $0xFFFFFFFF  }
0xad: {  	[dreg:$0x0] =	wrdreg $0x60  }
0xae: {  	[dreg:$0x2] =	wrdreg s24  }
0xaf: {  	[dreg:$0x3] =	wrdreg $0x9  }
0xb0: {  	_ =	task.clear_ibuf [dreg:s6], $0x4FFFF;
	_ =	strace $0x90000046  }
0xb1: {  	s29 =	simm.s32 $0x9;
	_ =	strace $0x80000048  }
0xb2: {  	_ =	swait.ge [sflag:s29], $0x1  }
0xb3: {  	[sflag:s29] =	ssyncadd.s32 $0xFFFFFFFF  }
0xb4: {  	_ =	strace $0x90000048  }
0xb5: {  	_ =	sfence  }
0xb6: {  	s30 =	sld [smem:$0x0];
	_ =	sdelay $0x2  }
0xb7: {  	s31 =	sshll.u32 s1, $0xD;
	s1 =	sshrl.u32 s1, $0x2  }
0xb8: {  	s3 =	sand.u32 $0x4000, s31;
	s1 =	sadd.s32 s1, s30  }
0xb9: {  	s0 =	sor.u32 s3, s0;
	s1 =	sshll.u32 s1, $0x11  }
0xba: {  	s0 =	sor.u32 s1, s0  }
0xbb: {  	s0 =	sadd.s32 $0x8F2B, s0  }
0xbc: {  	[sflag:s0] =	ssyncadd.remote.s32 $0x1  }
0xbd: {  	_ =	sfence.sel $0xFFFF  }
0xbe: {  	[dreg:$0x0] =	wrdreg $0xFFFFFFFF;
	(pc) =	sbr.abs _section_cstart, $3  }
0xbf: {  	[dreg:$0x1] =	wrdreg $0xFFFFFFFF  }
0xc0: {  	_ =	task.clear_ibuf [dreg:s6], $0x2FFFF;
	_ =	strace $0x9FFFFFFF  }
0xc1: {  	(tm) =	ssettm $0x7FFFFFFF  }
tec
execute0_lowered:
.L_overlay_start_1:
0x0: {  	(tag) =	ssettag $0x1  }
0x1: {  	s0 =	srdreg.scid;
	s5 =	rddreg [dreg:$0x0]  }
0x2: {  	s1 =	stileid.u32;
	s6 =	simm.s32 $0x1;
	s9 =	simm.s32 $0x1  }
0x3: {  	s10 =	simm.s32 $0x3;
	s13 =	simm.s32 $0x0;
	s2 =	sshll.u32 s0, $0x6  }
0x4: {  	s12 =	simm.s32 $0x0;
	s3 =	sshll.u32 s1, $0x7;
	s2 =	sand.u32 $0x40, s2  }
0x5: {  	s0 =	rddreg [dreg:$0x1];
	_ =	strace $0x80000047;
	s2 =	sor.u32 s3, s2  }
0x6: {  	s4 =	sadd.s32 $0x11000, s5;
	[sflag:s6] =	ssyncpa.u1 $0x0;
	s8 =	ssub.s32 $0x1000, s2  }
.Ltmp0:
0x7: {  	s3 =	sadd.s32 $0x800, s5;
	s7 =	sand.u32 $0x7C0, s8;
	(pc) =	sbr.rel .LBB2_1-.Ltmp0, $4  }
0x8: {  	s5 =	sadd.s32 $0x11200, s5;
	s11 =	smov.u32 s2;
	p0 =	sne.s32 s7, $0x0  }
0x9: {  	s8 =	sshrl.u32 s8, $0xB;
	s7 =	simm.s32 $0x2;
	s9 =	simm.s32 @!p0 $0x0  }
0xa: {  	[sflag:s7] =	ssyncpa.u1 $0x0;
	p0 =	por $0x0, $0x0;
	s8 =	sadd.s32 s9, s8  }
0xb: {  	vm0 =	vmmov $0xffff;
	[sflag:s10] =	ssyncpa.u1 $0x0;
	s10 =	simm.s32 $0x0;
	s9 =	sadd.s32 $0x1, s8  }
.LBB2_4:
0xc: {  	v2 =	vnsel vm1, $0x0, v2  }
0xd: {  	vm1 =	vgt.s32 v0, $0x0;
	v2 =	vmin.u32 v2, $0xFFF  }
0xe: {  	v0 =	vnsel vm1, $0x0, v0  }
0xf: {  	v0 =	vmin.u32 v0, $0xFFF  }
0x10: {  	[tilespmem:s15], [sflag:$0x1] =	stream.indirect_vreg.gather [hbm4b:s3+s10], $0x1, v1, vm0, $0x4038;
	[tilespmem:$0x100] =	vst v63  }
0x11: {  	(ifvalue) =	ssetifvalue $0x7FFFFFFF  }
0x12: {  	[tilespmem:s16], [sflag:$0x1] =	stream.indirect_vreg.gather [hbm4b:s3+s10], $0x1, v2, vm0, $0x4038;
	[tilespmem:$0x100] =	vst v63  }
0x13: {  	s29 =	sadd.s32 $0x10, s16;
	(ifvalue) =	ssetifvalue $0x7FFFFFFF  }
0x14: {  	[tilespmem:s29], [sflag:$0x1] =	stream.indirect_vreg.gather [hbm4b:s3+s10], $0x1, v0, vm0, $0x4038;
	[tilespmem:$0x100] =	vst v63  }
0x15: {  	_ =	swait.ge [sflag:s6], $0x40  }
0x16: {  	s30 =	sshrl.u32 s13, $0x3;
	[sflag:s6] =	ssyncset.done $0x0  }
0x17: {  	s31 =	sand.u32 $0x7, s13;
	s15 =	sadd.s32 s5, s30;
	[sflag:s6] =	ssyncadd.s32 $0xFFFFFFC0  }
0x18: {  	[hbm4b:s15+s31] =	stream.linear.scatter [tilespmem:s14], [sflag:$0x3], $0x40, $0x38;
	[tilespmem:$0x100] =	vst v63  }
.LBB2_5:
0x19: {  	s15 =	sadd.s32 $0x800, s11  }
0x1a: {  	p2 =	sgt.s32 s15, $0xFFF  }
0x1b: {  	s15 =	smov.u32 @p2 s2;
	p2 =	sne.s32 s12, s9  }
.Ltmp1:
0x1c: {  	p1 =	slt.u32 s12, $0x2;
	(pc) =	sbr.rel @!p2 .LBB2_6-.Ltmp1, $4  }
0x1d: {  	s14 =	simm.s32 @!p1 $0x3  }
0x1e: {  	s16 =	sadd.s32 $0x1, s12;
	_ =	swait.ge @!p1 [sflag:s14], $0x40  }
0x1f: {  	s13 =	smov.u32 s11;
	p0 =	por !p0, !p0;
	[sflag:s14] =	ssyncset.done @!p1 $0x0  }
0x20: {  	s12 =	smov.u32 s16;
	s11 =	smov.u32 s15;
	[sflag:s14] =	ssyncadd.s32 @!p1 $0xFFFFFFC0  }
.LBB2_1:
0x21: {  	p1 =	sge.u32 s12, s8  }
0x22: {  	s14 =	sxor.u32 @!p1 $0xFFFFFFFF, s12  }
0x23: {  	s31 =	sadd.s32 $0xFFFFFFFF, s12;
	s15 =	sshrl.u32 @!p1 s11, $0x3;
	s14 =	sshll.u32 @!p1 s14, $0x6  }
0x24: {  	s16 =	sand.u32 @!p1 $0x7, s11;
	s15 =	sadd.s32 @!p1 s4, s15;
	s14 =	sand.u32 @!p1 $0x40, s14  }
0x25: {  	[tilespmem:s14], [sflag:$0x2] =	stream.linear.gather @!p1 [hbm4b:s15+s16], $0x40, $0x38;
	[tilespmem:$0x100] =	vst v63  }
0x26: {  	p1 =	sge.u32 s31, s8  }
.Ltmp2:
0x27: {  	_ = 	snop;
	(pc) =	sbr.rel @p1 .LBB2_5-.Ltmp2, $1  }
0x28: {  	_ =	sdelay $0x3  }
0x29: {  	s14 =	simm.s32 $0x1  }
0x2a: {  	_ =	swait.ge [sflag:s7], $0x40;
	s14 =	simm.s32 @!p0 $0x0  }
0x2b: {  	[sflag:s7] =	ssyncset.done $0x0;
	s14 =	sshll.u32 s14, $0x6  }
0x2c: {  	[sflag:s7] =	ssyncadd.s32 $0xFFFFFFC0;
	(ifvalue) =	ssetifvalue $0x7FFFFFFF;
	v0 =	vld.msk [tilespmem:s14+$0x0 ss:$0x1], $0xffff;
	_ =	sdelay $0x4  }
0x2d: {  	s15 =	sadd.s32 $0x10, s14;
	vm1 =	vgt.s32 v0, $0x0  }
0x2e: {  	v2 =	vld.msk [tilespmem:s15+$0x0 ss:$0x1], $0xffff;
	v1 =	vnsel vm1, $0x0, v0  }
0x2f: {  	v1 =	vmin.u32 v1, $0xFFF;
	_ =	sdelay $0x1  }
0x30: {  	s16 =	sshll.u32 s12, $0x6;
	s18 =	simm.s32 $0x20  }
0x31: {  	s16 =	sand.u32 $0x40, s16;
	s17 =	sadd.s32 $0x10, s15;
	s15 =	sor.u32 $0x80, s14  }
0x32: {  	s14 =	sor.u32 $0x80, s16;
	s16 =	sadd.s32 $0x10, s15;
	v0 =	vld.msk [tilespmem:s17+$0x0 ss:$0x1], $0xffff;
	vm1 =	vgt.s32 v2, $0x0;
	(ifvalue) =	ssetifvalue $0x7FFFFFFF  }
.LBB2_3:
0x33: {  	[tilespmem:s15], [sflag:$0x1] =	stream.indirect_vreg.gather [hbm4b:s3+s10], $0x1, v1, vm0, $0x4038;
	[tilespmem:$0x100] =	vst v63  }
0x34: {  	s18 =	sadd.s32 $0x10, s18  }
0x35: {  	v2 =	vnsel vm1, $0x0, v2;
	p1 =	slt.u32 s18, $0x30  }
.Ltmp3:
0x36: {  	s15 =	smov.u32 s16;
	v1 =	vmin.u32 v2, $0xFFF;
	(pc) =	sbr.rel @p1 .LBB2_3-.Ltmp3, $3  }
0x37: {  	_ =	sdelay $0x1  }
0x38: {  	s17 =	sadd.s32 $0x10, s17  }
0x39: {  	vm1 =	vgt.s32 v0, $0x0;
	s16 =	sadd.s32 $0x10, s16;
	v2 =	vmov v0;
	(ifvalue) =	ssetifvalue $0x7FFFFFFF;
	v0 =	vld.msk [tilespmem:s17+$0x0 ss:$0x1], $0xffff  }
.Ltmp4:
0x3a: {  	_ = 	snop;
	(pc) =	sbr.rel .LBB2_4-.Ltmp4, $1  }
0x3b: {  	_ =	sdelay $0x3  }
.LBB2_6:
0x3c: {  	_ =	sfence.sel $0x180000  }
0x3d: {  	s2 =	simm.s32 $0x2;
	[bflag:$0x0] =	sbarrier.arrive $0xFFFF  }
0x3e: {  	s30 =	simm.s32 $0x3;
	[sflag:s2] =	ssyncpa.u1 $0x1  }
0x3f: {  	s31 =	simm.s32 $0x1;
	[sflag:s30] =	ssyncpa.u1 $0x1  }
0x40: {  	[sflag:s31] =	ssyncpa.u1 $0x1  }
0x41: {  	p0 =	sne.s32 s1, $0x0;
	_ =	strace $0x90000047  }
0x42: {  	s0 =	sadd.s32 @!p0 $0x100000, s0;
	[bflag:$0x2] =	sbarrier.arrive $0xFFFF  }
0x43: {  	[sflag:s0] =	ssyncadd.tile.s32 @!p0 $0x1;
	_ =	shalt  }
.Lfunc_end2:
_tile_overlayer_lowered:
.L_overlay_start_2:
0x44: {  	(tag) =	ssettag $0x2  }
0x45: {  	s0 =	rddreg [dreg:$0x0];
	s2 =	stileid.u32  }
0x46: {  	s1 =	rddreg [dreg:$0x1];
	p0 =	sne.s32 s2, $0x0  }
0x47: {  	s3 =	rddreg [dreg:$0x2];
	[bflag:$0x3] =	sbarrier.arrive $0xFFFF;
	s2 =	simm.s32 @!p0 $0x1C01  }
0x48: {  	[timem:s3], [sflag:s2] =	dma.local @!p0 [hbm:s0], s1  }
0x49: {  	s0 =	simm.s32 @!p0 $0x1  }
0x4a: {  	_ =	swait.ge @!p0 [sflag:s0], s1  }
0x4b: {  	s1 =	ssub.s32 @!p0 $0x0, s1;
	[sflag:s0] =	ssyncset.done @!p0 $0x0  }
0x4c: {  	[sflag:s0] =	ssyncadd.s32 @!p0 s1  }
0x4d: {  	[bflag:$0x3] =	sbarrier.arrive $0xFFFF  }
0x4e: {  	_ =	shalt  }

// kernel: scatter_offload_async_start
scs
__scs_entry_jumppad:
0x0: {  	(pc) =	sbr.rel $0x88, $3  }
0x1: {  	(tag) =	ssettag $0x0;
	lr =	simm.s32 $0x1  }
0x2: {  	[smem:$0x3F9F] =	sst lr;
	_ =	strace $0xD0000000  }
0x3: {  	_ = 	snop  }
0x4: {  	_ = 	snop  }
0x5: {  	_ = 	snop  }
0x6: {  	_ = 	snop  }
0x7: {  	_ = 	snop  }
__scs_overlays_trampoline_lowered:
0x8: {  	[smem:$0x3FAE] =	sst s0  }
0x9: {  	[smem:$0x3FAF] =	sst s1  }
0xa: {  	[smem:$0x3FB0] =	sst s2  }
0xb: {  	[smem:$0x3FB1] =	sst s3  }
0xc: {  	[smem:$0x3FB2] =	sst s4  }
0xd: {  	[smem:$0x3FB3] =	sst s5  }
0xe: {  	[smem:$0x3FB4] =	sst s6  }
0xf: {  	[smem:$0x3FB5] =	sst s7  }
0x10: {  	[smem:$0x3FB6] =	sst s8  }
0x11: {  	[smem:$0x3FB7] =	sst s9;
	s0 =	simm.s32 @!p0 $0x0  }
0x12: {  	s1 =	sld [smem:$0x3F9D];
	s0 =	simm.s32 @p0 $0x1  }
0x13: {  	[smem:$0x3FB8] =	sst s0;
	s0 =	simm.s32 @!p1 $0x0  }
0x14: {  	s2 =	sld [smem:$0x3F9C];
	s0 =	simm.s32 @p1 $0x1  }
0x15: {  	[smem:$0x3FB9] =	sst s0;
	s0 =	simm.s32 @!p2 $0x0  }
0x16: {  	s3 =	sld [smem:$0x3FDB];
	s0 =	simm.s32 @p2 $0x1  }
0x17: {  	s4 =	simm.s32 $0x1BF5;
	[smem:$0x3FBB] =	sst s0  }
0x18: {  	s0 =	sld [smem:$0x3F9E];
	_ =	swait.ge [sflag:s4], $0x0  }
0x19: {  	s7 =	sld [smem:$0x3F9F]  }
0x1a: {  	s8 =	sadd.s32 $0xFFFFE003, lr  }
0x1b: {  	s9 =	sadd.s32 $0xFFFFFEF7, lr;
	s5 =	simm.s32 $0xFFFFFFFF;
	p2 =	slt.u32 s8, $0xFFFFF086  }
0x1c: {  	p1 =	slt.u32 s9, $0xF7A;
	s5 =	simm.s32 @!p2 $0x0  }
0x1d: {  	s5 =	simm.s32 @p1 $0x1;
	p0 =	seq.s32 s7, s2  }
0x1e: {  	s7 =	smul.u32 @!p0 $0xF7A, s2;
	p2 =	seq.s32 @!p0 s5, $0x0  }
0x1f: {  	s9 =	smul.u32 $0xF7A, s1;
	s8 =	simm.s32 @!p0 $0x1BF5;
	p2 =	por !p2, p0  }
0x20: {  	[sflag:s8] =	ssyncset.s32 @!p0 $0xFFFFF086;
	s6 =	sadd.s32 @!p0 s3, s7;
	s7 =	simm.s32 @!p0 $0x108  }
0x21: {  	s3 =	sadd.s32 s3, s9;
	s6 =	sadd.s32 @!p0 $0x88, s6;
	s7 =	simm.s32 @p2 $0x1082  }
0x22: {  	[simem:s7], [sflag:s8] =	dma.local @!p0 [hbm:s6], $0xF7A  }
0x23: {  	s9 =	sor.u32 $0xD0000000, s2;
	s6 =	simm.s32 $0x108;
	_ =	swait.ge @!p0 [sflag:s8], $0x0  }
0x24: {  	s3 =	sadd.s32 $0x88, s3;
	s6 =	simm.s32 @!p1 $0x1082;
	[sflag:s4] =	ssyncset.s32 $0xFFFFF086  }
0x25: {  	[simem:s6], [sflag:s4] =	dma.local [hbm:s3], $0xF7A  }
0x26: {  	[smem:$0x3F9F] =	sst s1;
	(tag) =	ssettag s2;
	_ =	strace s9  }
0x27: {  	s1 =	sld [smem:$0x3FAF]  }
0x28: {  	s2 =	sld [smem:$0x3FB0]  }
0x29: {  	s4 =	sld [smem:$0x3FB2]  }
0x2a: {  	p0 =	seq.s32 s5, $0x0;
	s5 =	sld [smem:$0x3FB3]  }
0x2b: {  	s6 =	sld [smem:$0x3FB4]  }
0x2c: {  	s7 =	sld [smem:$0x3FB5]  }
0x2d: {  	s3 =	simm.s32 $0x108;
	s8 =	sld [smem:$0x3FB6]  }
0x2e: {  	s3 =	simm.s32 @!p0 $0x1082;
	s9 =	sld [smem:$0x3FB7]  }
0x2f: {  	lr =	sadd.s32 s0, s3;
	s0 =	sld [smem:$0x3FAE]  }
0x30: {  	s3 =	sld [smem:$0x3FB1]  }
0x31: {  	[smem:$0x3FBA] =	sst s10  }
0x32: {  	s10 =	sld [smem:$0x3FB8];
	_ =	sdelay $0x3  }
0x33: {  	p0 =	seq.s32 s10, $0x1;
	s10 =	sld [smem:$0x3FBA];
	_ =	sdelay $0x3  }
0x34: {  	[smem:$0x3FBA] =	sst s10  }
0x35: {  	s10 =	sld [smem:$0x3FB9];
	_ =	sdelay $0x3  }
0x36: {  	p1 =	seq.s32 s10, $0x1;
	s10 =	sld [smem:$0x3FBA];
	_ =	sdelay $0x3  }
0x37: {  	[smem:$0x3FBA] =	sst s10  }
0x38: {  	s10 =	sld [smem:$0x3FBB]  }
0x39: {  	_ = 	snop;
	(pc) =	sbr.ind lr, $3  }
0x3a: {  	_ = 	snop  }
0x3b: {  	_ = 	snop  }
0x3c: {  	p2 =	seq.s32 s10, $0x1;
	s10 =	sld [smem:$0x3FBA]  }
0x3d: {  	_ =	shalt  }
0x3e: {  	_ =	shalt  }
0x3f: {  	_ =	shalt  }
0x40: {  	_ =	shalt  }
0x41: {  	_ =	shalt  }
0x42: {  	_ =	shalt  }
0x43: {  	_ =	shalt  }
0x44: {  	_ =	shalt  }
0x45: {  	_ =	shalt  }
0x46: {  	_ =	shalt  }
0x47: {  	_ =	shalt  }
0x48: {  	_ =	shalt  }
0x49: {  	_ =	shalt  }
0x4a: {  	_ =	shalt  }
0x4b: {  	_ =	shalt  }
0x4c: {  	_ =	shalt  }
0x4d: {  	_ =	shalt  }
0x4e: {  	_ =	shalt  }
0x4f: {  	_ =	shalt  }
0x50: {  	_ =	shalt  }
0x51: {  	_ =	shalt  }
0x52: {  	_ =	shalt  }
0x53: {  	_ =	shalt  }
0x54: {  	_ =	shalt  }
0x55: {  	_ =	shalt  }
0x56: {  	_ =	shalt  }
0x57: {  	_ =	shalt  }
0x58: {  	_ =	shalt  }
0x59: {  	_ =	shalt  }
0x5a: {  	_ =	shalt  }
0x5b: {  	_ =	shalt  }
0x5c: {  	_ =	shalt  }
0x5d: {  	_ =	shalt  }
0x5e: {  	_ =	shalt  }
0x5f: {  	_ =	shalt  }
0x60: {  	_ =	shalt  }
0x61: {  	_ =	shalt  }
0x62: {  	_ =	shalt  }
0x63: {  	_ =	shalt  }
0x64: {  	_ =	shalt  }
0x65: {  	_ =	shalt  }
0x66: {  	_ =	shalt  }
0x67: {  	_ =	shalt  }
0x68: {  	_ =	shalt  }
0x69: {  	_ =	shalt  }
0x6a: {  	_ =	shalt  }
0x6b: {  	_ =	shalt  }
0x6c: {  	_ =	shalt  }
0x6d: {  	_ =	shalt  }
0x6e: {  	_ =	shalt  }
0x6f: {  	_ =	shalt  }
0x70: {  	_ =	shalt  }
0x71: {  	_ =	shalt  }
0x72: {  	_ =	shalt  }
0x73: {  	_ =	shalt  }
0x74: {  	_ =	shalt  }
0x75: {  	_ =	shalt  }
0x76: {  	_ =	shalt  }
0x77: {  	_ =	shalt  }
0x78: {  	_ =	shalt  }
0x79: {  	_ =	shalt  }
0x7a: {  	_ =	shalt  }
0x7b: {  	_ =	shalt  }
0x7c: {  	_ =	shalt  }
0x7d: {  	_ =	shalt  }
0x7e: {  	_ =	shalt  }
0x7f: {  	_ =	shalt  }
0x80: {  	_ =	shalt  }
0x81: {  	_ =	shalt  }
0x82: {  	_ =	shalt  }
0x83: {  	_ =	shalt  }
0x84: {  	_ =	shalt  }
0x85: {  	_ =	shalt  }
0x86: {  	_ =	shalt  }
0x87: {  	_ =	shalt  }
.Lfunc_end0:
.L_simem_size_0:
called_computation_lowered:
.L_overlay_start_0:
0x88: {  	s0 =	sld [smem:$0x3FD9]  }
0x89: {  	s1 =	sld [smem:$0x3FFE];
	_ =	sdelay $0x3  }
0x8a: {  	s0 =	sadd.s32 s1, s0  }
0x8b: {  	[smem:$0x3FC6] =	sst s0  }
0x8c: {  	_ = 	snop  }
0x8d: {  	(tm) =	ssettm $0x1  }
0x8e: {  	s15 =	sld [smem:$0x3FFB];
	_ =	sdelay $0x3  }
0x8f: {  	_ =	strace s15  }
0x90: {  	s0 =	sld [smem:$0x3FFC];
	_ =	sdelay $0x3  }
0x91: {  	_ =	strace s0  }
0x92: {  	s0 =	sld [smem:$0x3FFD];
	_ =	sdelay $0x3  }
0x93: {  	_ =	strace s0  }
0x94: {  	_ =	strace $0x8FFFFFFF  }
0x95: {  	s16 =	sld [smem:$0x3FDB];
	_ =	sdelay $0x1  }
0x96: {  	s17 =	simm.s32 $_scs_section_size  }
0x97: {  	s2 =	simm.s32 $_size__tile_overlayer_lowered;
	s3 =	simm.s32 $_tile_overlayer_lowered  }
0x98: {  	s20 =	simm.s32 $0x1BFF;
	s19 =	sshll.u32 s3, $0x1;
	s0 =	sadd.s32 s17, s16  }
0x99: {  	s4 =	simm.s32 $0x0;
	s18 =	sshll.u32 s2, $0x1;
	s2 =	sadd.s32 s19, s0  }
0x9a: {  	[timem:s4], [sflag:s20] =	dma.local [hbm:s2], s18  }
0x9b: {  	_ =	swait.ge [sflag:s20], s18  }
0x9c: {  	s1 =	ssub.s32 $0x0, s18;
	[sflag:s20] =	ssyncset.done $0x0  }
0x9d: {  	[sflag:s20] =	ssyncadd.s32 s1;
	_ =	sdelay $0x1  }
0x9e: {  	s21 =	simm.s32 $0x1B8B  }
0x9f: {  	_ =	swait.ge [sflag:s21], $0x1  }
0xa0: {  	[sflag:s21] =	ssyncset.done $0x0  }
0xa1: {  	s23 =	simm.s32 $0x1B8E;
	s22 =	sld [smem:$0x3FFE];
	[sflag:s21] =	ssyncadd.s32 $0xFFFFFFFF  }
0xa2: {  	s24 =	simm.s32 $execute0_lowered;
	[smem:$0x3FD2] =	sst s23  }
0xa3: {  	s2 =	sshll.u32 s24, $0x1;
	_ =	strace $0x80000049;
	[dreg:$0x1] =	wrdreg $0xFFFFFFFF  }
0xa4: {  	s25 =	simm.s32 $_size_execute0_lowered;
	s0 =	sadd.s32 s0, s2;
	[dreg:$0x0] =	wrdreg $0x0  }
0xa5: {  	s2 =	sshll.u32 s25, $0x1;
	[dreg:$0x2] =	wrdreg s0  }
0xa6: {  	[dreg:$0x3] =	wrdreg s2  }
0xa7: {  	[dreg:$0x4] =	wrdreg $0xC0  }
0xa8: {  	_ =	task [dreg:s4], $0x5FFFF  }
0xa9: {  	[dreg:$0x1] =	wrdreg $0xFFFFFFFF  }
0xaa: {  	[dreg:$0x0] =	wrdreg $0x60  }
0xab: {  	[dreg:$0x2] =	wrdreg s22  }
0xac: {  	[dreg:$0x3] =	wrdreg $0x9  }
0xad: {  	_ =	task.clear_ibuf [dreg:s4], $0x4FFFF;
	_ =	strace $0x90000049  }
0xae: {  	s26 =	simm.s32 $0x9;
	_ =	strace $0x8000004B  }
0xaf: {  	_ =	swait.ge [sflag:s26], $0x1  }
0xb0: {  	[sflag:s26] =	ssyncadd.s32 $0xFFFFFFFF  }
0xb1: {  	_ =	strace $0x9000004B  }
0xb2: {  	_ =	sfence  }
0xb3: {  	s28 =	sld [smem:$0x0];
	_ =	sdelay $0x1  }
0xb4: {  	s29 =	srdreg.scid  }
0xb5: {  	s30 =	sshll.u32 s29, $0xD;
	s31 =	sshrl.u32 s29, $0x2  }
0xb6: {  	s1 =	sand.u32 $0x1, s29;
	s2 =	sand.u32 $0x4000, s30;
	s0 =	sadd.s32 s31, s28  }
0xb7: {  	s1 =	sor.u32 s2, s1;
	s0 =	sshll.u32 s0, $0x11  }
0xb8: {  	s0 =	sor.u32 s0, s1  }
0xb9: {  	s0 =	sadd.s32 $0x8F2B, s0  }
0xba: {  	[sflag:s0] =	ssyncadd.remote.s32 $0x1  }
0xbb: {  	_ =	sfence.sel $0xFFFF  }
0xbc: {  	[dreg:$0x0] =	wrdreg $0xFFFFFFFF;
	(pc) =	sbr.abs _section_cstart, $3  }
0xbd: {  	[dreg:$0x1] =	wrdreg $0xFFFFFFFF  }
0xbe: {  	_ =	task.clear_ibuf [dreg:s4], $0x2FFFF;
	_ =	strace $0x9FFFFFFF  }
0xbf: {  	(tm) =	ssettm $0x7FFFFFFF  }
tec
execute0_lowered:
.L_overlay_start_1:
0x0: {  	(tag) =	ssettag $0x1  }
0x1: {  	s5 =	rddreg [dreg:$0x0]  }
0x2: {  	s0 =	rddreg [dreg:$0x1];
	_ =	strace $0x8000004A;
	s6 =	stileid.u32  }
0x3: {  	s3 =	simm.s32 $0x3E;
	s1 =	sadd.s32 $0xC00, s5;
	p0 =	sne.s32 s6, $0x0  }
0x4: {  	[sflag:s3] =	ssyncpa.u1 $0x0;
	s4 =	simm.s32 @!p0 $0x1C3E;
	s2 =	simm.s32 @!p0 $0x0  }
0x5: {  	[spmem:s2], [sflag:s4] =	dma.local @!p0 [hbm:s1], $0x80  }
0x6: {  	s4 =	simm.s32 @!p0 $0x3E  }
0x7: {  	_ =	swait.ge @!p0 [sflag:s4], $0x80  }
0x8: {  	[sflag:s4] =	ssyncset.done @!p0 $0x0  }
0x9: {  	s9 =	simm.s32 $0x140;
	[sflag:s4] =	ssyncadd.s32 @!p0 $0xFFFFFF80  }
0xa: {  	s7 =	sadd.s32 $0x800, s5;
	s8 =	sadd.s32 $0xA00, s5;
	[bflag:$0x0] =	sbarrier.arrive $0xFFFF  }
0xb: {  	s6 =	sshll.u32 s6, $0x5;
	[sflag:s3] =	ssyncpa.u1 $0x1;
	s3 =	simm.s32 $0x1  }
0xc: {  	s5 =	simm.s32 $0x0;
	s4 =	simm.s32 $0x2;
	[sflag:s3] =	ssyncpa.u1 $0x0  }
0xd: {  	s7 =	sadd.s32 s7, s6;
	(ifvalue) =	ssetifvalue $0x400;
	[sflag:s4] =	ssyncpa.u1 $0x0  }
0xe: {  	[tilespmem:s9], [sflag:$0x2] =	stream.linear.gather [hbm4b:s7+s5], $0x100, $0x38;
	[tilespmem:$0x440] =	vst v63  }
0xf: {  	s23 =	simm.s32 $0x340;
	s6 =	sadd.s32 s8, s6  }
0x10: {  	[tilespmem:s23], [sflag:$0x2] =	stream.linear.gather [hbm4b:s6+s5], $0x100, $0x38;
	[tilespmem:$0x440] =	vst v63  }
0x11: {  	_ =	swait.ge [sflag:s4], $0x200  }
0x12: {  	[sflag:s4] =	ssyncset.done $0x0  }
0x13: {  	[sflag:s4] =	ssyncadd.s32 $0xFFFFFE00  }
0x14: {  	v0 =	vld.msk [tilespmem:s9+$0x0 ss:$0x1], $0xffff;
	_ =	sdelay $0x4  }
0x15: {  	v0 =	vmin.u32 v0, $0x400;
	_ =	sdelay $0x3  }
0x16: {  	vm0 =	vmmov $0xffff;
	s24 =	simm.s32 $0x150  }
0x17: {  	[spmem:s5] =	stream.indirect_vreg.scatter.add.s32 [tilespmem:s23], [sflag:$0x1], $0x1, v0, vm0, $0x4038;
	[tilespmem:$0x440] =	vst v63  }
0x18: {  	v0 =	vld.msk [tilespmem:s24+$0x0 ss:$0x1], $0xffff;
	_ =	sdelay $0x4  }
0x19: {  	v0 =	vmin.u32 v0, $0x400;
	_ =	sdelay $0x3  }
0x1a: {  	s25 =	simm.s32 $0x350;
	s26 =	simm.s32 $0x160  }
0x1b: {  	[spmem:s5] =	stream.indirect_vreg.scatter.add.s32 [tilespmem:s25], [sflag:$0x1], $0x1, v0, vm0, $0x4038;
	[tilespmem:$0x440] =	vst v63  }
0x1c: {  	v0 =	vld.msk [tilespmem:s26+$0x0 ss:$0x1], $0xffff;
	_ =	sdelay $0x4  }
0x1d: {  	v0 =	vmin.u32 v0, $0x400;
	_ =	sdelay $0x3  }
0x1e: {  	s28 =	simm.s32 $0x360;
	s29 =	simm.s32 $0x170  }
0x1f: {  	[spmem:s5] =	stream.indirect_vreg.scatter.add.s32 [tilespmem:s28], [sflag:$0x1], $0x1, v0, vm0, $0x4038;
	[tilespmem:$0x440] =	vst v63  }
0x20: {  	v0 =	vld.msk [tilespmem:s29+$0x0 ss:$0x1], $0xffff;
	_ =	sdelay $0x4  }
0x21: {  	v0 =	vmin.u32 v0, $0x400;
	_ =	sdelay $0x3  }
0x22: {  	s30 =	simm.s32 $0x370;
	s31 =	simm.s32 $0x180  }
0x23: {  	[spmem:s5] =	stream.indirect_vreg.scatter.add.s32 [tilespmem:s30], [sflag:$0x1], $0x1, v0, vm0, $0x4038;
	[tilespmem:$0x440] =	vst v63  }
0x24: {  	v0 =	vld.msk [tilespmem:s31+$0x0 ss:$0x1], $0xffff;
	_ =	sdelay $0x4  }
0x25: {  	v0 =	vmin.u32 v0, $0x400;
	_ =	sdelay $0x3  }
0x26: {  	s8 =	simm.s32 $0x190;
	s7 =	simm.s32 $0x380  }
0x27: {  	[spmem:s5] =	stream.indirect_vreg.scatter.add.s32 [tilespmem:s7], [sflag:$0x1], $0x1, v0, vm0, $0x4038;
	[tilespmem:$0x440] =	vst v63  }
0x28: {  	v0 =	vld.msk [tilespmem:s8+$0x0 ss:$0x1], $0xffff;
	_ =	sdelay $0x4  }
0x29: {  	v0 =	vmin.u32 v0, $0x400;
	_ =	sdelay $0x3  }
0x2a: {  	s10 =	simm.s32 $0x1A0;
	s9 =	simm.s32 $0x390  }
0x2b: {  	[spmem:s5] =	stream.indirect_vreg.scatter.add.s32 [tilespmem:s9], [sflag:$0x1], $0x1, v0, vm0, $0x4038;
	[tilespmem:$0x440] =	vst v63  }
0x2c: {  	v0 =	vld.msk [tilespmem:s10+$0x0 ss:$0x1], $0xffff;
	_ =	sdelay $0x4  }
0x2d: {  	v0 =	vmin.u32 v0, $0x400;
	_ =	sdelay $0x3  }
0x2e: {  	s11 =	simm.s32 $0x3A0;
	s12 =	simm.s32 $0x1B0  }
0x2f: {  	[spmem:s5] =	stream.indirect_vreg.scatter.add.s32 [tilespmem:s11], [sflag:$0x1], $0x1, v0, vm0, $0x4038;
	[tilespmem:$0x440] =	vst v63  }
0x30: {  	v0 =	vld.msk [tilespmem:s12+$0x0 ss:$0x1], $0xffff;
	_ =	sdelay $0x4  }
0x31: {  	v0 =	vmin.u32 v0, $0x400;
	_ =	sdelay $0x3  }
0x32: {  	s13 =	simm.s32 $0x3B0;
	s14 =	simm.s32 $0x1C0  }
0x33: {  	[spmem:s5] =	stream.indirect_vreg.scatter.add.s32 [tilespmem:s13], [sflag:$0x1], $0x1, v0, vm0, $0x4038;
	[tilespmem:$0x440] =	vst v63  }
0x34: {  	v0 =	vld.msk [tilespmem:s14+$0x0 ss:$0x1], $0xffff;
	_ =	sdelay $0x4  }
0x35: {  	v0 =	vmin.u32 v0, $0x400;
	_ =	sdelay $0x3  }
0x36: {  	s15 =	simm.s32 $0x3C0;
	s16 =	simm.s32 $0x1D0  }
0x37: {  	[spmem:s5] =	stream.indirect_vreg.scatter.add.s32 [tilespmem:s15], [sflag:$0x1], $0x1, v0, vm0, $0x4038;
	[tilespmem:$0x440] =	vst v63  }
0x38: {  	v0 =	vld.msk [tilespmem:s16+$0x0 ss:$0x1], $0xffff;
	_ =	sdelay $0x4  }
0x39: {  	v0 =	vmin.u32 v0, $0x400;
	_ =	sdelay $0x3  }
0x3a: {  	s17 =	simm.s32 $0x3D0;
	s18 =	simm.s32 $0x1E0  }
0x3b: {  	[spmem:s5] =	stream.indirect_vreg.scatter.add.s32 [tilespmem:s17], [sflag:$0x1], $0x1, v0, vm0, $0x4038;
	[tilespmem:$0x440] =	vst v63  }
0x3c: {  	v0 =	vld.msk [tilespmem:s18+$0x0 ss:$0x1], $0xffff;
	_ =	sdelay $0x4  }
0x3d: {  	v0 =	vmin.u32 v0, $0x400;
	_ =	sdelay $0x3  }
0x3e: {  	s19 =	simm.s32 $0x3E0;
	s20 =	simm.s32 $0x1F0  }
0x3f: {  	[spmem:s5] =	stream.indirect_vreg.scatter.add.s32 [tilespmem:s19], [sflag:$0x1], $0x1, v0, vm0, $0x4038;
	[tilespmem:$0x440] =	vst v63  }
0x40: {  	v0 =	vld.msk [tilespmem:s20+$0x0 ss:$0x1], $0xffff;
	_ =	sdelay $0x4  }
0x41: {  	v0 =	vmin.u32 v0, $0x400;
	_ =	sdelay $0x3  }
0x42: {  	s21 =	simm.s32 $0x3F0;
	s22 =	simm.s32 $0x200  }
0x43: {  	[spmem:s5] =	stream.indirect_vreg.scatter.add.s32 [tilespmem:s21], [sflag:$0x1], $0x1, v0, vm0, $0x4038;
	[tilespmem:$0x440] =	vst v63  }
0x44: {  	v0 =	vld.msk [tilespmem:s22+$0x0 ss:$0x1], $0xffff;
	_ =	sdelay $0x4  }
0x45: {  	v0 =	vmin.u32 v0, $0x400;
	_ =	sdelay $0x3  }
0x46: {  	s23 =	simm.s32 $0x400;
	s24 =	simm.s32 $0x210  }
0x47: {  	[spmem:s5] =	stream.indirect_vreg.scatter.add.s32 [tilespmem:s23], [sflag:$0x1], $0x1, v0, vm0, $0x4038;
	[tilespmem:$0x440] =	vst v63  }
0x48: {  	v0 =	vld.msk [tilespmem:s24+$0x0 ss:$0x1], $0xffff;
	_ =	sdelay $0x4  }
0x49: {  	v0 =	vmin.u32 v0, $0x400;
	_ =	sdelay $0x3  }
0x4a: {  	s25 =	simm.s32 $0x410;
	s26 =	simm.s32 $0x220  }
0x4b: {  	[spmem:s5] =	stream.indirect_vreg.scatter.add.s32 [tilespmem:s25], [sflag:$0x1], $0x1, v0, vm0, $0x4038;
	[tilespmem:$0x440] =	vst v63  }
0x4c: {  	v0 =	vld.msk [tilespmem:s26+$0x0 ss:$0x1], $0xffff;
	_ =	sdelay $0x4  }
0x4d: {  	v0 =	vmin.u32 v0, $0x400;
	_ =	sdelay $0x3  }
0x4e: {  	s28 =	simm.s32 $0x420;
	s29 =	simm.s32 $0x230  }
0x4f: {  	[spmem:s5] =	stream.indirect_vreg.scatter.add.s32 [tilespmem:s28], [sflag:$0x1], $0x1, v0, vm0, $0x4038;
	[tilespmem:$0x440] =	vst v63  }
0x50: {  	v0 =	vld.msk [tilespmem:s29+$0x0 ss:$0x1], $0xffff;
	_ =	sdelay $0x4  }
0x51: {  	v0 =	vmin.u32 v0, $0x400;
	_ =	sdelay $0x3  }
0x52: {  	s30 =	simm.s32 $0x430  }
0x53: {  	[spmem:s5] =	stream.indirect_vreg.scatter.add.s32 [tilespmem:s30], [sflag:$0x1], $0x1, v0, vm0, $0x4038;
	[tilespmem:$0x440] =	vst v63  }
0x54: {  	_ =	swait.ge [sflag:s3], $0x100  }
0x55: {  	[sflag:s3] =	ssyncset.done $0x0  }
0x56: {  	[sflag:s3] =	ssyncadd.s32 $0xFFFFFF00  }
0x57: {  	_ =	sfence.sel $0x180000  }
0x58: {  	[bflag:$0x0] =	sbarrier.arrive $0xFFFF  }
0x59: {  	[sflag:s4] =	ssyncpa.u1 $0x1  }
0x5a: {  	[sflag:s3] =	ssyncpa.u1 $0x1  }
0x5b: {  	_ =	sfence.stream.spmem  }
0x5c: {  	s31 =	simm.s32 $0x3D;
	[bflag:$0x0] =	sbarrier.arrive $0xFFFF  }
0x5d: {  	s3 =	simm.s32 @p0 $0x3D;
	[sflag:s31] =	ssyncpa.u1 $0x0  }
0x5e: {  	[sflag:s3] =	ssyncpa.u1 @p0 $0x1  }
0x5f: {  	[bflag:$0x0] =	sbarrier.arrive @p0 $0xFFFF  }
0x60: {  	_ =	strace @p0 $0x9000004A  }
0x61: {  	s3 =	simm.s32 @!p0 $0x1C3D;
	[bflag:$0x2] =	sbarrier.arrive @p0 $0xFFFF  }
0x62: {  	[hbm:s1], [sflag:s3] =	dma.local @!p0 [spmem:s2], $0x80  }
0x63: {  	s1 =	simm.s32 @!p0 $0x3D  }
0x64: {  	_ =	swait.ge @!p0 [sflag:s1], $0x80  }
0x65: {  	[sflag:s1] =	ssyncset.done @!p0 $0x0  }
0x66: {  	[sflag:s1] =	ssyncadd.s32 @!p0 $0xFFFFFF80  }
0x67: {  	[sflag:s1] =	ssyncpa.u1 @!p0 $0x1  }
0x68: {  	[bflag:$0x0] =	sbarrier.arrive @!p0 $0xFFFF  }
0x69: {  	_ =	strace @!p0 $0x9000004A  }
0x6a: {  	s0 =	sadd.s32 @!p0 $0x100000, s0;
	[bflag:$0x2] =	sbarrier.arrive @!p0 $0xFFFF  }
0x6b: {  	[sflag:s0] =	ssyncadd.tile.s32 @!p0 $0x1;
	_ =	shalt  }
.Lfunc_end2:
_tile_overlayer_lowered:
.L_overlay_start_2:
0x6c: {  	(tag) =	ssettag $0x2  }
0x6d: {  	s0 =	rddreg [dreg:$0x0];
	s2 =	stileid.u32  }
0x6e: {  	s1 =	rddreg [dreg:$0x1];
	p0 =	sne.s32 s2, $0x0  }
0x6f: {  	s3 =	rddreg [dreg:$0x2];
	[bflag:$0x3] =	sbarrier.arrive $0xFFFF;
	s2 =	simm.s32 @!p0 $0x1C01  }
0x70: {  	[timem:s3], [sflag:s2] =	dma.local @!p0 [hbm:s0], s1  }
0x71: {  	s0 =	simm.s32 @!p0 $0x1  }
0x72: {  	_ =	swait.ge @!p0 [sflag:s0], s1  }
0x73: {  	s1 =	ssub.s32 @!p0 $0x0, s1;
	[sflag:s0] =	ssyncset.done @!p0 $0x0  }
0x74: {  	[sflag:s0] =	ssyncadd.s32 @!p0 s1  }
0x75: {  	[bflag:$0x3] =	sbarrier.arrive $0xFFFF  }
0x76: {  	_ =	shalt  }

</sc_bundles>
